<compile_context>
chip_gen: v7x
topology: tpu7x:2x2x1
jax: 0.10.2.dev20260603
libtpu: 0.0.44.dev20260713+nightly
codegen_flags: <defaults>
</compile_context>

<pallas_src>
import functools

import jax
import jax.numpy as jnp
from jax import lax
from jax.experimental import pallas as pl
from jax.experimental.pallas import tpu as pltpu
from jax.experimental.pallas import tpu_sc as plsc

N = 10000
F_IN = 128
H = 256
C = 40
HHALF = H // 2

NC = 2
NS = 16
K = 128

BT = 128
NT = 79 * BT
RPT = NT // NS

_MESH = plsc.VectorSubcoreMesh(
    core_axis_name="c", subcore_axis_name="s", num_cores=NC, num_subcores=NS)



def _deg_body(didx, zeros, ones, out, ones_v, di0, di1, is0, is1, ss, so,
              acc):
    c = lax.axis_index("c")
    s = lax.axis_index("s")
    wid = c * NS + s
    nb = didx.shape[1]
    pltpu.async_copy(ones, ones_v, so).wait()
    pltpu.async_copy(zeros.at[pl.ds(s * RPT, RPT)],
                     acc.at[pl.ds(s * RPT, RPT)], so).wait()
    pltpu.async_copy(didx.at[wid, 0], di0, is0)
    pltpu.async_copy(didx.at[wid, 1], di1, is1)
    plsc.subcore_barrier()

    def pair(b2, carry):
        b = 2 * b2
        for off, di, isem in ((0, di0, is0), (1, di1, is1)):
            pltpu.make_async_copy(didx.at[wid, 0], di, isem).wait()
            for j in range(K // 16):
                iv = di[pl.ds(j * 16, 16)]
                pltpu.async_copy(ones_v, acc.at[iv], ss, add=True)

            @pl.when(b + off + 2 < nb)
            def _():
                pltpu.async_copy(didx.at[wid, b + off + 2], di, isem)

        return carry

    lax.fori_loop(0, nb // 2, pair, 0)
    iv0 = lax.iota(jnp.int32, 16)

    def drain(i, carry):
        pltpu.make_async_copy(ones_v, acc.at[iv0], ss).wait()
        return carry

    lax.fori_loop(0, nb * (K // 16), drain, 0)
    plsc.subcore_barrier()
    pltpu.async_copy(acc.at[pl.ds(s * RPT, RPT)],
                     out.at[c, pl.ds(s * RPT, RPT)], so).wait()


def _agg_body(table, sidx, didx, out, si0, si1, di0, di1, b0, b1, is0, is1,
              gs0, gs1, ss0, ss1, so, acc):
    c = lax.axis_index("c")
    s = lax.axis_index("s")
    nb = sidx.shape[2]
    lanes = ((0, si0, di0, b0, is0, gs0, ss0),
             (1, si1, di1, b1, is1, gs1, ss1))
    pltpu.async_copy(table.at[pl.ds(c * NT + s * RPT, RPT)],
                     acc.at[pl.ds(s * RPT, RPT)], so).wait()
    for off, si, di, bf, isem, gsem, ssem in lanes:
        pltpu.async_copy(sidx.at[c, s, off], si, isem)
        pltpu.async_copy(didx.at[s, off], di, isem)
        pltpu.make_async_copy(sidx.at[c, s, off], si, isem).wait()
        pltpu.make_async_copy(didx.at[s, off], di, isem).wait()
    plsc.subcore_barrier()
    for off, si, di, bf, isem, gsem, ssem in lanes:
        pltpu.async_copy(table.at[si], bf, gsem)

    def pair(b2, carry):
        b = 2 * b2
        for off, si, di, bf, isem, gsem, ssem in lanes:
            pltpu.make_async_copy(table.at[si], bf, gsem).wait()
            for j in range(K // 16):
                iv = di[pl.ds(j * 16, 16)]
                pltpu.async_copy(bf.at[pl.ds(j * 16, 16)], acc.at[iv], ssem,
                                 add=True)

            @pl.when(b + off + 2 < nb)
            def _():
                pltpu.async_copy(sidx.at[c, s, b + off + 2], si, isem)
                pltpu.async_copy(didx.at[s, b + off + 2], di, isem)

        iv0 = lax.iota(jnp.int32, 16)
        for off, si, di, bf, isem, gsem, ssem in lanes:
            for j in range(K // 16):
                pltpu.make_async_copy(bf.at[pl.ds(j * 16, 16)], acc.at[iv0],
                                      ssem).wait()

            @pl.when(b + off + 2 < nb)
            def _():
                pltpu.make_async_copy(sidx.at[c, s, 0], si, isem).wait()
                pltpu.make_async_copy(didx.at[s, 0], di, isem).wait()
                pltpu.async_copy(table.at[si], bf, gsem)

        return carry

    lax.fori_loop(0, nb // 2, pair, 0)
    plsc.subcore_barrier()
    pltpu.async_copy(acc.at[pl.ds(s * RPT, RPT)],
                     out.at[c, pl.ds(s * RPT, RPT)], so).wait()


def _make_deg_call(nbd):
    return pl.kernel(
        _deg_body,
        out_type=jax.ShapeDtypeStruct((NC, NT, HHALF), jnp.float32),
        mesh=_MESH,
        scratch_types=[
            pltpu.VMEM((16, HHALF), jnp.float32),
            pltpu.VMEM((K,), jnp.int32),
            pltpu.VMEM((K,), jnp.int32),
            pltpu.SemaphoreType.DMA,
            pltpu.SemaphoreType.DMA,
            pltpu.SemaphoreType.DMA,
            pltpu.SemaphoreType.DMA,
            pltpu.VMEM_SHARED((NT, HHALF), jnp.float32),
        ],
    )


def _make_agg_call():
    idx = pltpu.VMEM((K,), jnp.int32)
    buf = pltpu.VMEM((K, HHALF), jnp.float32)
    sem = pltpu.SemaphoreType.DMA
    return pl.kernel(
        _agg_body,
        out_type=jax.ShapeDtypeStruct((NC, NT, HHALF), jnp.float32),
        mesh=_MESH,
        scratch_types=[idx, idx, idx, idx, buf, buf,
                       sem, sem, sem, sem, sem, sem, sem,
                       pltpu.VMEM_SHARED((NT, HHALF), jnp.float32)],
    )



def _mm1_body(x_ref, w1_ref, h_ref):
    h_ref[...] = jnp.dot(x_ref[...], w1_ref[...],
                         preferred_element_type=jnp.float32)


def _scale_body(h_ref, deg_ref, hs_ref, dinv_ref):
    deg = deg_ref[0] + deg_ref[1]
    dinv = lax.rsqrt(deg[:, :1] + 1.0)
    hs = h_ref[...] * dinv
    hs_ref[0] = hs[:, :HHALF]
    hs_ref[1] = hs[:, HHALF:]
    dinv_ref[...] = dinv * jnp.ones((1, 16), jnp.float32)


def _bn_relu(S_ref, dinv_ref, b_ref, g_ref, be_ref, rm_ref, rv_ref):
    dinv = dinv_ref[:, :1]
    agg = jnp.concatenate([S_ref[0], S_ref[1]], axis=1) * dinv + b_ref[...]
    scale = g_ref[...] * lax.rsqrt(rv_ref[...] + 1e-5)
    v = (agg - rm_ref[...]) * scale + be_ref[...]
    return jnp.maximum(v, 0.0), dinv


def _mid_body(S_ref, dinv_ref, w2_ref, b_ref, g_ref, be_ref, rm_ref, rv_ref,
              hs_ref):
    v, dinv = _bn_relu(S_ref, dinv_ref, b_ref, g_ref, be_ref, rm_ref, rv_ref)
    h2 = jnp.dot(v, w2_ref[...], preferred_element_type=jnp.float32)
    hs = h2 * dinv
    hs_ref[0] = hs[:, :HHALF]
    hs_ref[1] = hs[:, HHALF:]


def _fin_body(S_ref, dinv_ref, w3_ref, b_ref, g_ref, be_ref, rm_ref, rv_ref,
              b3_ref, out_ref):
    v, _ = _bn_relu(S_ref, dinv_ref, b_ref, g_ref, be_ref, rm_ref, rv_ref)
    out_ref[...] = (jnp.dot(v, w3_ref[...], preferred_element_type=jnp.float32)
                    + b3_ref[...])


_GRID = NT // BT

_row_spec = pl.BlockSpec((BT, F_IN), lambda i: (i, 0))
_S_spec = pl.BlockSpec((NC, BT, HHALF), lambda i: (0, i, 0))
_deg_spec = pl.BlockSpec((NC, BT, HHALF), lambda i: (0, i, 0))
_dinv_spec = pl.BlockSpec((BT, 16), lambda i: (i, 0))
_vecH_spec = pl.BlockSpec((1, H), lambda i: (0, 0))


def _mm1_call(x, W1):
    return pl.pallas_call(
        _mm1_body,
        grid=(_GRID,),
        in_specs=[_row_spec, pl.BlockSpec((F_IN, H), lambda i: (0, 0))],
        out_specs=pl.BlockSpec((BT, H), lambda i: (i, 0)),
        out_shape=jax.ShapeDtypeStruct((NT, H), jnp.float32),
    )(x, W1)


def _scale_call(h1, deg2):
    return pl.pallas_call(
        _scale_body,
        grid=(_GRID,),
        in_specs=[pl.BlockSpec((BT, H), lambda i: (i, 0)), _deg_spec],
        out_specs=[pl.BlockSpec((NC, BT, HHALF), lambda i: (0, i, 0)),
                   _dinv_spec],
        out_shape=[jax.ShapeDtypeStruct((NC, NT, HHALF), jnp.float32),
                   jax.ShapeDtypeStruct((NT, 16), jnp.float32)],
    )(h1, deg2)


def _mid_call(S1, dinv, W2, b, g, be, rm, rv):
    return pl.pallas_call(
        _mid_body,
        grid=(_GRID,),
        in_specs=[_S_spec, _dinv_spec,
                  pl.BlockSpec((H, H), lambda i: (0, 0)),
                  _vecH_spec, _vecH_spec, _vecH_spec, _vecH_spec, _vecH_spec],
        out_specs=pl.BlockSpec((NC, BT, HHALF), lambda i: (0, i, 0)),
        out_shape=jax.ShapeDtypeStruct((NC, NT, HHALF), jnp.float32),
    )(S1, dinv, W2, b, g, be, rm, rv)


def _fin_call(S2, dinv, W3, b, g, be, rm, rv, b3):
    return pl.pallas_call(
        _fin_body,
        grid=(_GRID,),
        in_specs=[_S_spec, _dinv_spec,
                  pl.BlockSpec((H, C), lambda i: (0, 0)),
                  _vecH_spec, _vecH_spec, _vecH_spec, _vecH_spec, _vecH_spec,
                  pl.BlockSpec((1, C), lambda i: (0, 0))],
        out_specs=pl.BlockSpec((BT, C), lambda i: (i, 0)),
        out_shape=jax.ShapeDtypeStruct((N, C), jnp.float32),
    )(S2, dinv, W3, b, g, be, rm, rv, b3)



def _ceil_to(a, m):
    return -(-a // m) * m


def kernel(x, edge_index, W1, b1, g1, be1, rm1, rv1, W2, b2, g2, be2, rm2,
           rv2, W3, b3):
    src = edge_index[0].astype(jnp.int32)
    dst = edge_index[1].astype(jnp.int32)
    E = src.shape[0]

    epd = _ceil_to(E, NC * NS * K * 2)
    nbd = epd // (NC * NS * K)
    didx_deg = jnp.concatenate(
        [dst, jnp.full((epd - E,), N, jnp.int32)]).reshape(NC * NS, nbd, K)

    epa = _ceil_to(E, NS * K * 2)
    nba = epa // (NS * K)
    srcp = jnp.concatenate(
        [src, jnp.zeros((epa - E,), jnp.int32)]).reshape(NS, nba, K)
    sidx = jnp.stack([srcp, srcp + NT])
    didx = jnp.concatenate(
        [dst, jnp.full((epa - E,), N, jnp.int32)]).reshape(NS, nba, K)

    zeros16 = jnp.zeros((NT, HHALF), jnp.float32)
    ones16 = jnp.ones((16, HHALF), jnp.float32)

    deg2 = _make_deg_call(nbd)(didx_deg, zeros16, ones16)
    h1 = _mm1_call(x, W1)
    hs1, dinv = _scale_call(h1, deg2)
    agg = _make_agg_call()
    S1 = agg(hs1.reshape(NC * NT, HHALF), sidx, didx)
    hs2 = _mid_call(S1, dinv, W2, b1.reshape(1, H), g1.reshape(1, H),
                    be1.reshape(1, H), rm1.reshape(1, H), rv1.reshape(1, H))
    S2 = agg(hs2.reshape(NC * NT, HHALF), sidx, didx)
    out = _fin_call(S2, dinv, W3, b2.reshape(1, H), g2.reshape(1, H),
                    be2.reshape(1, H), rm2.reshape(1, H), rv2.reshape(1, H),
                    b3.reshape(1, C))
    return out

# --- scband reference (transcript-rebuilt; emitter-appended) ---
"""Pipeline reference for scband-gnnmodel-65085934403847 (READ-ONLY COPY).

The authoritative reference and input builder live on the scoring server;
editing this copy changes nothing except your own understanding.
"""

import jax, jax.numpy as jnp
import numpy as np

N = 10000
E = 320000
F_IN = 128
H = 256
C = 40


def setup_inputs(seed: int = 0) -> dict:
    key = jax.random.key(seed)
    ks = jax.random.split(key, 8)
    x = jax.random.normal(ks[0], (N, F_IN), dtype=jnp.float32)
    edge_index = jax.random.randint(ks[1], (2, E), 0, N)
    W1 = jax.random.normal(ks[2], (F_IN, H), dtype=jnp.float32) * (1.0 / np.sqrt(F_IN))
    b1 = jnp.zeros((H,), dtype=jnp.float32)
    g1 = jnp.ones((H,), dtype=jnp.float32)
    be1 = jnp.zeros((H,), dtype=jnp.float32)
    rm1 = jnp.zeros((H,), dtype=jnp.float32)
    rv1 = jnp.ones((H,), dtype=jnp.float32)
    W2 = jax.random.normal(ks[3], (H, H), dtype=jnp.float32) * (1.0 / np.sqrt(H))
    b2 = jnp.zeros((H,), dtype=jnp.float32)
    g2 = jnp.ones((H,), dtype=jnp.float32)
    be2 = jnp.zeros((H,), dtype=jnp.float32)
    rm2 = jnp.zeros((H,), dtype=jnp.float32)
    rv2 = jnp.ones((H,), dtype=jnp.float32)
    W3 = jax.random.normal(ks[4], (H, C), dtype=jnp.float32) * (1.0 / np.sqrt(H))
    b3 = jnp.zeros((C,), dtype=jnp.float32)
    return {"x": x, "edge_index": edge_index, "W1": W1, "b1": b1, "g1": g1, "be1": be1,
            "rm1": rm1, "rv1": rv1, "W2": W2, "b2": b2, "g2": g2, "be2": be2,
            "rm2": rm2, "rv2": rv2, "W3": W3, "b3": b3}


def _gcn_norm(edge_index, n):
    src = edge_index[0]
    dst = edge_index[1]
    loop = jnp.arange(n, dtype=src.dtype)
    src = jnp.concatenate([src, loop])
    dst = jnp.concatenate([dst, loop])
    deg = jax.ops.segment_sum(jnp.ones_like(src, dtype=jnp.float32), dst, num_segments=n)
    dinv = jnp.where(deg > 0, 1.0 / jnp.sqrt(deg), 0.0)
    norm = dinv[src] * dinv[dst]
    return src, dst, norm


def _gcn_conv(x, W, b, src, dst, norm, n):
    h = x @ W
    msg = jnp.take(h, src, axis=0) * norm[:, None]
    agg = jax.ops.segment_sum(msg, dst, num_segments=n)
    return agg + b


def _bn_eval(x, gamma, beta, rm, rv, eps=1e-5):
    return (x - rm) / jnp.sqrt(rv + eps) * gamma + beta


def reference(x, edge_index, W1, b1, g1, be1, rm1, rv1, W2, b2, g2, be2, rm2, rv2, W3, b3):
    src, dst, norm = _gcn_norm(edge_index, N)
    h = _gcn_conv(x, W1, b1, src, dst, norm, N)
    h = _bn_eval(h, g1, be1, rm1, rv1)
    h = jax.nn.relu(h)
    # dropout is identity in eval mode
    h = _gcn_conv(h, W2, b2, src, dst, norm, N)
    h = _bn_eval(h, g2, be2, rm2, rv2)
    h = jax.nn.relu(h)
    out = h @ W3 + b3
    return out

if __name__ == "__main__":
    import jax
    _d = setup_inputs()
    print(jax.jit(kernel)(*tuple(_d.values())))

</pallas_src>

<mosaic_0001>
#map = affine_map<(d0, d1) -> (0, 0)>
#map1 = affine_map<(d0, d1) -> (0, 0, 0, 0)>
#map2 = affine_map<(d0, d1) -> (0, 0, 0)>
module attributes {stable_mosaic.version = 14 : i64} {
  func.func @_agg_body(%arg0: i32, %arg1: i32, %arg2: memref<20224x128xf32, #tpu.memory_space<hbm>>, %arg3: memref<2x16x158x128xi32, #tpu.memory_space<hbm>>, %arg4: memref<16x158x128xi32, #tpu.memory_space<hbm>>, %arg5: memref<2x10112x128xf32, #tpu.memory_space<hbm>>, %arg6: memref<128xi32, #tpu.memory_space<vmem>>, %arg7: memref<128xi32, #tpu.memory_space<vmem>>, %arg8: memref<128xi32, #tpu.memory_space<vmem>>, %arg9: memref<128xi32, #tpu.memory_space<vmem>>, %arg10: memref<128x128xf32, #tpu.memory_space<vmem>>, %arg11: memref<128x128xf32, #tpu.memory_space<vmem>>, %arg12: memref<!tpu.dma_semaphore, #tpu.memory_space<semaphore_mem>>, %arg13: memref<!tpu.dma_semaphore, #tpu.memory_space<semaphore_mem>>, %arg14: memref<!tpu.dma_semaphore, #tpu.memory_space<semaphore_mem>>, %arg15: memref<!tpu.dma_semaphore, #tpu.memory_space<semaphore_mem>>, %arg16: memref<!tpu.dma_semaphore, #tpu.memory_space<semaphore_mem>>, %arg17: memref<!tpu.dma_semaphore, #tpu.memory_space<semaphore_mem>>, %arg18: memref<!tpu.dma_semaphore, #tpu.memory_space<semaphore_mem>>, %arg19: memref<10112x128xf32, #tpu.memory_space<vmem_shared>>) attributes {dimension_semantics = [#tpu.dimension_semantics<core_parallel>, #tpu.dimension_semantics<subcore_parallel>], iteration_bounds = array<i64: 2, 16>, scalar_prefetch = 0 : i64, scratch_operands = 14 : i64, tpu.core_type = #tpu.core_type<sc_vector_subcore>, window_params = [{transform_indices = #map}, {transform_indices = #map1}, {transform_indices = #map2}, {transform_indices = #map2}]} {
    %mul3A = arith.constant 10112 : i32
    %mul3A_0 = arith.muli %arg0, %mul3A : i32
    %mul3A_1 = arith.constant 632 : i32
    %mul3A_2 = arith.muli %arg1, %mul3A_1 : i32
    %add3A = arith.addi %mul3A_0, %mul3A_2 : i32
    %mul3A_3 = arith.constant 632 : i32
    %mul3A_4 = arith.muli %arg1, %mul3A_3 : i32
    %dma_start3A = arith.constant 0 : i32
    %dma_start3A_5 = tpu.memref_slice %arg19[%mul3A_4, %dma_start3A] : memref<10112x128xf32, #tpu.memory_space<vmem_shared>> -> memref<632x128xf32, #tpu.memory_space<vmem_shared>>
    %dma_start3A_6 = arith.constant 0 : i32
    %dma_start3A_7 = tpu.memref_slice %arg2[%add3A, %dma_start3A_6] : memref<20224x128xf32, #tpu.memory_space<hbm>> -> memref<632x128xf32, #tpu.memory_space<hbm>>
    tpu.enqueue_dma source(%dma_start3A_7 : memref<632x128xf32, #tpu.memory_space<hbm>>) target(%dma_start3A_5 : memref<632x128xf32, #tpu.memory_space<vmem_shared>>) target_semaphore(%arg18 : memref<!tpu.dma_semaphore, #tpu.memory_space<semaphore_mem>>)
    %dma_wait3A = arith.constant 0 : i32
    %dma_wait3A_8 = tpu.memref_slice %arg19[%mul3A_4, %dma_wait3A] : memref<10112x128xf32, #tpu.memory_space<vmem_shared>> -> memref<632x128xf32, #tpu.memory_space<vmem_shared>>
    %dma_wait3A_9 = arith.constant 0 : i32
    %dma_wait3A_10 = tpu.memref_slice %arg2[%add3A, %dma_wait3A_9] : memref<20224x128xf32, #tpu.memory_space<hbm>> -> memref<632x128xf32, #tpu.memory_space<hbm>>
    tpu.wait_dma2 semaphore(%arg18 : memref<!tpu.dma_semaphore, #tpu.memory_space<semaphore_mem>>) src(%dma_wait3A_10 : memref<632x128xf32, #tpu.memory_space<hbm>>) dst(%dma_wait3A_8 : memref<632x128xf32, #tpu.memory_space<vmem_shared>>)
    %dma_start3A_11 = arith.constant 0 : i32
    %dma_start3A_12 = arith.constant 0 : i32
    %dma_start3A_13 = tpu.memref_slice %arg3[%arg0, %arg1, %dma_start3A_11, %dma_start3A_12] : memref<2x16x158x128xi32, #tpu.memory_space<hbm>> -> memref<1x1x1x128xi32, #tpu.memory_space<hbm>>
    %dma_start3A_14 = tpu.memref_squeeze %dma_start3A_13 : memref<1x1x1x128xi32, #tpu.memory_space<hbm>> -> memref<128xi32, #tpu.memory_space<hbm>>
    %dma_start3A_15 = arith.constant 0 : i32
    %dma_start3A_16 = tpu.memref_slice %arg3[%arg0, %arg1, %dma_start3A_11, %dma_start3A_15] : memref<2x16x158x128xi32, #tpu.memory_space<hbm>> -> memref<1x1x1x128xi32, #tpu.memory_space<hbm>>
    %dma_start3A_17 = tpu.memref_squeeze %dma_start3A_16 : memref<1x1x1x128xi32, #tpu.memory_space<hbm>> -> memref<128xi32, #tpu.memory_space<hbm>>
    tpu.enqueue_dma source(%dma_start3A_17 : memref<128xi32, #tpu.memory_space<hbm>>) target(%arg6 : memref<128xi32, #tpu.memory_space<vmem>>) target_semaphore(%arg12 : memref<!tpu.dma_semaphore, #tpu.memory_space<semaphore_mem>>)
    %dma_start3A_18 = arith.constant 0 : i32
    %dma_start3A_19 = arith.constant 0 : i32
    %dma_start3A_20 = tpu.memref_slice %arg4[%arg1, %dma_start3A_18, %dma_start3A_19] : memref<16x158x128xi32, #tpu.memory_space<hbm>> -> memref<1x1x128xi32, #tpu.memory_space<hbm>>
    %dma_start3A_21 = tpu.memref_squeeze %dma_start3A_20 : memref<1x1x128xi32, #tpu.memory_space<hbm>> -> memref<128xi32, #tpu.memory_space<hbm>>
    %dma_start3A_22 = arith.constant 0 : i32
    %dma_start3A_23 = tpu.memref_slice %arg4[%arg1, %dma_start3A_18, %dma_start3A_22] : memref<16x158x128xi32, #tpu.memory_space<hbm>> -> memref<1x1x128xi32, #tpu.memory_space<hbm>>
    %dma_start3A_24 = tpu.memref_squeeze %dma_start3A_23 : memref<1x1x128xi32, #tpu.memory_space<hbm>> -> memref<128xi32, #tpu.memory_space<hbm>>
    tpu.enqueue_dma source(%dma_start3A_24 : memref<128xi32, #tpu.memory_space<hbm>>) target(%arg8 : memref<128xi32, #tpu.memory_space<vmem>>) target_semaphore(%arg12 : memref<!tpu.dma_semaphore, #tpu.memory_space<semaphore_mem>>)
    %dma_wait3A_25 = arith.constant 0 : i32
    %dma_wait3A_26 = arith.constant 0 : i32
    %dma_wait3A_27 = tpu.memref_slice %arg3[%arg0, %arg1, %dma_wait3A_25, %dma_wait3A_26] : memref<2x16x158x128xi32, #tpu.memory_space<hbm>> -> memref<1x1x1x128xi32, #tpu.memory_space<hbm>>
    %dma_wait3A_28 = tpu.memref_squeeze %dma_wait3A_27 : memref<1x1x1x128xi32, #tpu.memory_space<hbm>> -> memref<128xi32, #tpu.memory_space<hbm>>
    %dma_wait3A_29 = arith.constant 0 : i32
    %dma_wait3A_30 = tpu.memref_slice %arg3[%arg0, %arg1, %dma_wait3A_25, %dma_wait3A_29] : memref<2x16x158x128xi32, #tpu.memory_space<hbm>> -> memref<1x1x1x128xi32, #tpu.memory_space<hbm>>
    %dma_wait3A_31 = tpu.memref_squeeze %dma_wait3A_30 : memref<1x1x1x128xi32, #tpu.memory_space<hbm>> -> memref<128xi32, #tpu.memory_space<hbm>>
    tpu.wait_dma2 semaphore(%arg12 : memref<!tpu.dma_semaphore, #tpu.memory_space<semaphore_mem>>) src(%dma_wait3A_31 : memref<128xi32, #tpu.memory_space<hbm>>) dst(%arg6 : memref<128xi32, #tpu.memory_space<vmem>>)
    %dma_wait3A_32 = arith.constant 0 : i32
    %dma_wait3A_33 = arith.constant 0 : i32
    %dma_wait3A_34 = tpu.memref_slice %arg4[%arg1, %dma_wait3A_32, %dma_wait3A_33] : memref<16x158x128xi32, #tpu.memory_space<hbm>> -> memref<1x1x128xi32, #tpu.memory_space<hbm>>
    %dma_wait3A_35 = tpu.memref_squeeze %dma_wait3A_34 : memref<1x1x128xi32, #tpu.memory_space<hbm>> -> memref<128xi32, #tpu.memory_space<hbm>>
    %dma_wait3A_36 = arith.constant 0 : i32
    %dma_wait3A_37 = tpu.memref_slice %arg4[%arg1, %dma_wait3A_32, %dma_wait3A_36] : memref<16x158x128xi32, #tpu.memory_space<hbm>> -> memref<1x1x128xi32, #tpu.memory_space<hbm>>
    %dma_wait3A_38 = tpu.memref_squeeze %dma_wait3A_37 : memref<1x1x128xi32, #tpu.memory_space<hbm>> -> memref<128xi32, #tpu.memory_space<hbm>>
    tpu.wait_dma2 semaphore(%arg12 : memref<!tpu.dma_semaphore, #tpu.memory_space<semaphore_mem>>) src(%dma_wait3A_38 : memref<128xi32, #tpu.memory_space<hbm>>) dst(%arg8 : memref<128xi32, #tpu.memory_space<vmem>>)
    %dma_start3A_39 = arith.constant 1 : i32
    %dma_start3A_40 = arith.constant 0 : i32
    %dma_start3A_41 = tpu.memref_slice %arg3[%arg0, %arg1, %dma_start3A_39, %dma_start3A_40] : memref<2x16x158x128xi32, #tpu.memory_space<hbm>> -> memref<1x1x1x128xi32, #tpu.memory_space<hbm>>
    %dma_start3A_42 = tpu.memref_squeeze %dma_start3A_41 : memref<1x1x1x128xi32, #tpu.memory_space<hbm>> -> memref<128xi32, #tpu.memory_space<hbm>>
    %dma_start3A_43 = arith.constant 0 : i32
    %dma_start3A_44 = tpu.memref_slice %arg3[%arg0, %arg1, %dma_start3A_39, %dma_start3A_43] : memref<2x16x158x128xi32, #tpu.memory_space<hbm>> -> memref<1x1x1x128xi32, #tpu.memory_space<hbm>>
    %dma_start3A_45 = tpu.memref_squeeze %dma_start3A_44 : memref<1x1x1x128xi32, #tpu.memory_space<hbm>> -> memref<128xi32, #tpu.memory_space<hbm>>
    tpu.enqueue_dma source(%dma_start3A_45 : memref<128xi32, #tpu.memory_space<hbm>>) target(%arg7 : memref<128xi32, #tpu.memory_space<vmem>>) target_semaphore(%arg13 : memref<!tpu.dma_semaphore, #tpu.memory_space<semaphore_mem>>)
    %dma_start3A_46 = arith.constant 1 : i32
    %dma_start3A_47 = arith.constant 0 : i32
    %dma_start3A_48 = tpu.memref_slice %arg4[%arg1, %dma_start3A_46, %dma_start3A_47] : memref<16x158x128xi32, #tpu.memory_space<hbm>> -> memref<1x1x128xi32, #tpu.memory_space<hbm>>
    %dma_start3A_49 = tpu.memref_squeeze %dma_start3A_48 : memref<1x1x128xi32, #tpu.memory_space<hbm>> -> memref<128xi32, #tpu.memory_space<hbm>>
    %dma_start3A_50 = arith.constant 0 : i32
    %dma_start3A_51 = tpu.memref_slice %arg4[%arg1, %dma_start3A_46, %dma_start3A_50] : memref<16x158x128xi32, #tpu.memory_space<hbm>> -> memref<1x1x128xi32, #tpu.memory_space<hbm>>
    %dma_start3A_52 = tpu.memref_squeeze %dma_start3A_51 : memref<1x1x128xi32, #tpu.memory_space<hbm>> -> memref<128xi32, #tpu.memory_space<hbm>>
    tpu.enqueue_dma source(%dma_start3A_52 : memref<128xi32, #tpu.memory_space<hbm>>) target(%arg9 : memref<128xi32, #tpu.memory_space<vmem>>) target_semaphore(%arg13 : memref<!tpu.dma_semaphore, #tpu.memory_space<semaphore_mem>>)
    %dma_wait3A_53 = arith.constant 1 : i32
    %dma_wait3A_54 = arith.constant 0 : i32
    %dma_wait3A_55 = tpu.memref_slice %arg3[%arg0, %arg1, %dma_wait3A_53, %dma_wait3A_54] : memref<2x16x158x128xi32, #tpu.memory_space<hbm>> -> memref<1x1x1x128xi32, #tpu.memory_space<hbm>>
    %dma_wait3A_56 = tpu.memref_squeeze %dma_wait3A_55 : memref<1x1x1x128xi32, #tpu.memory_space<hbm>> -> memref<128xi32, #tpu.memory_space<hbm>>
    %dma_wait3A_57 = arith.constant 0 : i32
    %dma_wait3A_58 = tpu.memref_slice %arg3[%arg0, %arg1, %dma_wait3A_53, %dma_wait3A_57] : memref<2x16x158x128xi32, #tpu.memory_space<hbm>> -> memref<1x1x1x128xi32, #tpu.memory_space<hbm>>
    %dma_wait3A_59 = tpu.memref_squeeze %dma_wait3A_58 : memref<1x1x1x128xi32, #tpu.memory_space<hbm>> -> memref<128xi32, #tpu.memory_space<hbm>>
    tpu.wait_dma2 semaphore(%arg13 : memref<!tpu.dma_semaphore, #tpu.memory_space<semaphore_mem>>) src(%dma_wait3A_59 : memref<128xi32, #tpu.memory_space<hbm>>) dst(%arg7 : memref<128xi32, #tpu.memory_space<vmem>>)
    %dma_wait3A_60 = arith.constant 1 : i32
    %dma_wait3A_61 = arith.constant 0 : i32
    %dma_wait3A_62 = tpu.memref_slice %arg4[%arg1, %dma_wait3A_60, %dma_wait3A_61] : memref<16x158x128xi32, #tpu.memory_space<hbm>> -> memref<1x1x128xi32, #tpu.memory_space<hbm>>
    %dma_wait3A_63 = tpu.memref_squeeze %dma_wait3A_62 : memref<1x1x128xi32, #tpu.memory_space<hbm>> -> memref<128xi32, #tpu.memory_space<hbm>>
    %dma_wait3A_64 = arith.constant 0 : i32
    %dma_wait3A_65 = tpu.memref_slice %arg4[%arg1, %dma_wait3A_60, %dma_wait3A_64] : memref<16x158x128xi32, #tpu.memory_space<hbm>> -> memref<1x1x128xi32, #tpu.memory_space<hbm>>
    %dma_wait3A_66 = tpu.memref_squeeze %dma_wait3A_65 : memref<1x1x128xi32, #tpu.memory_space<hbm>> -> memref<128xi32, #tpu.memory_space<hbm>>
    tpu.wait_dma2 semaphore(%arg13 : memref<!tpu.dma_semaphore, #tpu.memory_space<semaphore_mem>>) src(%dma_wait3A_66 : memref<128xi32, #tpu.memory_space<hbm>>) dst(%arg9 : memref<128xi32, #tpu.memory_space<vmem>>)
    %barrier3A = arith.constant 0 : index
    tpu.barrier barrier_id(%barrier3A)
    %dma_start3A_67 = arith.constant 0 : i32
    %dma_start3A_68 = arith.constant 0 : i32
    %dma_start3A_69 = tpu.memref_slice %arg2[%dma_start3A_67, %dma_start3A_68] : memref<20224x128xf32, #tpu.memory_space<hbm>> -> memref<20224x128xf32, #tpu.memory_space<hbm>>
    tpu.enqueue_indirect_dma source(%dma_start3A_69 : memref<20224x128xf32, #tpu.memory_space<hbm>>) target(%arg10 : memref<128x128xf32, #tpu.memory_space<vmem>>) offsets(%arg6 : memref<128xi32, #tpu.memory_space<vmem>>) semaphore(%arg14 : memref<!tpu.dma_semaphore, #tpu.memory_space<semaphore_mem>>)
    %dma_start3A_70 = arith.constant 0 : i32
    %dma_start3A_71 = arith.constant 0 : i32
    %dma_start3A_72 = tpu.memref_slice %arg2[%dma_start3A_70, %dma_start3A_71] : memref<20224x128xf32, #tpu.memory_space<hbm>> -> memref<20224x128xf32, #tpu.memory_space<hbm>>
    tpu.enqueue_indirect_dma source(%dma_start3A_72 : memref<20224x128xf32, #tpu.memory_space<hbm>>) target(%arg11 : memref<128x128xf32, #tpu.memory_space<vmem>>) offsets(%arg7 : memref<128xi32, #tpu.memory_space<vmem>>) semaphore(%arg15 : memref<!tpu.dma_semaphore, #tpu.memory_space<semaphore_mem>>)
    %scan3A = arith.constant 0 : i32
    %scan3A_73 = arith.constant 0 : i32
    %scan3A_74 = arith.constant 79 : i32
    %scan3A_75 = arith.addi %scan3A_73, %scan3A_74 : i32
    %scan3A_76 = arith.constant 1 : i32
    scf.for %scan3A_93 = %scan3A_73 to %scan3A_75 step %scan3A_76  : i32 {
      %mul3A_94 = arith.constant 2 : i32
      %mul3A_95 = arith.muli %mul3A_94, %scan3A_93 : i32
      %dma_wait3A_96 = arith.constant 0 : i32
      %dma_wait3A_97 = arith.constant 0 : i32
      %dma_wait3A_98 = tpu.memref_slice %arg2[%dma_wait3A_96, %dma_wait3A_97] : memref<20224x128xf32, #tpu.memory_space<hbm>> -> memref<20224x128xf32, #tpu.memory_space<hbm>>
      tpu.wait_indirect_dma semaphore(%arg14 : memref<!tpu.dma_semaphore, #tpu.memory_space<semaphore_mem>>) src(%dma_wait3A_98 : memref<20224x128xf32, #tpu.memory_space<hbm>>) dst(%arg10 : memref<128x128xf32, #tpu.memory_space<vmem>>)
      %get3A = arith.constant 0 : index
      %get3A_99 = tpu.vector_load %arg8[%get3A] {strides = array<i32>} : memref<128xi32, #tpu.memory_space<vmem>>, vector<16xi32>,
      %get3A_100 = vector.shape_cast %get3A_99 : vector<16xi32> to vector<16xi32>
      %dma_start3A_101 = arith.constant 0 : i32
      %dma_start3A_102 = arith.constant 0 : i32
      %dma_start3A_103 = tpu.memref_slice %arg10[%dma_start3A_101, %dma_start3A_102] : memref<128x128xf32, #tpu.memory_space<vmem>> -> memref<16x128xf32, #tpu.memory_space<vmem>>
      %dma_start3A_104 = arith.constant 0 : i32
      %dma_start3A_105 = arith.constant 0 : i32
      %dma_start3A_106 = tpu.memref_slice %arg19[%dma_start3A_104, %dma_start3A_105] : memref<10112x128xf32, #tpu.memory_space<vmem_shared>> -> memref<10112x128xf32, #tpu.memory_space<vmem_shared>>
      tpu.enqueue_indirect_dma source(%dma_start3A_103 : memref<16x128xf32, #tpu.memory_space<vmem>>) target(%dma_start3A_106 : memref<10112x128xf32, #tpu.memory_space<vmem_shared>>) offsets(%get3A_100 : vector<16xi32>) semaphore(%arg16 : memref<!tpu.dma_semaphore, #tpu.memory_space<semaphore_mem>>) {add = true}
      %get3A_107 = arith.constant 16 : index
      %get3A_108 = tpu.vector_load %arg8[%get3A_107] {strides = array<i32>} : memref<128xi32, #tpu.memory_space<vmem>>, vector<16xi32>,
      %get3A_109 = vector.shape_cast %get3A_108 : vector<16xi32> to vector<16xi32>
      %dma_start3A_110 = arith.constant 16 : i32
      %dma_start3A_111 = arith.constant 0 : i32
      %dma_start3A_112 = tpu.memref_slice %arg10[%dma_start3A_110, %dma_start3A_111] : memref<128x128xf32, #tpu.memory_space<vmem>> -> memref<16x128xf32, #tpu.memory_space<vmem>>
      %dma_start3A_113 = arith.constant 0 : i32
      %dma_start3A_114 = arith.constant 0 : i32
      %dma_start3A_115 = tpu.memref_slice %arg19[%dma_start3A_113, %dma_start3A_114] : memref<10112x128xf32, #tpu.memory_space<vmem_shared>> -> memref<10112x128xf32, #tpu.memory_space<vmem_shared>>
      tpu.enqueue_indirect_dma source(%dma_start3A_112 : memref<16x128xf32, #tpu.memory_space<vmem>>) target(%dma_start3A_115 : memref<10112x128xf32, #tpu.memory_space<vmem_shared>>) offsets(%get3A_109 : vector<16xi32>) semaphore(%arg16 : memref<!tpu.dma_semaphore, #tpu.memory_space<semaphore_mem>>) {add = true}
      %get3A_116 = arith.constant 32 : index
      %get3A_117 = tpu.vector_load %arg8[%get3A_116] {strides = array<i32>} : memref<128xi32, #tpu.memory_space<vmem>>, vector<16xi32>,
      %get3A_118 = vector.shape_cast %get3A_117 : vector<16xi32> to vector<16xi32>
      %dma_start3A_119 = arith.constant 32 : i32
      %dma_start3A_120 = arith.constant 0 : i32
      %dma_start3A_121 = tpu.memref_slice %arg10[%dma_start3A_119, %dma_start3A_120] : memref<128x128xf32, #tpu.memory_space<vmem>> -> memref<16x128xf32, #tpu.memory_space<vmem>>
      %dma_start3A_122 = arith.constant 0 : i32
      %dma_start3A_123 = arith.constant 0 : i32
      %dma_start3A_124 = tpu.memref_slice %arg19[%dma_start3A_122, %dma_start3A_123] : memref<10112x128xf32, #tpu.memory_space<vmem_shared>> -> memref<10112x128xf32, #tpu.memory_space<vmem_shared>>
      tpu.enqueue_indirect_dma source(%dma_start3A_121 : memref<16x128xf32, #tpu.memory_space<vmem>>) target(%dma_start3A_124 : memref<10112x128xf32, #tpu.memory_space<vmem_shared>>) offsets(%get3A_118 : vector<16xi32>) semaphore(%arg16 : memref<!tpu.dma_semaphore, #tpu.memory_space<semaphore_mem>>) {add = true}
      %get3A_125 = arith.constant 48 : index
      %get3A_126 = tpu.vector_load %arg8[%get3A_125] {strides = array<i32>} : memref<128xi32, #tpu.memory_space<vmem>>, vector<16xi32>,
      %get3A_127 = vector.shape_cast %get3A_126 : vector<16xi32> to vector<16xi32>
      %dma_start3A_128 = arith.constant 48 : i32
      %dma_start3A_129 = arith.constant 0 : i32
      %dma_start3A_130 = tpu.memref_slice %arg10[%dma_start3A_128, %dma_start3A_129] : memref<128x128xf32, #tpu.memory_space<vmem>> -> memref<16x128xf32, #tpu.memory_space<vmem>>
      %dma_start3A_131 = arith.constant 0 : i32
      %dma_start3A_132 = arith.constant 0 : i32
      %dma_start3A_133 = tpu.memref_slice %arg19[%dma_start3A_131, %dma_start3A_132] : memref<10112x128xf32, #tpu.memory_space<vmem_shared>> -> memref<10112x128xf32, #tpu.memory_space<vmem_shared>>
      tpu.enqueue_indirect_dma source(%dma_start3A_130 : memref<16x128xf32, #tpu.memory_space<vmem>>) target(%dma_start3A_133 : memref<10112x128xf32, #tpu.memory_space<vmem_shared>>) offsets(%get3A_127 : vector<16xi32>) semaphore(%arg16 : memref<!tpu.dma_semaphore, #tpu.memory_space<semaphore_mem>>) {add = true}
      %get3A_134 = arith.constant 64 : index
      %get3A_135 = tpu.vector_load %arg8[%get3A_134] {strides = array<i32>} : memref<128xi32, #tpu.memory_space<vmem>>, vector<16xi32>,
      %get3A_136 = vector.shape_cast %get3A_135 : vector<16xi32> to vector<16xi32>
      %dma_start3A_137 = arith.constant 64 : i32
      %dma_start3A_138 = arith.constant 0 : i32
      %dma_start3A_139 = tpu.memref_slice %arg10[%dma_start3A_137, %dma_start3A_138] : memref<128x128xf32, #tpu.memory_space<vmem>> -> memref<16x128xf32, #tpu.memory_space<vmem>>
      %dma_start3A_140 = arith.constant 0 : i32
      %dma_start3A_141 = arith.constant 0 : i32
      %dma_start3A_142 = tpu.memref_slice %arg19[%dma_start3A_140, %dma_start3A_141] : memref<10112x128xf32, #tpu.memory_space<vmem_shared>> -> memref<10112x128xf32, #tpu.memory_space<vmem_shared>>
      tpu.enqueue_indirect_dma source(%dma_start3A_139 : memref<16x128xf32, #tpu.memory_space<vmem>>) target(%dma_start3A_142 : memref<10112x128xf32, #tpu.memory_space<vmem_shared>>) offsets(%get3A_136 : vector<16xi32>) semaphore(%arg16 : memref<!tpu.dma_semaphore, #tpu.memory_space<semaphore_mem>>) {add = true}
      %get3A_143 = arith.constant 80 : index
      %get3A_144 = tpu.vector_load %arg8[%get3A_143] {strides = array<i32>} : memref<128xi32, #tpu.memory_space<vmem>>, vector<16xi32>,
      %get3A_145 = vector.shape_cast %get3A_144 : vector<16xi32> to vector<16xi32>
      %dma_start3A_146 = arith.constant 80 : i32
      %dma_start3A_147 = arith.constant 0 : i32
      %dma_start3A_148 = tpu.memref_slice %arg10[%dma_start3A_146, %dma_start3A_147] : memref<128x128xf32, #tpu.memory_space<vmem>> -> memref<16x128xf32, #tpu.memory_space<vmem>>
      %dma_start3A_149 = arith.constant 0 : i32
      %dma_start3A_150 = arith.constant 0 : i32
      %dma_start3A_151 = tpu.memref_slice %arg19[%dma_start3A_149, %dma_start3A_150] : memref<10112x128xf32, #tpu.memory_space<vmem_shared>> -> memref<10112x128xf32, #tpu.memory_space<vmem_shared>>
      tpu.enqueue_indirect_dma source(%dma_start3A_148 : memref<16x128xf32, #tpu.memory_space<vmem>>) target(%dma_start3A_151 : memref<10112x128xf32, #tpu.memory_space<vmem_shared>>) offsets(%get3A_145 : vector<16xi32>) semaphore(%arg16 : memref<!tpu.dma_semaphore, #tpu.memory_space<semaphore_mem>>) {add = true}
      %get3A_152 = arith.constant 96 : index
      %get3A_153 = tpu.vector_load %arg8[%get3A_152] {strides = array<i32>} : memref<128xi32, #tpu.memory_space<vmem>>, vector<16xi32>,
      %get3A_154 = vector.shape_cast %get3A_153 : vector<16xi32> to vector<16xi32>
      %dma_start3A_155 = arith.constant 96 : i32
      %dma_start3A_156 = arith.constant 0 : i32
      %dma_start3A_157 = tpu.memref_slice %arg10[%dma_start3A_155, %dma_start3A_156] : memref<128x128xf32, #tpu.memory_space<vmem>> -> memref<16x128xf32, #tpu.memory_space<vmem>>
      %dma_start3A_158 = arith.constant 0 : i32
      %dma_start3A_159 = arith.constant 0 : i32
      %dma_start3A_160 = tpu.memref_slice %arg19[%dma_start3A_158, %dma_start3A_159] : memref<10112x128xf32, #tpu.memory_space<vmem_shared>> -> memref<10112x128xf32, #tpu.memory_space<vmem_shared>>
      tpu.enqueue_indirect_dma source(%dma_start3A_157 : memref<16x128xf32, #tpu.memory_space<vmem>>) target(%dma_start3A_160 : memref<10112x128xf32, #tpu.memory_space<vmem_shared>>) offsets(%get3A_154 : vector<16xi32>) semaphore(%arg16 : memref<!tpu.dma_semaphore, #tpu.memory_space<semaphore_mem>>) {add = true}
      %get3A_161 = arith.constant 112 : index
      %get3A_162 = tpu.vector_load %arg8[%get3A_161] {strides = array<i32>} : memref<128xi32, #tpu.memory_space<vmem>>, vector<16xi32>,
      %get3A_163 = vector.shape_cast %get3A_162 : vector<16xi32> to vector<16xi32>
      %dma_start3A_164 = arith.constant 112 : i32
      %dma_start3A_165 = arith.constant 0 : i32
      %dma_start3A_166 = tpu.memref_slice %arg10[%dma_start3A_164, %dma_start3A_165] : memref<128x128xf32, #tpu.memory_space<vmem>> -> memref<16x128xf32, #tpu.memory_space<vmem>>
      %dma_start3A_167 = arith.constant 0 : i32
      %dma_start3A_168 = arith.constant 0 : i32
      %dma_start3A_169 = tpu.memref_slice %arg19[%dma_start3A_167, %dma_start3A_168] : memref<10112x128xf32, #tpu.memory_space<vmem_shared>> -> memref<10112x128xf32, #tpu.memory_space<vmem_shared>>
      tpu.enqueue_indirect_dma source(%dma_start3A_166 : memref<16x128xf32, #tpu.memory_space<vmem>>) target(%dma_start3A_169 : memref<10112x128xf32, #tpu.memory_space<vmem_shared>>) offsets(%get3A_163 : vector<16xi32>) semaphore(%arg16 : memref<!tpu.dma_semaphore, #tpu.memory_space<semaphore_mem>>) {add = true}
      %add3A_170 = arith.constant 0 : i32
      %add3A_171 = arith.addi %mul3A_95, %add3A_170 : i32
      %add3A_172 = arith.constant 2 : i32
      %add3A_173 = arith.addi %add3A_171, %add3A_172 : i32
      %lt3A = arith.constant 158 : i32
      %lt3A_174 = arith.cmpi slt, %add3A_173, %lt3A : i32
      %convert_element_type3A = arith.extui %lt3A_174 : i1 to i32
      %cond3A = arith.constant 0 : i32
      %cond3A_175 = arith.cmpi ne, %convert_element_type3A, %cond3A : i32
      scf.if %cond3A_175 {
        %add3A_374 = arith.constant 0 : i32
        %add3A_375 = arith.addi %mul3A_95, %add3A_374 : i32
        %add3A_376 = arith.constant 2 : i32
        %add3A_377 = arith.addi %add3A_375, %add3A_376 : i32
        %dma_start3A_378 = arith.constant 0 : i32
        %dma_start3A_379 = tpu.memref_slice %arg3[%arg0, %arg1, %add3A_377, %dma_start3A_378] : memref<2x16x158x128xi32, #tpu.memory_space<hbm>> -> memref<1x1x1x128xi32, #tpu.memory_space<hbm>>
        %dma_start3A_380 = tpu.memref_squeeze %dma_start3A_379 : memref<1x1x1x128xi32, #tpu.memory_space<hbm>> -> memref<128xi32, #tpu.memory_space<hbm>>
        %dma_start3A_381 = arith.constant 0 : i32
        %dma_start3A_382 = tpu.memref_slice %arg3[%arg0, %arg1, %add3A_377, %dma_start3A_381] : memref<2x16x158x128xi32, #tpu.memory_space<hbm>> -> memref<1x1x1x128xi32, #tpu.memory_space<hbm>>
        %dma_start3A_383 = tpu.memref_squeeze %dma_start3A_382 : memref<1x1x1x128xi32, #tpu.memory_space<hbm>> -> memref<128xi32, #tpu.memory_space<hbm>>
        tpu.enqueue_dma source(%dma_start3A_383 : memref<128xi32, #tpu.memory_space<hbm>>) target(%arg6 : memref<128xi32, #tpu.memory_space<vmem>>) target_semaphore(%arg12 : memref<!tpu.dma_semaphore, #tpu.memory_space<semaphore_mem>>)
        %add3A_384 = arith.constant 0 : i32
        %add3A_385 = arith.addi %mul3A_95, %add3A_384 : i32
        %add3A_386 = arith.constant 2 : i32
        %add3A_387 = arith.addi %add3A_385, %add3A_386 : i32
        %dma_start3A_388 = arith.constant 0 : i32
        %dma_start3A_389 = tpu.memref_slice %arg4[%arg1, %add3A_387, %dma_start3A_388] : memref<16x158x128xi32, #tpu.memory_space<hbm>> -> memref<1x1x128xi32, #tpu.memory_space<hbm>>
        %dma_start3A_390 = tpu.memref_squeeze %dma_start3A_389 : memref<1x1x128xi32, #tpu.memory_space<hbm>> -> memref<128xi32, #tpu.memory_space<hbm>>
        %dma_start3A_391 = arith.constant 0 : i32
        %dma_start3A_392 = tpu.memref_slice %arg4[%arg1, %add3A_387, %dma_start3A_391] : memref<16x158x128xi32, #tpu.memory_space<hbm>> -> memref<1x1x128xi32, #tpu.memory_space<hbm>>
        %dma_start3A_393 = tpu.memref_squeeze %dma_start3A_392 : memref<1x1x128xi32, #tpu.memory_space<hbm>> -> memref<128xi32, #tpu.memory_space<hbm>>
        tpu.enqueue_dma source(%dma_start3A_393 : memref<128xi32, #tpu.memory_space<hbm>>) target(%arg8 : memref<128xi32, #tpu.memory_space<vmem>>) target_semaphore(%arg12 : memref<!tpu.dma_semaphore, #tpu.memory_space<semaphore_mem>>)
      } else {
      }
      %dma_wait3A_176 = arith.constant 0 : i32
      %dma_wait3A_177 = arith.constant 0 : i32
      %dma_wait3A_178 = tpu.memref_slice %arg2[%dma_wait3A_176, %dma_wait3A_177] : memref<20224x128xf32, #tpu.memory_space<hbm>> -> memref<20224x128xf32, #tpu.memory_space<hbm>>
      tpu.wait_indirect_dma semaphore(%arg15 : memref<!tpu.dma_semaphore, #tpu.memory_space<semaphore_mem>>) src(%dma_wait3A_178 : memref<20224x128xf32, #tpu.memory_space<hbm>>) dst(%arg11 : memref<128x128xf32, #tpu.memory_space<vmem>>)
      %get3A_179 = arith.constant 0 : index
      %get3A_180 = tpu.vector_load %arg9[%get3A_179] {strides = array<i32>} : memref<128xi32, #tpu.memory_space<vmem>>, vector<16xi32>,
      %get3A_181 = vector.shape_cast %get3A_180 : vector<16xi32> to vector<16xi32>
      %dma_start3A_182 = arith.constant 0 : i32
      %dma_start3A_183 = arith.constant 0 : i32
      %dma_start3A_184 = tpu.memref_slice %arg11[%dma_start3A_182, %dma_start3A_183] : memref<128x128xf32, #tpu.memory_space<vmem>> -> memref<16x128xf32, #tpu.memory_space<vmem>>
      %dma_start3A_185 = arith.constant 0 : i32
      %dma_start3A_186 = arith.constant 0 : i32
      %dma_start3A_187 = tpu.memref_slice %arg19[%dma_start3A_185, %dma_start3A_186] : memref<10112x128xf32, #tpu.memory_space<vmem_shared>> -> memref<10112x128xf32, #tpu.memory_space<vmem_shared>>
      tpu.enqueue_indirect_dma source(%dma_start3A_184 : memref<16x128xf32, #tpu.memory_space<vmem>>) target(%dma_start3A_187 : memref<10112x128xf32, #tpu.memory_space<vmem_shared>>) offsets(%get3A_181 : vector<16xi32>) semaphore(%arg17 : memref<!tpu.dma_semaphore, #tpu.memory_space<semaphore_mem>>) {add = true}
      %get3A_188 = arith.constant 16 : index
      %get3A_189 = tpu.vector_load %arg9[%get3A_188] {strides = array<i32>} : memref<128xi32, #tpu.memory_space<vmem>>, vector<16xi32>,
      %get3A_190 = vector.shape_cast %get3A_189 : vector<16xi32> to vector<16xi32>
      %dma_start3A_191 = arith.constant 16 : i32
      %dma_start3A_192 = arith.constant 0 : i32
      %dma_start3A_193 = tpu.memref_slice %arg11[%dma_start3A_191, %dma_start3A_192] : memref<128x128xf32, #tpu.memory_space<vmem>> -> memref<16x128xf32, #tpu.memory_space<vmem>>
      %dma_start3A_194 = arith.constant 0 : i32
      %dma_start3A_195 = arith.constant 0 : i32
      %dma_start3A_196 = tpu.memref_slice %arg19[%dma_start3A_194, %dma_start3A_195] : memref<10112x128xf32, #tpu.memory_space<vmem_shared>> -> memref<10112x128xf32, #tpu.memory_space<vmem_shared>>
      tpu.enqueue_indirect_dma source(%dma_start3A_193 : memref<16x128xf32, #tpu.memory_space<vmem>>) target(%dma_start3A_196 : memref<10112x128xf32, #tpu.memory_space<vmem_shared>>) offsets(%get3A_190 : vector<16xi32>) semaphore(%arg17 : memref<!tpu.dma_semaphore, #tpu.memory_space<semaphore_mem>>) {add = true}
      %get3A_197 = arith.constant 32 : index
      %get3A_198 = tpu.vector_load %arg9[%get3A_197] {strides = array<i32>} : memref<128xi32, #tpu.memory_space<vmem>>, vector<16xi32>,
      %get3A_199 = vector.shape_cast %get3A_198 : vector<16xi32> to vector<16xi32>
      %dma_start3A_200 = arith.constant 32 : i32
      %dma_start3A_201 = arith.constant 0 : i32
      %dma_start3A_202 = tpu.memref_slice %arg11[%dma_start3A_200, %dma_start3A_201] : memref<128x128xf32, #tpu.memory_space<vmem>> -> memref<16x128xf32, #tpu.memory_space<vmem>>
      %dma_start3A_203 = arith.constant 0 : i32
      %dma_start3A_204 = arith.constant 0 : i32
      %dma_start3A_205 = tpu.memref_slice %arg19[%dma_start3A_203, %dma_start3A_204] : memref<10112x128xf32, #tpu.memory_space<vmem_shared>> -> memref<10112x128xf32, #tpu.memory_space<vmem_shared>>
      tpu.enqueue_indirect_dma source(%dma_start3A_202 : memref<16x128xf32, #tpu.memory_space<vmem>>) target(%dma_start3A_205 : memref<10112x128xf32, #tpu.memory_space<vmem_shared>>) offsets(%get3A_199 : vector<16xi32>) semaphore(%arg17 : memref<!tpu.dma_semaphore, #tpu.memory_space<semaphore_mem>>) {add = true}
      %get3A_206 = arith.constant 48 : index
      %get3A_207 = tpu.vector_load %arg9[%get3A_206] {strides = array<i32>} : memref<128xi32, #tpu.memory_space<vmem>>, vector<16xi32>,
      %get3A_208 = vector.shape_cast %get3A_207 : vector<16xi32> to vector<16xi32>
      %dma_start3A_209 = arith.constant 48 : i32
      %dma_start3A_210 = arith.constant 0 : i32
      %dma_start3A_211 = tpu.memref_slice %arg11[%dma_start3A_209, %dma_start3A_210] : memref<128x128xf32, #tpu.memory_space<vmem>> -> memref<16x128xf32, #tpu.memory_space<vmem>>
      %dma_start3A_212 = arith.constant 0 : i32
      %dma_start3A_213 = arith.constant 0 : i32
      %dma_start3A_214 = tpu.memref_slice %arg19[%dma_start3A_212, %dma_start3A_213] : memref<10112x128xf32, #tpu.memory_space<vmem_shared>> -> memref<10112x128xf32, #tpu.memory_space<vmem_shared>>
      tpu.enqueue_indirect_dma source(%dma_start3A_211 : memref<16x128xf32, #tpu.memory_space<vmem>>) target(%dma_start3A_214 : memref<10112x128xf32, #tpu.memory_space<vmem_shared>>) offsets(%get3A_208 : vector<16xi32>) semaphore(%arg17 : memref<!tpu.dma_semaphore, #tpu.memory_space<semaphore_mem>>) {add = true}
      %get3A_215 = arith.constant 64 : index
      %get3A_216 = tpu.vector_load %arg9[%get3A_215] {strides = array<i32>} : memref<128xi32, #tpu.memory_space<vmem>>, vector<16xi32>,
      %get3A_217 = vector.shape_cast %get3A_216 : vector<16xi32> to vector<16xi32>
      %dma_start3A_218 = arith.constant 64 : i32
      %dma_start3A_219 = arith.constant 0 : i32
      %dma_start3A_220 = tpu.memref_slice %arg11[%dma_start3A_218, %dma_start3A_219] : memref<128x128xf32, #tpu.memory_space<vmem>> -> memref<16x128xf32, #tpu.memory_space<vmem>>
      %dma_start3A_221 = arith.constant 0 : i32
      %dma_start3A_222 = arith.constant 0 : i32
      %dma_start3A_223 = tpu.memref_slice %arg19[%dma_start3A_221, %dma_start3A_222] : memref<10112x128xf32, #tpu.memory_space<vmem_shared>> -> memref<10112x128xf32, #tpu.memory_space<vmem_shared>>
      tpu.enqueue_indirect_dma source(%dma_start3A_220 : memref<16x128xf32, #tpu.memory_space<vmem>>) target(%dma_start3A_223 : memref<10112x128xf32, #tpu.memory_space<vmem_shared>>) offsets(%get3A_217 : vector<16xi32>) semaphore(%arg17 : memref<!tpu.dma_semaphore, #tpu.memory_space<semaphore_mem>>) {add = true}
      %get3A_224 = arith.constant 80 : index
      %get3A_225 = tpu.vector_load %arg9[%get3A_224] {strides = array<i32>} : memref<128xi32, #tpu.memory_space<vmem>>, vector<16xi32>,
      %get3A_226 = vector.shape_cast %get3A_225 : vector<16xi32> to vector<16xi32>
      %dma_start3A_227 = arith.constant 80 : i32
      %dma_start3A_228 = arith.constant 0 : i32
      %dma_start3A_229 = tpu.memref_slice %arg11[%dma_start3A_227, %dma_start3A_228] : memref<128x128xf32, #tpu.memory_space<vmem>> -> memref<16x128xf32, #tpu.memory_space<vmem>>
      %dma_start3A_230 = arith.constant 0 : i32
      %dma_start3A_231 = arith.constant 0 : i32
      %dma_start3A_232 = tpu.memref_slice %arg19[%dma_start3A_230, %dma_start3A_231] : memref<10112x128xf32, #tpu.memory_space<vmem_shared>> -> memref<10112x128xf32, #tpu.memory_space<vmem_shared>>
      tpu.enqueue_indirect_dma source(%dma_start3A_229 : memref<16x128xf32, #tpu.memory_space<vmem>>) target(%dma_start3A_232 : memref<10112x128xf32, #tpu.memory_space<vmem_shared>>) offsets(%get3A_226 : vector<16xi32>) semaphore(%arg17 : memref<!tpu.dma_semaphore, #tpu.memory_space<semaphore_mem>>) {add = true}
      %get3A_233 = arith.constant 96 : index
      %get3A_234 = tpu.vector_load %arg9[%get3A_233] {strides = array<i32>} : memref<128xi32, #tpu.memory_space<vmem>>, vector<16xi32>,
      %get3A_235 = vector.shape_cast %get3A_234 : vector<16xi32> to vector<16xi32>
      %dma_start3A_236 = arith.constant 96 : i32
      %dma_start3A_237 = arith.constant 0 : i32
      %dma_start3A_238 = tpu.memref_slice %arg11[%dma_start3A_236, %dma_start3A_237] : memref<128x128xf32, #tpu.memory_space<vmem>> -> memref<16x128xf32, #tpu.memory_space<vmem>>
      %dma_start3A_239 = arith.constant 0 : i32
      %dma_start3A_240 = arith.constant 0 : i32
      %dma_start3A_241 = tpu.memref_slice %arg19[%dma_start3A_239, %dma_start3A_240] : memref<10112x128xf32, #tpu.memory_space<vmem_shared>> -> memref<10112x128xf32, #tpu.memory_space<vmem_shared>>
      tpu.enqueue_indirect_dma source(%dma_start3A_238 : memref<16x128xf32, #tpu.memory_space<vmem>>) target(%dma_start3A_241 : memref<10112x128xf32, #tpu.memory_space<vmem_shared>>) offsets(%get3A_235 : vector<16xi32>) semaphore(%arg17 : memref<!tpu.dma_semaphore, #tpu.memory_space<semaphore_mem>>) {add = true}
      %get3A_242 = arith.constant 112 : index
      %get3A_243 = tpu.vector_load %arg9[%get3A_242] {strides = array<i32>} : memref<128xi32, #tpu.memory_space<vmem>>, vector<16xi32>,
      %get3A_244 = vector.shape_cast %get3A_243 : vector<16xi32> to vector<16xi32>
      %dma_start3A_245 = arith.constant 112 : i32
      %dma_start3A_246 = arith.constant 0 : i32
      %dma_start3A_247 = tpu.memref_slice %arg11[%dma_start3A_245, %dma_start3A_246] : memref<128x128xf32, #tpu.memory_space<vmem>> -> memref<16x128xf32, #tpu.memory_space<vmem>>
      %dma_start3A_248 = arith.constant 0 : i32
      %dma_start3A_249 = arith.constant 0 : i32
      %dma_start3A_250 = tpu.memref_slice %arg19[%dma_start3A_248, %dma_start3A_249] : memref<10112x128xf32, #tpu.memory_space<vmem_shared>> -> memref<10112x128xf32, #tpu.memory_space<vmem_shared>>
      tpu.enqueue_indirect_dma source(%dma_start3A_247 : memref<16x128xf32, #tpu.memory_space<vmem>>) target(%dma_start3A_250 : memref<10112x128xf32, #tpu.memory_space<vmem_shared>>) offsets(%get3A_244 : vector<16xi32>) semaphore(%arg17 : memref<!tpu.dma_semaphore, #tpu.memory_space<semaphore_mem>>) {add = true}
      %add3A_251 = arith.constant 1 : i32
      %add3A_252 = arith.addi %mul3A_95, %add3A_251 : i32
      %add3A_253 = arith.constant 2 : i32
      %add3A_254 = arith.addi %add3A_252, %add3A_253 : i32
      %lt3A_255 = arith.constant 158 : i32
      %lt3A_256 = arith.cmpi slt, %add3A_254, %lt3A_255 : i32
      %convert_element_type3A_257 = arith.extui %lt3A_256 : i1 to i32
      %cond3A_258 = arith.constant 0 : i32
      %cond3A_259 = arith.cmpi ne, %convert_element_type3A_257, %cond3A_258 : i32
      scf.if %cond3A_259 {
        %add3A_374 = arith.constant 1 : i32
        %add3A_375 = arith.addi %mul3A_95, %add3A_374 : i32
        %add3A_376 = arith.constant 2 : i32
        %add3A_377 = arith.addi %add3A_375, %add3A_376 : i32
        %dma_start3A_378 = arith.constant 0 : i32
        %dma_start3A_379 = tpu.memref_slice %arg3[%arg0, %arg1, %add3A_377, %dma_start3A_378] : memref<2x16x158x128xi32, #tpu.memory_space<hbm>> -> memref<1x1x1x128xi32, #tpu.memory_space<hbm>>
        %dma_start3A_380 = tpu.memref_squeeze %dma_start3A_379 : memref<1x1x1x128xi32, #tpu.memory_space<hbm>> -> memref<128xi32, #tpu.memory_space<hbm>>
        %dma_start3A_381 = arith.constant 0 : i32
        %dma_start3A_382 = tpu.memref_slice %arg3[%arg0, %arg1, %add3A_377, %dma_start3A_381] : memref<2x16x158x128xi32, #tpu.memory_space<hbm>> -> memref<1x1x1x128xi32, #tpu.memory_space<hbm>>
        %dma_start3A_383 = tpu.memref_squeeze %dma_start3A_382 : memref<1x1x1x128xi32, #tpu.memory_space<hbm>> -> memref<128xi32, #tpu.memory_space<hbm>>
        tpu.enqueue_dma source(%dma_start3A_383 : memref<128xi32, #tpu.memory_space<hbm>>) target(%arg7 : memref<128xi32, #tpu.memory_space<vmem>>) target_semaphore(%arg13 : memref<!tpu.dma_semaphore, #tpu.memory_space<semaphore_mem>>)
        %add3A_384 = arith.constant 1 : i32
        %add3A_385 = arith.addi %mul3A_95, %add3A_384 : i32
        %add3A_386 = arith.constant 2 : i32
        %add3A_387 = arith.addi %add3A_385, %add3A_386 : i32
        %dma_start3A_388 = arith.constant 0 : i32
        %dma_start3A_389 = tpu.memref_slice %arg4[%arg1, %add3A_387, %dma_start3A_388] : memref<16x158x128xi32, #tpu.memory_space<hbm>> -> memref<1x1x128xi32, #tpu.memory_space<hbm>>
        %dma_start3A_390 = tpu.memref_squeeze %dma_start3A_389 : memref<1x1x128xi32, #tpu.memory_space<hbm>> -> memref<128xi32, #tpu.memory_space<hbm>>
        %dma_start3A_391 = arith.constant 0 : i32
        %dma_start3A_392 = tpu.memref_slice %arg4[%arg1, %add3A_387, %dma_start3A_391] : memref<16x158x128xi32, #tpu.memory_space<hbm>> -> memref<1x1x128xi32, #tpu.memory_space<hbm>>
        %dma_start3A_393 = tpu.memref_squeeze %dma_start3A_392 : memref<1x1x128xi32, #tpu.memory_space<hbm>> -> memref<128xi32, #tpu.memory_space<hbm>>
        tpu.enqueue_dma source(%dma_start3A_393 : memref<128xi32, #tpu.memory_space<hbm>>) target(%arg9 : memref<128xi32, #tpu.memory_space<vmem>>) target_semaphore(%arg13 : memref<!tpu.dma_semaphore, #tpu.memory_space<semaphore_mem>>)
      } else {
      }
      %iota3A = tpu.iota {dimensions = array<i32: 0>} : vector<16xi32>
      %dma_wait3A_260 = arith.constant 0 : i32
      %dma_wait3A_261 = arith.constant 0 : i32
      %dma_wait3A_262 = tpu.memref_slice %arg10[%dma_wait3A_260, %dma_wait3A_261] : memref<128x128xf32, #tpu.memory_space<vmem>> -> memref<16x128xf32, #tpu.memory_space<vmem>>
      %dma_wait3A_263 = arith.constant 0 : i32
      %dma_wait3A_264 = arith.constant 0 : i32
      %dma_wait3A_265 = tpu.memref_slice %arg19[%dma_wait3A_263, %dma_wait3A_264] : memref<10112x128xf32, #tpu.memory_space<vmem_shared>> -> memref<10112x128xf32, #tpu.memory_space<vmem_shared>>
      tpu.wait_indirect_dma semaphore(%arg16 : memref<!tpu.dma_semaphore, #tpu.memory_space<semaphore_mem>>) src(%dma_wait3A_262 : memref<16x128xf32, #tpu.memory_space<vmem>>) dst(%dma_wait3A_265 : memref<10112x128xf32, #tpu.memory_space<vmem_shared>>)
      %dma_wait3A_266 = arith.constant 16 : i32
      %dma_wait3A_267 = arith.constant 0 : i32
      %dma_wait3A_268 = tpu.memref_slice %arg10[%dma_wait3A_266, %dma_wait3A_267] : memref<128x128xf32, #tpu.memory_space<vmem>> -> memref<16x128xf32, #tpu.memory_space<vmem>>
      %dma_wait3A_269 = arith.constant 0 : i32
      %dma_wait3A_270 = arith.constant 0 : i32
      %dma_wait3A_271 = tpu.memref_slice %arg19[%dma_wait3A_269, %dma_wait3A_270] : memref<10112x128xf32, #tpu.memory_space<vmem_shared>> -> memref<10112x128xf32, #tpu.memory_space<vmem_shared>>
      tpu.wait_indirect_dma semaphore(%arg16 : memref<!tpu.dma_semaphore, #tpu.memory_space<semaphore_mem>>) src(%dma_wait3A_268 : memref<16x128xf32, #tpu.memory_space<vmem>>) dst(%dma_wait3A_271 : memref<10112x128xf32, #tpu.memory_space<vmem_shared>>)
      %dma_wait3A_272 = arith.constant 32 : i32
      %dma_wait3A_273 = arith.constant 0 : i32
      %dma_wait3A_274 = tpu.memref_slice %arg10[%dma_wait3A_272, %dma_wait3A_273] : memref<128x128xf32, #tpu.memory_space<vmem>> -> memref<16x128xf32, #tpu.memory_space<vmem>>
      %dma_wait3A_275 = arith.constant 0 : i32
      %dma_wait3A_276 = arith.constant 0 : i32
      %dma_wait3A_277 = tpu.memref_slice %arg19[%dma_wait3A_275, %dma_wait3A_276] : memref<10112x128xf32, #tpu.memory_space<vmem_shared>> -> memref<10112x128xf32, #tpu.memory_space<vmem_shared>>
      tpu.wait_indirect_dma semaphore(%arg16 : memref<!tpu.dma_semaphore, #tpu.memory_space<semaphore_mem>>) src(%dma_wait3A_274 : memref<16x128xf32, #tpu.memory_space<vmem>>) dst(%dma_wait3A_277 : memref<10112x128xf32, #tpu.memory_space<vmem_shared>>)
      %dma_wait3A_278 = arith.constant 48 : i32
      %dma_wait3A_279 = arith.constant 0 : i32
      %dma_wait3A_280 = tpu.memref_slice %arg10[%dma_wait3A_278, %dma_wait3A_279] : memref<128x128xf32, #tpu.memory_space<vmem>> -> memref<16x128xf32, #tpu.memory_space<vmem>>
      %dma_wait3A_281 = arith.constant 0 : i32
      %dma_wait3A_282 = arith.constant 0 : i32
      %dma_wait3A_283 = tpu.memref_slice %arg19[%dma_wait3A_281, %dma_wait3A_282] : memref<10112x128xf32, #tpu.memory_space<vmem_shared>> -> memref<10112x128xf32, #tpu.memory_space<vmem_shared>>
      tpu.wait_indirect_dma semaphore(%arg16 : memref<!tpu.dma_semaphore, #tpu.memory_space<semaphore_mem>>) src(%dma_wait3A_280 : memref<16x128xf32, #tpu.memory_space<vmem>>) dst(%dma_wait3A_283 : memref<10112x128xf32, #tpu.memory_space<vmem_shared>>)
      %dma_wait3A_284 = arith.constant 64 : i32
      %dma_wait3A_285 = arith.constant 0 : i32
      %dma_wait3A_286 = tpu.memref_slice %arg10[%dma_wait3A_284, %dma_wait3A_285] : memref<128x128xf32, #tpu.memory_space<vmem>> -> memref<16x128xf32, #tpu.memory_space<vmem>>
      %dma_wait3A_287 = arith.constant 0 : i32
      %dma_wait3A_288 = arith.constant 0 : i32
      %dma_wait3A_289 = tpu.memref_slice %arg19[%dma_wait3A_287, %dma_wait3A_288] : memref<10112x128xf32, #tpu.memory_space<vmem_shared>> -> memref<10112x128xf32, #tpu.memory_space<vmem_shared>>
      tpu.wait_indirect_dma semaphore(%arg16 : memref<!tpu.dma_semaphore, #tpu.memory_space<semaphore_mem>>) src(%dma_wait3A_286 : memref<16x128xf32, #tpu.memory_space<vmem>>) dst(%dma_wait3A_289 : memref<10112x128xf32, #tpu.memory_space<vmem_shared>>)
      %dma_wait3A_290 = arith.constant 80 : i32
      %dma_wait3A_291 = arith.constant 0 : i32
      %dma_wait3A_292 = tpu.memref_slice %arg10[%dma_wait3A_290, %dma_wait3A_291] : memref<128x128xf32, #tpu.memory_space<vmem>> -> memref<16x128xf32, #tpu.memory_space<vmem>>
      %dma_wait3A_293 = arith.constant 0 : i32
      %dma_wait3A_294 = arith.constant 0 : i32
      %dma_wait3A_295 = tpu.memref_slice %arg19[%dma_wait3A_293, %dma_wait3A_294] : memref<10112x128xf32, #tpu.memory_space<vmem_shared>> -> memref<10112x128xf32, #tpu.memory_space<vmem_shared>>
      tpu.wait_indirect_dma semaphore(%arg16 : memref<!tpu.dma_semaphore, #tpu.memory_space<semaphore_mem>>) src(%dma_wait3A_292 : memref<16x128xf32, #tpu.memory_space<vmem>>) dst(%dma_wait3A_295 : memref<10112x128xf32, #tpu.memory_space<vmem_shared>>)
      %dma_wait3A_296 = arith.constant 96 : i32
      %dma_wait3A_297 = arith.constant 0 : i32
      %dma_wait3A_298 = tpu.memref_slice %arg10[%dma_wait3A_296, %dma_wait3A_297] : memref<128x128xf32, #tpu.memory_space<vmem>> -> memref<16x128xf32, #tpu.memory_space<vmem>>
      %dma_wait3A_299 = arith.constant 0 : i32
      %dma_wait3A_300 = arith.constant 0 : i32
      %dma_wait3A_301 = tpu.memref_slice %arg19[%dma_wait3A_299, %dma_wait3A_300] : memref<10112x128xf32, #tpu.memory_space<vmem_shared>> -> memref<10112x128xf32, #tpu.memory_space<vmem_shared>>
      tpu.wait_indirect_dma semaphore(%arg16 : memref<!tpu.dma_semaphore, #tpu.memory_space<semaphore_mem>>) src(%dma_wait3A_298 : memref<16x128xf32, #tpu.memory_space<vmem>>) dst(%dma_wait3A_301 : memref<10112x128xf32, #tpu.memory_space<vmem_shared>>)
      %dma_wait3A_302 = arith.constant 112 : i32
      %dma_wait3A_303 = arith.constant 0 : i32
      %dma_wait3A_304 = tpu.memref_slice %arg10[%dma_wait3A_302, %dma_wait3A_303] : memref<128x128xf32, #tpu.memory_space<vmem>> -> memref<16x128xf32, #tpu.memory_space<vmem>>
      %dma_wait3A_305 = arith.constant 0 : i32
      %dma_wait3A_306 = arith.constant 0 : i32
      %dma_wait3A_307 = tpu.memref_slice %arg19[%dma_wait3A_305, %dma_wait3A_306] : memref<10112x128xf32, #tpu.memory_space<vmem_shared>> -> memref<10112x128xf32, #tpu.memory_space<vmem_shared>>
      tpu.wait_indirect_dma semaphore(%arg16 : memref<!tpu.dma_semaphore, #tpu.memory_space<semaphore_mem>>) src(%dma_wait3A_304 : memref<16x128xf32, #tpu.memory_space<vmem>>) dst(%dma_wait3A_307 : memref<10112x128xf32, #tpu.memory_space<vmem_shared>>)
      %add3A_308 = arith.constant 0 : i32
      %add3A_309 = arith.addi %mul3A_95, %add3A_308 : i32
      %add3A_310 = arith.constant 2 : i32
      %add3A_311 = arith.addi %add3A_309, %add3A_310 : i32
      %lt3A_312 = arith.constant 158 : i32
      %lt3A_313 = arith.cmpi slt, %add3A_311, %lt3A_312 : i32
      %convert_element_type3A_314 = arith.extui %lt3A_313 : i1 to i32
      %cond3A_315 = arith.constant 0 : i32
      %cond3A_316 = arith.cmpi ne, %convert_element_type3A_314, %cond3A_315 : i32
      scf.if %cond3A_316 {
        %dma_wait3A_374 = arith.constant 0 : i32
        %dma_wait3A_375 = arith.constant 0 : i32
        %dma_wait3A_376 = tpu.memref_slice %arg3[%arg0, %arg1, %dma_wait3A_374, %dma_wait3A_375] : memref<2x16x158x128xi32, #tpu.memory_space<hbm>> -> memref<1x1x1x128xi32, #tpu.memory_space<hbm>>
        %dma_wait3A_377 = tpu.memref_squeeze %dma_wait3A_376 : memref<1x1x1x128xi32, #tpu.memory_space<hbm>> -> memref<128xi32, #tpu.memory_space<hbm>>
        %dma_wait3A_378 = arith.constant 0 : i32
        %dma_wait3A_379 = tpu.memref_slice %arg3[%arg0, %arg1, %dma_wait3A_374, %dma_wait3A_378] : memref<2x16x158x128xi32, #tpu.memory_space<hbm>> -> memref<1x1x1x128xi32, #tpu.memory_space<hbm>>
        %dma_wait3A_380 = tpu.memref_squeeze %dma_wait3A_379 : memref<1x1x1x128xi32, #tpu.memory_space<hbm>> -> memref<128xi32, #tpu.memory_space<hbm>>
        tpu.wait_dma2 semaphore(%arg12 : memref<!tpu.dma_semaphore, #tpu.memory_space<semaphore_mem>>) src(%dma_wait3A_380 : memref<128xi32, #tpu.memory_space<hbm>>) dst(%arg6 : memref<128xi32, #tpu.memory_space<vmem>>)
        %dma_wait3A_381 = arith.constant 0 : i32
        %dma_wait3A_382 = arith.constant 0 : i32
        %dma_wait3A_383 = tpu.memref_slice %arg4[%arg1, %dma_wait3A_381, %dma_wait3A_382] : memref<16x158x128xi32, #tpu.memory_space<hbm>> -> memref<1x1x128xi32, #tpu.memory_space<hbm>>
        %dma_wait3A_384 = tpu.memref_squeeze %dma_wait3A_383 : memref<1x1x128xi32, #tpu.memory_space<hbm>> -> memref<128xi32, #tpu.memory_space<hbm>>
        %dma_wait3A_385 = arith.constant 0 : i32
        %dma_wait3A_386 = tpu.memref_slice %arg4[%arg1, %dma_wait3A_381, %dma_wait3A_385] : memref<16x158x128xi32, #tpu.memory_space<hbm>> -> memref<1x1x128xi32, #tpu.memory_space<hbm>>
        %dma_wait3A_387 = tpu.memref_squeeze %dma_wait3A_386 : memref<1x1x128xi32, #tpu.memory_space<hbm>> -> memref<128xi32, #tpu.memory_space<hbm>>
        tpu.wait_dma2 semaphore(%arg12 : memref<!tpu.dma_semaphore, #tpu.memory_space<semaphore_mem>>) src(%dma_wait3A_387 : memref<128xi32, #tpu.memory_space<hbm>>) dst(%arg8 : memref<128xi32, #tpu.memory_space<vmem>>)
        %dma_start3A_388 = arith.constant 0 : i32
        %dma_start3A_389 = arith.constant 0 : i32
        %dma_start3A_390 = tpu.memref_slice %arg2[%dma_start3A_388, %dma_start3A_389] : memref<20224x128xf32, #tpu.memory_space<hbm>> -> memref<20224x128xf32, #tpu.memory_space<hbm>>
        tpu.enqueue_indirect_dma source(%dma_start3A_390 : memref<20224x128xf32, #tpu.memory_space<hbm>>) target(%arg10 : memref<128x128xf32, #tpu.memory_space<vmem>>) offsets(%arg6 : memref<128xi32, #tpu.memory_space<vmem>>) semaphore(%arg14 : memref<!tpu.dma_semaphore, #tpu.memory_space<semaphore_mem>>)
      } else {
      }
      %dma_wait3A_317 = arith.constant 0 : i32
      %dma_wait3A_318 = arith.constant 0 : i32
      %dma_wait3A_319 = tpu.memref_slice %arg11[%dma_wait3A_317, %dma_wait3A_318] : memref<128x128xf32, #tpu.memory_space<vmem>> -> memref<16x128xf32, #tpu.memory_space<vmem>>
      %dma_wait3A_320 = arith.constant 0 : i32
      %dma_wait3A_321 = arith.constant 0 : i32
      %dma_wait3A_322 = tpu.memref_slice %arg19[%dma_wait3A_320, %dma_wait3A_321] : memref<10112x128xf32, #tpu.memory_space<vmem_shared>> -> memref<10112x128xf32, #tpu.memory_space<vmem_shared>>
      tpu.wait_indirect_dma semaphore(%arg17 : memref<!tpu.dma_semaphore, #tpu.memory_space<semaphore_mem>>) src(%dma_wait3A_319 : memref<16x128xf32, #tpu.memory_space<vmem>>) dst(%dma_wait3A_322 : memref<10112x128xf32, #tpu.memory_space<vmem_shared>>)
      %dma_wait3A_323 = arith.constant 16 : i32
      %dma_wait3A_324 = arith.constant 0 : i32
      %dma_wait3A_325 = tpu.memref_slice %arg11[%dma_wait3A_323, %dma_wait3A_324] : memref<128x128xf32, #tpu.memory_space<vmem>> -> memref<16x128xf32, #tpu.memory_space<vmem>>
      %dma_wait3A_326 = arith.constant 0 : i32
      %dma_wait3A_327 = arith.constant 0 : i32
      %dma_wait3A_328 = tpu.memref_slice %arg19[%dma_wait3A_326, %dma_wait3A_327] : memref<10112x128xf32, #tpu.memory_space<vmem_shared>> -> memref<10112x128xf32, #tpu.memory_space<vmem_shared>>
      tpu.wait_indirect_dma semaphore(%arg17 : memref<!tpu.dma_semaphore, #tpu.memory_space<semaphore_mem>>) src(%dma_wait3A_325 : memref<16x128xf32, #tpu.memory_space<vmem>>) dst(%dma_wait3A_328 : memref<10112x128xf32, #tpu.memory_space<vmem_shared>>)
      %dma_wait3A_329 = arith.constant 32 : i32
      %dma_wait3A_330 = arith.constant 0 : i32
      %dma_wait3A_331 = tpu.memref_slice %arg11[%dma_wait3A_329, %dma_wait3A_330] : memref<128x128xf32, #tpu.memory_space<vmem>> -> memref<16x128xf32, #tpu.memory_space<vmem>>
      %dma_wait3A_332 = arith.constant 0 : i32
      %dma_wait3A_333 = arith.constant 0 : i32
      %dma_wait3A_334 = tpu.memref_slice %arg19[%dma_wait3A_332, %dma_wait3A_333] : memref<10112x128xf32, #tpu.memory_space<vmem_shared>> -> memref<10112x128xf32, #tpu.memory_space<vmem_shared>>
      tpu.wait_indirect_dma semaphore(%arg17 : memref<!tpu.dma_semaphore, #tpu.memory_space<semaphore_mem>>) src(%dma_wait3A_331 : memref<16x128xf32, #tpu.memory_space<vmem>>) dst(%dma_wait3A_334 : memref<10112x128xf32, #tpu.memory_space<vmem_shared>>)
      %dma_wait3A_335 = arith.constant 48 : i32
      %dma_wait3A_336 = arith.constant 0 : i32
      %dma_wait3A_337 = tpu.memref_slice %arg11[%dma_wait3A_335, %dma_wait3A_336] : memref<128x128xf32, #tpu.memory_space<vmem>> -> memref<16x128xf32, #tpu.memory_space<vmem>>
      %dma_wait3A_338 = arith.constant 0 : i32
      %dma_wait3A_339 = arith.constant 0 : i32
      %dma_wait3A_340 = tpu.memref_slice %arg19[%dma_wait3A_338, %dma_wait3A_339] : memref<10112x128xf32, #tpu.memory_space<vmem_shared>> -> memref<10112x128xf32, #tpu.memory_space<vmem_shared>>
      tpu.wait_indirect_dma semaphore(%arg17 : memref<!tpu.dma_semaphore, #tpu.memory_space<semaphore_mem>>) src(%dma_wait3A_337 : memref<16x128xf32, #tpu.memory_space<vmem>>) dst(%dma_wait3A_340 : memref<10112x128xf32, #tpu.memory_space<vmem_shared>>)
      %dma_wait3A_341 = arith.constant 64 : i32
      %dma_wait3A_342 = arith.constant 0 : i32
      %dma_wait3A_343 = tpu.memref_slice %arg11[%dma_wait3A_341, %dma_wait3A_342] : memref<128x128xf32, #tpu.memory_space<vmem>> -> memref<16x128xf32, #tpu.memory_space<vmem>>
      %dma_wait3A_344 = arith.constant 0 : i32
      %dma_wait3A_345 = arith.constant 0 : i32
      %dma_wait3A_346 = tpu.memref_slice %arg19[%dma_wait3A_344, %dma_wait3A_345] : memref<10112x128xf32, #tpu.memory_space<vmem_shared>> -> memref<10112x128xf32, #tpu.memory_space<vmem_shared>>
      tpu.wait_indirect_dma semaphore(%arg17 : memref<!tpu.dma_semaphore, #tpu.memory_space<semaphore_mem>>) src(%dma_wait3A_343 : memref<16x128xf32, #tpu.memory_space<vmem>>) dst(%dma_wait3A_346 : memref<10112x128xf32, #tpu.memory_space<vmem_shared>>)
      %dma_wait3A_347 = arith.constant 80 : i32
      %dma_wait3A_348 = arith.constant 0 : i32
      %dma_wait3A_349 = tpu.memref_slice %arg11[%dma_wait3A_347, %dma_wait3A_348] : memref<128x128xf32, #tpu.memory_space<vmem>> -> memref<16x128xf32, #tpu.memory_space<vmem>>
      %dma_wait3A_350 = arith.constant 0 : i32
      %dma_wait3A_351 = arith.constant 0 : i32
      %dma_wait3A_352 = tpu.memref_slice %arg19[%dma_wait3A_350, %dma_wait3A_351] : memref<10112x128xf32, #tpu.memory_space<vmem_shared>> -> memref<10112x128xf32, #tpu.memory_space<vmem_shared>>
      tpu.wait_indirect_dma semaphore(%arg17 : memref<!tpu.dma_semaphore, #tpu.memory_space<semaphore_mem>>) src(%dma_wait3A_349 : memref<16x128xf32, #tpu.memory_space<vmem>>) dst(%dma_wait3A_352 : memref<10112x128xf32, #tpu.memory_space<vmem_shared>>)
      %dma_wait3A_353 = arith.constant 96 : i32
      %dma_wait3A_354 = arith.constant 0 : i32
      %dma_wait3A_355 = tpu.memref_slice %arg11[%dma_wait3A_353, %dma_wait3A_354] : memref<128x128xf32, #tpu.memory_space<vmem>> -> memref<16x128xf32, #tpu.memory_space<vmem>>
      %dma_wait3A_356 = arith.constant 0 : i32
      %dma_wait3A_357 = arith.constant 0 : i32
      %dma_wait3A_358 = tpu.memref_slice %arg19[%dma_wait3A_356, %dma_wait3A_357] : memref<10112x128xf32, #tpu.memory_space<vmem_shared>> -> memref<10112x128xf32, #tpu.memory_space<vmem_shared>>
      tpu.wait_indirect_dma semaphore(%arg17 : memref<!tpu.dma_semaphore, #tpu.memory_space<semaphore_mem>>) src(%dma_wait3A_355 : memref<16x128xf32, #tpu.memory_space<vmem>>) dst(%dma_wait3A_358 : memref<10112x128xf32, #tpu.memory_space<vmem_shared>>)
      %dma_wait3A_359 = arith.constant 112 : i32
      %dma_wait3A_360 = arith.constant 0 : i32
      %dma_wait3A_361 = tpu.memref_slice %arg11[%dma_wait3A_359, %dma_wait3A_360] : memref<128x128xf32, #tpu.memory_space<vmem>> -> memref<16x128xf32, #tpu.memory_space<vmem>>
      %dma_wait3A_362 = arith.constant 0 : i32
      %dma_wait3A_363 = arith.constant 0 : i32
      %dma_wait3A_364 = tpu.memref_slice %arg19[%dma_wait3A_362, %dma_wait3A_363] : memref<10112x128xf32, #tpu.memory_space<vmem_shared>> -> memref<10112x128xf32, #tpu.memory_space<vmem_shared>>
      tpu.wait_indirect_dma semaphore(%arg17 : memref<!tpu.dma_semaphore, #tpu.memory_space<semaphore_mem>>) src(%dma_wait3A_361 : memref<16x128xf32, #tpu.memory_space<vmem>>) dst(%dma_wait3A_364 : memref<10112x128xf32, #tpu.memory_space<vmem_shared>>)
      %add3A_365 = arith.constant 1 : i32
      %add3A_366 = arith.addi %mul3A_95, %add3A_365 : i32
      %add3A_367 = arith.constant 2 : i32
      %add3A_368 = arith.addi %add3A_366, %add3A_367 : i32
      %lt3A_369 = arith.constant 158 : i32
      %lt3A_370 = arith.cmpi slt, %add3A_368, %lt3A_369 : i32
      %convert_element_type3A_371 = arith.extui %lt3A_370 : i1 to i32
      %cond3A_372 = arith.constant 0 : i32
      %cond3A_373 = arith.cmpi ne, %convert_element_type3A_371, %cond3A_372 : i32
      scf.if %cond3A_373 {
        %dma_wait3A_374 = arith.constant 0 : i32
        %dma_wait3A_375 = arith.constant 0 : i32
        %dma_wait3A_376 = tpu.memref_slice %arg3[%arg0, %arg1, %dma_wait3A_374, %dma_wait3A_375] : memref<2x16x158x128xi32, #tpu.memory_space<hbm>> -> memref<1x1x1x128xi32, #tpu.memory_space<hbm>>
        %dma_wait3A_377 = tpu.memref_squeeze %dma_wait3A_376 : memref<1x1x1x128xi32, #tpu.memory_space<hbm>> -> memref<128xi32, #tpu.memory_space<hbm>>
        %dma_wait3A_378 = arith.constant 0 : i32
        %dma_wait3A_379 = tpu.memref_slice %arg3[%arg0, %arg1, %dma_wait3A_374, %dma_wait3A_378] : memref<2x16x158x128xi32, #tpu.memory_space<hbm>> -> memref<1x1x1x128xi32, #tpu.memory_space<hbm>>
        %dma_wait3A_380 = tpu.memref_squeeze %dma_wait3A_379 : memref<1x1x1x128xi32, #tpu.memory_space<hbm>> -> memref<128xi32, #tpu.memory_space<hbm>>
        tpu.wait_dma2 semaphore(%arg13 : memref<!tpu.dma_semaphore, #tpu.memory_space<semaphore_mem>>) src(%dma_wait3A_380 : memref<128xi32, #tpu.memory_space<hbm>>) dst(%arg7 : memref<128xi32, #tpu.memory_space<vmem>>)
        %dma_wait3A_381 = arith.constant 0 : i32
        %dma_wait3A_382 = arith.constant 0 : i32
        %dma_wait3A_383 = tpu.memref_slice %arg4[%arg1, %dma_wait3A_381, %dma_wait3A_382] : memref<16x158x128xi32, #tpu.memory_space<hbm>> -> memref<1x1x128xi32, #tpu.memory_space<hbm>>
        %dma_wait3A_384 = tpu.memref_squeeze %dma_wait3A_383 : memref<1x1x128xi32, #tpu.memory_space<hbm>> -> memref<128xi32, #tpu.memory_space<hbm>>
        %dma_wait3A_385 = arith.constant 0 : i32
        %dma_wait3A_386 = tpu.memref_slice %arg4[%arg1, %dma_wait3A_381, %dma_wait3A_385] : memref<16x158x128xi32, #tpu.memory_space<hbm>> -> memref<1x1x128xi32, #tpu.memory_space<hbm>>
        %dma_wait3A_387 = tpu.memref_squeeze %dma_wait3A_386 : memref<1x1x128xi32, #tpu.memory_space<hbm>> -> memref<128xi32, #tpu.memory_space<hbm>>
        tpu.wait_dma2 semaphore(%arg13 : memref<!tpu.dma_semaphore, #tpu.memory_space<semaphore_mem>>) src(%dma_wait3A_387 : memref<128xi32, #tpu.memory_space<hbm>>) dst(%arg9 : memref<128xi32, #tpu.memory_space<vmem>>)
        %dma_start3A_388 = arith.constant 0 : i32
        %dma_start3A_389 = arith.constant 0 : i32
        %dma_start3A_390 = tpu.memref_slice %arg2[%dma_start3A_388, %dma_start3A_389] : memref<20224x128xf32, #tpu.memory_space<hbm>> -> memref<20224x128xf32, #tpu.memory_space<hbm>>
        tpu.enqueue_indirect_dma source(%dma_start3A_390 : memref<20224x128xf32, #tpu.memory_space<hbm>>) target(%arg11 : memref<128x128xf32, #tpu.memory_space<vmem>>) offsets(%arg7 : memref<128xi32, #tpu.memory_space<vmem>>) semaphore(%arg15 : memref<!tpu.dma_semaphore, #tpu.memory_space<semaphore_mem>>)
      } else {
      }
    }
    %scan3A_77 = arith.constant 79 : i32
    %barrier3A_78 = arith.constant 0 : index
    tpu.barrier barrier_id(%barrier3A_78)
    %mul3A_79 = arith.constant 632 : i32
    %mul3A_80 = arith.muli %arg1, %mul3A_79 : i32
    %mul3A_81 = arith.constant 632 : i32
    %mul3A_82 = arith.muli %arg1, %mul3A_81 : i32
    %dma_start3A_83 = arith.constant 0 : i32
    %dma_start3A_84 = tpu.memref_slice %arg5[%arg0, %mul3A_82, %dma_start3A_83] : memref<2x10112x128xf32, #tpu.memory_space<hbm>> -> memref<1x632x128xf32, #tpu.memory_space<hbm>>
    %dma_start3A_85 = tpu.memref_squeeze %dma_start3A_84 : memref<1x632x128xf32, #tpu.memory_space<hbm>> -> memref<632x128xf32, #tpu.memory_space<hbm>>
    %dma_start3A_86 = arith.constant 0 : i32
    %dma_start3A_87 = tpu.memref_slice %arg19[%mul3A_80, %dma_start3A_86] : memref<10112x128xf32, #tpu.memory_space<vmem_shared>> -> memref<632x128xf32, #tpu.memory_space<vmem_shared>>
    tpu.enqueue_dma source(%dma_start3A_87 : memref<632x128xf32, #tpu.memory_space<vmem_shared>>) target(%dma_start3A_85 : memref<632x128xf32, #tpu.memory_space<hbm>>) target_semaphore(%arg18 : memref<!tpu.dma_semaphore, #tpu.memory_space<semaphore_mem>>)
    %dma_wait3A_88 = arith.constant 0 : i32
    %dma_wait3A_89 = tpu.memref_slice %arg5[%arg0, %mul3A_82, %dma_wait3A_88] : memref<2x10112x128xf32, #tpu.memory_space<hbm>> -> memref<1x632x128xf32, #tpu.memory_space<hbm>>
    %dma_wait3A_90 = tpu.memref_squeeze %dma_wait3A_89 : memref<1x632x128xf32, #tpu.memory_space<hbm>> -> memref<632x128xf32, #tpu.memory_space<hbm>>
    %dma_wait3A_91 = arith.constant 0 : i32
    %dma_wait3A_92 = tpu.memref_slice %arg19[%mul3A_80, %dma_wait3A_91] : memref<10112x128xf32, #tpu.memory_space<vmem_shared>> -> memref<632x128xf32, #tpu.memory_space<vmem_shared>>
    tpu.wait_dma2 semaphore(%arg18 : memref<!tpu.dma_semaphore, #tpu.memory_space<semaphore_mem>>) src(%dma_wait3A_92 : memref<632x128xf32, #tpu.memory_space<vmem_shared>>) dst(%dma_wait3A_90 : memref<632x128xf32, #tpu.memory_space<hbm>>)
    return
  }
}

#map = affine_map<(d0, d1) -> (0, 0, 0)>
#map1 = affine_map<(d0, d1) -> (0, 0)>
module attributes {stable_mosaic.version = 14 : i64} {
  func.func @_deg_body(%arg0: i32, %arg1: i32, %arg2: memref<32x80x128xi32, #tpu.memory_space<hbm>>, %arg3: memref<10112x128xf32, #tpu.memory_space<hbm>>, %arg4: memref<16x128xf32, #tpu.memory_space<hbm>>, %arg5: memref<2x10112x128xf32, #tpu.memory_space<hbm>>, %arg6: memref<16x128xf32, #tpu.memory_space<vmem>>, %arg7: memref<128xi32, #tpu.memory_space<vmem>>, %arg8: memref<128xi32, #tpu.memory_space<vmem>>, %arg9: memref<!tpu.dma_semaphore, #tpu.memory_space<semaphore_mem>>, %arg10: memref<!tpu.dma_semaphore, #tpu.memory_space<semaphore_mem>>, %arg11: memref<!tpu.dma_semaphore, #tpu.memory_space<semaphore_mem>>, %arg12: memref<!tpu.dma_semaphore, #tpu.memory_space<semaphore_mem>>, %arg13: memref<10112x128xf32, #tpu.memory_space<vmem_shared>>) attributes {dimension_semantics = [#tpu.dimension_semantics<core_parallel>, #tpu.dimension_semantics<subcore_parallel>], iteration_bounds = array<i64: 2, 16>, scalar_prefetch = 0 : i64, scratch_operands = 8 : i64, tpu.core_type = #tpu.core_type<sc_vector_subcore>, window_params = [{transform_indices = #map}, {transform_indices = #map1}, {transform_indices = #map1}, {transform_indices = #map}]} {
    %mul3A = arith.constant 16 : i32
    %mul3A_0 = arith.muli %arg0, %mul3A : i32
    %add3A = arith.addi %mul3A_0, %arg1 : i32
    tpu.enqueue_dma source(%arg4 : memref<16x128xf32, #tpu.memory_space<hbm>>) target(%arg6 : memref<16x128xf32, #tpu.memory_space<vmem>>) target_semaphore(%arg12 : memref<!tpu.dma_semaphore, #tpu.memory_space<semaphore_mem>>)
    tpu.wait_dma2 semaphore(%arg12 : memref<!tpu.dma_semaphore, #tpu.memory_space<semaphore_mem>>) src(%arg4 : memref<16x128xf32, #tpu.memory_space<hbm>>) dst(%arg6 : memref<16x128xf32, #tpu.memory_space<vmem>>)
    %mul3A_1 = arith.constant 632 : i32
    %mul3A_2 = arith.muli %arg1, %mul3A_1 : i32
    %mul3A_3 = arith.constant 632 : i32
    %mul3A_4 = arith.muli %arg1, %mul3A_3 : i32
    %dma_start3A = arith.constant 0 : i32
    %dma_start3A_5 = tpu.memref_slice %arg13[%mul3A_4, %dma_start3A] : memref<10112x128xf32, #tpu.memory_space<vmem_shared>> -> memref<632x128xf32, #tpu.memory_space<vmem_shared>>
    %dma_start3A_6 = arith.constant 0 : i32
    %dma_start3A_7 = tpu.memref_slice %arg3[%mul3A_2, %dma_start3A_6] : memref<10112x128xf32, #tpu.memory_space<hbm>> -> memref<632x128xf32, #tpu.memory_space<hbm>>
    tpu.enqueue_dma source(%dma_start3A_7 : memref<632x128xf32, #tpu.memory_space<hbm>>) target(%dma_start3A_5 : memref<632x128xf32, #tpu.memory_space<vmem_shared>>) target_semaphore(%arg12 : memref<!tpu.dma_semaphore, #tpu.memory_space<semaphore_mem>>)
    %dma_wait3A = arith.constant 0 : i32
    %dma_wait3A_8 = tpu.memref_slice %arg13[%mul3A_4, %dma_wait3A] : memref<10112x128xf32, #tpu.memory_space<vmem_shared>> -> memref<632x128xf32, #tpu.memory_space<vmem_shared>>
    %dma_wait3A_9 = arith.constant 0 : i32
    %dma_wait3A_10 = tpu.memref_slice %arg3[%mul3A_2, %dma_wait3A_9] : memref<10112x128xf32, #tpu.memory_space<hbm>> -> memref<632x128xf32, #tpu.memory_space<hbm>>
    tpu.wait_dma2 semaphore(%arg12 : memref<!tpu.dma_semaphore, #tpu.memory_space<semaphore_mem>>) src(%dma_wait3A_10 : memref<632x128xf32, #tpu.memory_space<hbm>>) dst(%dma_wait3A_8 : memref<632x128xf32, #tpu.memory_space<vmem_shared>>)
    %dma_start3A_11 = arith.constant 0 : i32
    %dma_start3A_12 = arith.constant 0 : i32
    %dma_start3A_13 = tpu.memref_slice %arg2[%add3A, %dma_start3A_11, %dma_start3A_12] : memref<32x80x128xi32, #tpu.memory_space<hbm>> -> memref<1x1x128xi32, #tpu.memory_space<hbm>>
    %dma_start3A_14 = tpu.memref_squeeze %dma_start3A_13 : memref<1x1x128xi32, #tpu.memory_space<hbm>> -> memref<128xi32, #tpu.memory_space<hbm>>
    %dma_start3A_15 = arith.constant 0 : i32
    %dma_start3A_16 = tpu.memref_slice %arg2[%add3A, %dma_start3A_11, %dma_start3A_15] : memref<32x80x128xi32, #tpu.memory_space<hbm>> -> memref<1x1x128xi32, #tpu.memory_space<hbm>>
    %dma_start3A_17 = tpu.memref_squeeze %dma_start3A_16 : memref<1x1x128xi32, #tpu.memory_space<hbm>> -> memref<128xi32, #tpu.memory_space<hbm>>
    tpu.enqueue_dma source(%dma_start3A_17 : memref<128xi32, #tpu.memory_space<hbm>>) target(%arg7 : memref<128xi32, #tpu.memory_space<vmem>>) target_semaphore(%arg9 : memref<!tpu.dma_semaphore, #tpu.memory_space<semaphore_mem>>)
    %dma_start3A_18 = arith.constant 1 : i32
    %dma_start3A_19 = arith.constant 0 : i32
    %dma_start3A_20 = tpu.memref_slice %arg2[%add3A, %dma_start3A_18, %dma_start3A_19] : memref<32x80x128xi32, #tpu.memory_space<hbm>> -> memref<1x1x128xi32, #tpu.memory_space<hbm>>
    %dma_start3A_21 = tpu.memref_squeeze %dma_start3A_20 : memref<1x1x128xi32, #tpu.memory_space<hbm>> -> memref<128xi32, #tpu.memory_space<hbm>>
    %dma_start3A_22 = arith.constant 0 : i32
    %dma_start3A_23 = tpu.memref_slice %arg2[%add3A, %dma_start3A_18, %dma_start3A_22] : memref<32x80x128xi32, #tpu.memory_space<hbm>> -> memref<1x1x128xi32, #tpu.memory_space<hbm>>
    %dma_start3A_24 = tpu.memref_squeeze %dma_start3A_23 : memref<1x1x128xi32, #tpu.memory_space<hbm>> -> memref<128xi32, #tpu.memory_space<hbm>>
    tpu.enqueue_dma source(%dma_start3A_24 : memref<128xi32, #tpu.memory_space<hbm>>) target(%arg8 : memref<128xi32, #tpu.memory_space<vmem>>) target_semaphore(%arg10 : memref<!tpu.dma_semaphore, #tpu.memory_space<semaphore_mem>>)
    %barrier3A = arith.constant 0 : index
    tpu.barrier barrier_id(%barrier3A)
    %scan3A = arith.constant 0 : i32
    %scan3A_25 = arith.constant 0 : i32
    %scan3A_26 = arith.constant 40 : i32
    %scan3A_27 = arith.addi %scan3A_25, %scan3A_26 : i32
    %scan3A_28 = arith.constant 1 : i32
    scf.for %scan3A_51 = %scan3A_25 to %scan3A_27 step %scan3A_28  : i32 {
      %mul3A_52 = arith.constant 2 : i32
      %mul3A_53 = arith.muli %mul3A_52, %scan3A_51 : i32
      %dma_wait3A_54 = arith.constant 0 : i32
      %dma_wait3A_55 = arith.constant 0 : i32
      %dma_wait3A_56 = tpu.memref_slice %arg2[%add3A, %dma_wait3A_54, %dma_wait3A_55] : memref<32x80x128xi32, #tpu.memory_space<hbm>> -> memref<1x1x128xi32, #tpu.memory_space<hbm>>
      %dma_wait3A_57 = tpu.memref_squeeze %dma_wait3A_56 : memref<1x1x128xi32, #tpu.memory_space<hbm>> -> memref<128xi32, #tpu.memory_space<hbm>>
      %dma_wait3A_58 = arith.constant 0 : i32
      %dma_wait3A_59 = tpu.memref_slice %arg2[%add3A, %dma_wait3A_54, %dma_wait3A_58] : memref<32x80x128xi32, #tpu.memory_space<hbm>> -> memref<1x1x128xi32, #tpu.memory_space<hbm>>
      %dma_wait3A_60 = tpu.memref_squeeze %dma_wait3A_59 : memref<1x1x128xi32, #tpu.memory_space<hbm>> -> memref<128xi32, #tpu.memory_space<hbm>>
      tpu.wait_dma2 semaphore(%arg9 : memref<!tpu.dma_semaphore, #tpu.memory_space<semaphore_mem>>) src(%dma_wait3A_60 : memref<128xi32, #tpu.memory_space<hbm>>) dst(%arg7 : memref<128xi32, #tpu.memory_space<vmem>>)
      %get3A = arith.constant 0 : index
      %get3A_61 = tpu.vector_load %arg7[%get3A] {strides = array<i32>} : memref<128xi32, #tpu.memory_space<vmem>>, vector<16xi32>,
      %get3A_62 = vector.shape_cast %get3A_61 : vector<16xi32> to vector<16xi32>
      %dma_start3A_63 = arith.constant 0 : i32
      %dma_start3A_64 = arith.constant 0 : i32
      %dma_start3A_65 = tpu.memref_slice %arg13[%dma_start3A_63, %dma_start3A_64] : memref<10112x128xf32, #tpu.memory_space<vmem_shared>> -> memref<10112x128xf32, #tpu.memory_space<vmem_shared>>
      tpu.enqueue_indirect_dma source(%arg6 : memref<16x128xf32, #tpu.memory_space<vmem>>) target(%dma_start3A_65 : memref<10112x128xf32, #tpu.memory_space<vmem_shared>>) offsets(%get3A_62 : vector<16xi32>) semaphore(%arg11 : memref<!tpu.dma_semaphore, #tpu.memory_space<semaphore_mem>>) {add = true}
      %get3A_66 = arith.constant 16 : index
      %get3A_67 = tpu.vector_load %arg7[%get3A_66] {strides = array<i32>} : memref<128xi32, #tpu.memory_space<vmem>>, vector<16xi32>,
      %get3A_68 = vector.shape_cast %get3A_67 : vector<16xi32> to vector<16xi32>
      %dma_start3A_69 = arith.constant 0 : i32
      %dma_start3A_70 = arith.constant 0 : i32
      %dma_start3A_71 = tpu.memref_slice %arg13[%dma_start3A_69, %dma_start3A_70] : memref<10112x128xf32, #tpu.memory_space<vmem_shared>> -> memref<10112x128xf32, #tpu.memory_space<vmem_shared>>
      tpu.enqueue_indirect_dma source(%arg6 : memref<16x128xf32, #tpu.memory_space<vmem>>) target(%dma_start3A_71 : memref<10112x128xf32, #tpu.memory_space<vmem_shared>>) offsets(%get3A_68 : vector<16xi32>) semaphore(%arg11 : memref<!tpu.dma_semaphore, #tpu.memory_space<semaphore_mem>>) {add = true}
      %get3A_72 = arith.constant 32 : index
      %get3A_73 = tpu.vector_load %arg7[%get3A_72] {strides = array<i32>} : memref<128xi32, #tpu.memory_space<vmem>>, vector<16xi32>,
      %get3A_74 = vector.shape_cast %get3A_73 : vector<16xi32> to vector<16xi32>
      %dma_start3A_75 = arith.constant 0 : i32
      %dma_start3A_76 = arith.constant 0 : i32
      %dma_start3A_77 = tpu.memref_slice %arg13[%dma_start3A_75, %dma_start3A_76] : memref<10112x128xf32, #tpu.memory_space<vmem_shared>> -> memref<10112x128xf32, #tpu.memory_space<vmem_shared>>
      tpu.enqueue_indirect_dma source(%arg6 : memref<16x128xf32, #tpu.memory_space<vmem>>) target(%dma_start3A_77 : memref<10112x128xf32, #tpu.memory_space<vmem_shared>>) offsets(%get3A_74 : vector<16xi32>) semaphore(%arg11 : memref<!tpu.dma_semaphore, #tpu.memory_space<semaphore_mem>>) {add = true}
      %get3A_78 = arith.constant 48 : index
      %get3A_79 = tpu.vector_load %arg7[%get3A_78] {strides = array<i32>} : memref<128xi32, #tpu.memory_space<vmem>>, vector<16xi32>,
      %get3A_80 = vector.shape_cast %get3A_79 : vector<16xi32> to vector<16xi32>
      %dma_start3A_81 = arith.constant 0 : i32
      %dma_start3A_82 = arith.constant 0 : i32
      %dma_start3A_83 = tpu.memref_slice %arg13[%dma_start3A_81, %dma_start3A_82] : memref<10112x128xf32, #tpu.memory_space<vmem_shared>> -> memref<10112x128xf32, #tpu.memory_space<vmem_shared>>
      tpu.enqueue_indirect_dma source(%arg6 : memref<16x128xf32, #tpu.memory_space<vmem>>) target(%dma_start3A_83 : memref<10112x128xf32, #tpu.memory_space<vmem_shared>>) offsets(%get3A_80 : vector<16xi32>) semaphore(%arg11 : memref<!tpu.dma_semaphore, #tpu.memory_space<semaphore_mem>>) {add = true}
      %get3A_84 = arith.constant 64 : index
      %get3A_85 = tpu.vector_load %arg7[%get3A_84] {strides = array<i32>} : memref<128xi32, #tpu.memory_space<vmem>>, vector<16xi32>,
      %get3A_86 = vector.shape_cast %get3A_85 : vector<16xi32> to vector<16xi32>
      %dma_start3A_87 = arith.constant 0 : i32
      %dma_start3A_88 = arith.constant 0 : i32
      %dma_start3A_89 = tpu.memref_slice %arg13[%dma_start3A_87, %dma_start3A_88] : memref<10112x128xf32, #tpu.memory_space<vmem_shared>> -> memref<10112x128xf32, #tpu.memory_space<vmem_shared>>
      tpu.enqueue_indirect_dma source(%arg6 : memref<16x128xf32, #tpu.memory_space<vmem>>) target(%dma_start3A_89 : memref<10112x128xf32, #tpu.memory_space<vmem_shared>>) offsets(%get3A_86 : vector<16xi32>) semaphore(%arg11 : memref<!tpu.dma_semaphore, #tpu.memory_space<semaphore_mem>>) {add = true}
      %get3A_90 = arith.constant 80 : index
      %get3A_91 = tpu.vector_load %arg7[%get3A_90] {strides = array<i32>} : memref<128xi32, #tpu.memory_space<vmem>>, vector<16xi32>,
      %get3A_92 = vector.shape_cast %get3A_91 : vector<16xi32> to vector<16xi32>
      %dma_start3A_93 = arith.constant 0 : i32
      %dma_start3A_94 = arith.constant 0 : i32
      %dma_start3A_95 = tpu.memref_slice %arg13[%dma_start3A_93, %dma_start3A_94] : memref<10112x128xf32, #tpu.memory_space<vmem_shared>> -> memref<10112x128xf32, #tpu.memory_space<vmem_shared>>
      tpu.enqueue_indirect_dma source(%arg6 : memref<16x128xf32, #tpu.memory_space<vmem>>) target(%dma_start3A_95 : memref<10112x128xf32, #tpu.memory_space<vmem_shared>>) offsets(%get3A_92 : vector<16xi32>) semaphore(%arg11 : memref<!tpu.dma_semaphore, #tpu.memory_space<semaphore_mem>>) {add = true}
      %get3A_96 = arith.constant 96 : index
      %get3A_97 = tpu.vector_load %arg7[%get3A_96] {strides = array<i32>} : memref<128xi32, #tpu.memory_space<vmem>>, vector<16xi32>,
      %get3A_98 = vector.shape_cast %get3A_97 : vector<16xi32> to vector<16xi32>
      %dma_start3A_99 = arith.constant 0 : i32
      %dma_start3A_100 = arith.constant 0 : i32
      %dma_start3A_101 = tpu.memref_slice %arg13[%dma_start3A_99, %dma_start3A_100] : memref<10112x128xf32, #tpu.memory_space<vmem_shared>> -> memref<10112x128xf32, #tpu.memory_space<vmem_shared>>
      tpu.enqueue_indirect_dma source(%arg6 : memref<16x128xf32, #tpu.memory_space<vmem>>) target(%dma_start3A_101 : memref<10112x128xf32, #tpu.memory_space<vmem_shared>>) offsets(%get3A_98 : vector<16xi32>) semaphore(%arg11 : memref<!tpu.dma_semaphore, #tpu.memory_space<semaphore_mem>>) {add = true}
      %get3A_102 = arith.constant 112 : index
      %get3A_103 = tpu.vector_load %arg7[%get3A_102] {strides = array<i32>} : memref<128xi32, #tpu.memory_space<vmem>>, vector<16xi32>,
      %get3A_104 = vector.shape_cast %get3A_103 : vector<16xi32> to vector<16xi32>
      %dma_start3A_105 = arith.constant 0 : i32
      %dma_start3A_106 = arith.constant 0 : i32
      %dma_start3A_107 = tpu.memref_slice %arg13[%dma_start3A_105, %dma_start3A_106] : memref<10112x128xf32, #tpu.memory_space<vmem_shared>> -> memref<10112x128xf32, #tpu.memory_space<vmem_shared>>
      tpu.enqueue_indirect_dma source(%arg6 : memref<16x128xf32, #tpu.memory_space<vmem>>) target(%dma_start3A_107 : memref<10112x128xf32, #tpu.memory_space<vmem_shared>>) offsets(%get3A_104 : vector<16xi32>) semaphore(%arg11 : memref<!tpu.dma_semaphore, #tpu.memory_space<semaphore_mem>>) {add = true}
      %add3A_108 = arith.constant 0 : i32
      %add3A_109 = arith.addi %mul3A_53, %add3A_108 : i32
      %add3A_110 = arith.constant 2 : i32
      %add3A_111 = arith.addi %add3A_109, %add3A_110 : i32
      %lt3A = arith.constant 80 : i32
      %lt3A_112 = arith.cmpi slt, %add3A_111, %lt3A : i32
      %convert_element_type3A = arith.extui %lt3A_112 : i1 to i32
      %cond3A = arith.constant 0 : i32
      %cond3A_113 = arith.cmpi ne, %convert_element_type3A, %cond3A : i32
      scf.if %cond3A_113 {
        %add3A_178 = arith.constant 0 : i32
        %add3A_179 = arith.addi %mul3A_53, %add3A_178 : i32
        %add3A_180 = arith.constant 2 : i32
        %add3A_181 = arith.addi %add3A_179, %add3A_180 : i32
        %dma_start3A_182 = arith.constant 0 : i32
        %dma_start3A_183 = tpu.memref_slice %arg2[%add3A, %add3A_181, %dma_start3A_182] : memref<32x80x128xi32, #tpu.memory_space<hbm>> -> memref<1x1x128xi32, #tpu.memory_space<hbm>>
        %dma_start3A_184 = tpu.memref_squeeze %dma_start3A_183 : memref<1x1x128xi32, #tpu.memory_space<hbm>> -> memref<128xi32, #tpu.memory_space<hbm>>
        %dma_start3A_185 = arith.constant 0 : i32
        %dma_start3A_186 = tpu.memref_slice %arg2[%add3A, %add3A_181, %dma_start3A_185] : memref<32x80x128xi32, #tpu.memory_space<hbm>> -> memref<1x1x128xi32, #tpu.memory_space<hbm>>
        %dma_start3A_187 = tpu.memref_squeeze %dma_start3A_186 : memref<1x1x128xi32, #tpu.memory_space<hbm>> -> memref<128xi32, #tpu.memory_space<hbm>>
        tpu.enqueue_dma source(%dma_start3A_187 : memref<128xi32, #tpu.memory_space<hbm>>) target(%arg7 : memref<128xi32, #tpu.memory_space<vmem>>) target_semaphore(%arg9 : memref<!tpu.dma_semaphore, #tpu.memory_space<semaphore_mem>>)
      } else {
      }
      %dma_wait3A_114 = arith.constant 0 : i32
      %dma_wait3A_115 = arith.constant 0 : i32
      %dma_wait3A_116 = tpu.memref_slice %arg2[%add3A, %dma_wait3A_114, %dma_wait3A_115] : memref<32x80x128xi32, #tpu.memory_space<hbm>> -> memref<1x1x128xi32, #tpu.memory_space<hbm>>
      %dma_wait3A_117 = tpu.memref_squeeze %dma_wait3A_116 : memref<1x1x128xi32, #tpu.memory_space<hbm>> -> memref<128xi32, #tpu.memory_space<hbm>>
      %dma_wait3A_118 = arith.constant 0 : i32
      %dma_wait3A_119 = tpu.memref_slice %arg2[%add3A, %dma_wait3A_114, %dma_wait3A_118] : memref<32x80x128xi32, #tpu.memory_space<hbm>> -> memref<1x1x128xi32, #tpu.memory_space<hbm>>
      %dma_wait3A_120 = tpu.memref_squeeze %dma_wait3A_119 : memref<1x1x128xi32, #tpu.memory_space<hbm>> -> memref<128xi32, #tpu.memory_space<hbm>>
      tpu.wait_dma2 semaphore(%arg10 : memref<!tpu.dma_semaphore, #tpu.memory_space<semaphore_mem>>) src(%dma_wait3A_120 : memref<128xi32, #tpu.memory_space<hbm>>) dst(%arg8 : memref<128xi32, #tpu.memory_space<vmem>>)
      %get3A_121 = arith.constant 0 : index
      %get3A_122 = tpu.vector_load %arg8[%get3A_121] {strides = array<i32>} : memref<128xi32, #tpu.memory_space<vmem>>, vector<16xi32>,
      %get3A_123 = vector.shape_cast %get3A_122 : vector<16xi32> to vector<16xi32>
      %dma_start3A_124 = arith.constant 0 : i32
      %dma_start3A_125 = arith.constant 0 : i32
      %dma_start3A_126 = tpu.memref_slice %arg13[%dma_start3A_124, %dma_start3A_125] : memref<10112x128xf32, #tpu.memory_space<vmem_shared>> -> memref<10112x128xf32, #tpu.memory_space<vmem_shared>>
      tpu.enqueue_indirect_dma source(%arg6 : memref<16x128xf32, #tpu.memory_space<vmem>>) target(%dma_start3A_126 : memref<10112x128xf32, #tpu.memory_space<vmem_shared>>) offsets(%get3A_123 : vector<16xi32>) semaphore(%arg11 : memref<!tpu.dma_semaphore, #tpu.memory_space<semaphore_mem>>) {add = true}
      %get3A_127 = arith.constant 16 : index
      %get3A_128 = tpu.vector_load %arg8[%get3A_127] {strides = array<i32>} : memref<128xi32, #tpu.memory_space<vmem>>, vector<16xi32>,
      %get3A_129 = vector.shape_cast %get3A_128 : vector<16xi32> to vector<16xi32>
      %dma_start3A_130 = arith.constant 0 : i32
      %dma_start3A_131 = arith.constant 0 : i32
      %dma_start3A_132 = tpu.memref_slice %arg13[%dma_start3A_130, %dma_start3A_131] : memref<10112x128xf32, #tpu.memory_space<vmem_shared>> -> memref<10112x128xf32, #tpu.memory_space<vmem_shared>>
      tpu.enqueue_indirect_dma source(%arg6 : memref<16x128xf32, #tpu.memory_space<vmem>>) target(%dma_start3A_132 : memref<10112x128xf32, #tpu.memory_space<vmem_shared>>) offsets(%get3A_129 : vector<16xi32>) semaphore(%arg11 : memref<!tpu.dma_semaphore, #tpu.memory_space<semaphore_mem>>) {add = true}
      %get3A_133 = arith.constant 32 : index
      %get3A_134 = tpu.vector_load %arg8[%get3A_133] {strides = array<i32>} : memref<128xi32, #tpu.memory_space<vmem>>, vector<16xi32>,
      %get3A_135 = vector.shape_cast %get3A_134 : vector<16xi32> to vector<16xi32>
      %dma_start3A_136 = arith.constant 0 : i32
      %dma_start3A_137 = arith.constant 0 : i32
      %dma_start3A_138 = tpu.memref_slice %arg13[%dma_start3A_136, %dma_start3A_137] : memref<10112x128xf32, #tpu.memory_space<vmem_shared>> -> memref<10112x128xf32, #tpu.memory_space<vmem_shared>>
      tpu.enqueue_indirect_dma source(%arg6 : memref<16x128xf32, #tpu.memory_space<vmem>>) target(%dma_start3A_138 : memref<10112x128xf32, #tpu.memory_space<vmem_shared>>) offsets(%get3A_135 : vector<16xi32>) semaphore(%arg11 : memref<!tpu.dma_semaphore, #tpu.memory_space<semaphore_mem>>) {add = true}
      %get3A_139 = arith.constant 48 : index
      %get3A_140 = tpu.vector_load %arg8[%get3A_139] {strides = array<i32>} : memref<128xi32, #tpu.memory_space<vmem>>, vector<16xi32>,
      %get3A_141 = vector.shape_cast %get3A_140 : vector<16xi32> to vector<16xi32>
      %dma_start3A_142 = arith.constant 0 : i32
      %dma_start3A_143 = arith.constant 0 : i32
      %dma_start3A_144 = tpu.memref_slice %arg13[%dma_start3A_142, %dma_start3A_143] : memref<10112x128xf32, #tpu.memory_space<vmem_shared>> -> memref<10112x128xf32, #tpu.memory_space<vmem_shared>>
      tpu.enqueue_indirect_dma source(%arg6 : memref<16x128xf32, #tpu.memory_space<vmem>>) target(%dma_start3A_144 : memref<10112x128xf32, #tpu.memory_space<vmem_shared>>) offsets(%get3A_141 : vector<16xi32>) semaphore(%arg11 : memref<!tpu.dma_semaphore, #tpu.memory_space<semaphore_mem>>) {add = true}
      %get3A_145 = arith.constant 64 : index
      %get3A_146 = tpu.vector_load %arg8[%get3A_145] {strides = array<i32>} : memref<128xi32, #tpu.memory_space<vmem>>, vector<16xi32>,
      %get3A_147 = vector.shape_cast %get3A_146 : vector<16xi32> to vector<16xi32>
      %dma_start3A_148 = arith.constant 0 : i32
      %dma_start3A_149 = arith.constant 0 : i32
      %dma_start3A_150 = tpu.memref_slice %arg13[%dma_start3A_148, %dma_start3A_149] : memref<10112x128xf32, #tpu.memory_space<vmem_shared>> -> memref<10112x128xf32, #tpu.memory_space<vmem_shared>>
      tpu.enqueue_indirect_dma source(%arg6 : memref<16x128xf32, #tpu.memory_space<vmem>>) target(%dma_start3A_150 : memref<10112x128xf32, #tpu.memory_space<vmem_shared>>) offsets(%get3A_147 : vector<16xi32>) semaphore(%arg11 : memref<!tpu.dma_semaphore, #tpu.memory_space<semaphore_mem>>) {add = true}
      %get3A_151 = arith.constant 80 : index
      %get3A_152 = tpu.vector_load %arg8[%get3A_151] {strides = array<i32>} : memref<128xi32, #tpu.memory_space<vmem>>, vector<16xi32>,
      %get3A_153 = vector.shape_cast %get3A_152 : vector<16xi32> to vector<16xi32>
      %dma_start3A_154 = arith.constant 0 : i32
      %dma_start3A_155 = arith.constant 0 : i32
      %dma_start3A_156 = tpu.memref_slice %arg13[%dma_start3A_154, %dma_start3A_155] : memref<10112x128xf32, #tpu.memory_space<vmem_shared>> -> memref<10112x128xf32, #tpu.memory_space<vmem_shared>>
      tpu.enqueue_indirect_dma source(%arg6 : memref<16x128xf32, #tpu.memory_space<vmem>>) target(%dma_start3A_156 : memref<10112x128xf32, #tpu.memory_space<vmem_shared>>) offsets(%get3A_153 : vector<16xi32>) semaphore(%arg11 : memref<!tpu.dma_semaphore, #tpu.memory_space<semaphore_mem>>) {add = true}
      %get3A_157 = arith.constant 96 : index
      %get3A_158 = tpu.vector_load %arg8[%get3A_157] {strides = array<i32>} : memref<128xi32, #tpu.memory_space<vmem>>, vector<16xi32>,
      %get3A_159 = vector.shape_cast %get3A_158 : vector<16xi32> to vector<16xi32>
      %dma_start3A_160 = arith.constant 0 : i32
      %dma_start3A_161 = arith.constant 0 : i32
      %dma_start3A_162 = tpu.memref_slice %arg13[%dma_start3A_160, %dma_start3A_161] : memref<10112x128xf32, #tpu.memory_space<vmem_shared>> -> memref<10112x128xf32, #tpu.memory_space<vmem_shared>>
      tpu.enqueue_indirect_dma source(%arg6 : memref<16x128xf32, #tpu.memory_space<vmem>>) target(%dma_start3A_162 : memref<10112x128xf32, #tpu.memory_space<vmem_shared>>) offsets(%get3A_159 : vector<16xi32>) semaphore(%arg11 : memref<!tpu.dma_semaphore, #tpu.memory_space<semaphore_mem>>) {add = true}
      %get3A_163 = arith.constant 112 : index
      %get3A_164 = tpu.vector_load %arg8[%get3A_163] {strides = array<i32>} : memref<128xi32, #tpu.memory_space<vmem>>, vector<16xi32>,
      %get3A_165 = vector.shape_cast %get3A_164 : vector<16xi32> to vector<16xi32>
      %dma_start3A_166 = arith.constant 0 : i32
      %dma_start3A_167 = arith.constant 0 : i32
      %dma_start3A_168 = tpu.memref_slice %arg13[%dma_start3A_166, %dma_start3A_167] : memref<10112x128xf32, #tpu.memory_space<vmem_shared>> -> memref<10112x128xf32, #tpu.memory_space<vmem_shared>>
      tpu.enqueue_indirect_dma source(%arg6 : memref<16x128xf32, #tpu.memory_space<vmem>>) target(%dma_start3A_168 : memref<10112x128xf32, #tpu.memory_space<vmem_shared>>) offsets(%get3A_165 : vector<16xi32>) semaphore(%arg11 : memref<!tpu.dma_semaphore, #tpu.memory_space<semaphore_mem>>) {add = true}
      %add3A_169 = arith.constant 1 : i32
      %add3A_170 = arith.addi %mul3A_53, %add3A_169 : i32
      %add3A_171 = arith.constant 2 : i32
      %add3A_172 = arith.addi %add3A_170, %add3A_171 : i32
      %lt3A_173 = arith.constant 80 : i32
      %lt3A_174 = arith.cmpi slt, %add3A_172, %lt3A_173 : i32
      %convert_element_type3A_175 = arith.extui %lt3A_174 : i1 to i32
      %cond3A_176 = arith.constant 0 : i32
      %cond3A_177 = arith.cmpi ne, %convert_element_type3A_175, %cond3A_176 : i32
      scf.if %cond3A_177 {
        %add3A_178 = arith.constant 1 : i32
        %add3A_179 = arith.addi %mul3A_53, %add3A_178 : i32
        %add3A_180 = arith.constant 2 : i32
        %add3A_181 = arith.addi %add3A_179, %add3A_180 : i32
        %dma_start3A_182 = arith.constant 0 : i32
        %dma_start3A_183 = tpu.memref_slice %arg2[%add3A, %add3A_181, %dma_start3A_182] : memref<32x80x128xi32, #tpu.memory_space<hbm>> -> memref<1x1x128xi32, #tpu.memory_space<hbm>>
        %dma_start3A_184 = tpu.memref_squeeze %dma_start3A_183 : memref<1x1x128xi32, #tpu.memory_space<hbm>> -> memref<128xi32, #tpu.memory_space<hbm>>
        %dma_start3A_185 = arith.constant 0 : i32
        %dma_start3A_186 = tpu.memref_slice %arg2[%add3A, %add3A_181, %dma_start3A_185] : memref<32x80x128xi32, #tpu.memory_space<hbm>> -> memref<1x1x128xi32, #tpu.memory_space<hbm>>
        %dma_start3A_187 = tpu.memref_squeeze %dma_start3A_186 : memref<1x1x128xi32, #tpu.memory_space<hbm>> -> memref<128xi32, #tpu.memory_space<hbm>>
        tpu.enqueue_dma source(%dma_start3A_187 : memref<128xi32, #tpu.memory_space<hbm>>) target(%arg8 : memref<128xi32, #tpu.memory_space<vmem>>) target_semaphore(%arg10 : memref<!tpu.dma_semaphore, #tpu.memory_space<semaphore_mem>>)
      } else {
      }
    }
    %scan3A_29 = arith.constant 40 : i32
    %iota3A = tpu.iota {dimensions = array<i32: 0>} : vector<16xi32>
    %scan3A_30 = arith.constant 0 : i32
    %scan3A_31 = arith.constant 0 : i32
    %scan3A_32 = arith.constant 640 : i32
    %scan3A_33 = arith.addi %scan3A_31, %scan3A_32 : i32
    %scan3A_34 = arith.constant 1 : i32
    scf.for %scan3A_51 = %scan3A_31 to %scan3A_33 step %scan3A_34  : i32 {
      %dma_wait3A_52 = arith.constant 0 : i32
      %dma_wait3A_53 = arith.constant 0 : i32
      %dma_wait3A_54 = tpu.memref_slice %arg13[%dma_wait3A_52, %dma_wait3A_53] : memref<10112x128xf32, #tpu.memory_space<vmem_shared>> -> memref<10112x128xf32, #tpu.memory_space<vmem_shared>>
      tpu.wait_indirect_dma semaphore(%arg11 : memref<!tpu.dma_semaphore, #tpu.memory_space<semaphore_mem>>) src(%arg6 : memref<16x128xf32, #tpu.memory_space<vmem>>) dst(%dma_wait3A_54 : memref<10112x128xf32, #tpu.memory_space<vmem_shared>>)
    }
    %scan3A_35 = arith.constant 640 : i32
    %barrier3A_36 = arith.constant 0 : index
    tpu.barrier barrier_id(%barrier3A_36)
    %mul3A_37 = arith.constant 632 : i32
    %mul3A_38 = arith.muli %arg1, %mul3A_37 : i32
    %mul3A_39 = arith.constant 632 : i32
    %mul3A_40 = arith.muli %arg1, %mul3A_39 : i32
    %dma_start3A_41 = arith.constant 0 : i32
    %dma_start3A_42 = tpu.memref_slice %arg5[%arg0, %mul3A_40, %dma_start3A_41] : memref<2x10112x128xf32, #tpu.memory_space<hbm>> -> memref<1x632x128xf32, #tpu.memory_space<hbm>>
    %dma_start3A_43 = tpu.memref_squeeze %dma_start3A_42 : memref<1x632x128xf32, #tpu.memory_space<hbm>> -> memref<632x128xf32, #tpu.memory_space<hbm>>
    %dma_start3A_44 = arith.constant 0 : i32
    %dma_start3A_45 = tpu.memref_slice %arg13[%mul3A_38, %dma_start3A_44] : memref<10112x128xf32, #tpu.memory_space<vmem_shared>> -> memref<632x128xf32, #tpu.memory_space<vmem_shared>>
    tpu.enqueue_dma source(%dma_start3A_45 : memref<632x128xf32, #tpu.memory_space<vmem_shared>>) target(%dma_start3A_43 : memref<632x128xf32, #tpu.memory_space<hbm>>) target_semaphore(%arg12 : memref<!tpu.dma_semaphore, #tpu.memory_space<semaphore_mem>>)
    %dma_wait3A_46 = arith.constant 0 : i32
    %dma_wait3A_47 = tpu.memref_slice %arg5[%arg0, %mul3A_40, %dma_wait3A_46] : memref<2x10112x128xf32, #tpu.memory_space<hbm>> -> memref<1x632x128xf32, #tpu.memory_space<hbm>>
    %dma_wait3A_48 = tpu.memref_squeeze %dma_wait3A_47 : memref<1x632x128xf32, #tpu.memory_space<hbm>> -> memref<632x128xf32, #tpu.memory_space<hbm>>
    %dma_wait3A_49 = arith.constant 0 : i32
    %dma_wait3A_50 = tpu.memref_slice %arg13[%mul3A_38, %dma_wait3A_49] : memref<10112x128xf32, #tpu.memory_space<vmem_shared>> -> memref<632x128xf32, #tpu.memory_space<vmem_shared>>
    tpu.wait_dma2 semaphore(%arg12 : memref<!tpu.dma_semaphore, #tpu.memory_space<semaphore_mem>>) src(%dma_wait3A_50 : memref<632x128xf32, #tpu.memory_space<vmem_shared>>) dst(%dma_wait3A_48 : memref<632x128xf32, #tpu.memory_space<hbm>>)
    return
  }
}

#map = affine_map<(d0, d1) -> (0, 0)>
#map1 = affine_map<(d0, d1) -> (0, 0, 0, 0)>
#map2 = affine_map<(d0, d1) -> (0, 0, 0)>
module attributes {stable_mosaic.version = 14 : i64} {
  func.func @_agg_body(%arg0: i32, %arg1: i32, %arg2: memref<20224x128xf32, #tpu.memory_space<hbm>>, %arg3: memref<2x16x158x128xi32, #tpu.memory_space<hbm>>, %arg4: memref<16x158x128xi32, #tpu.memory_space<hbm>>, %arg5: memref<2x10112x128xf32, #tpu.memory_space<hbm>>, %arg6: memref<128xi32, #tpu.memory_space<vmem>>, %arg7: memref<128xi32, #tpu.memory_space<vmem>>, %arg8: memref<128xi32, #tpu.memory_space<vmem>>, %arg9: memref<128xi32, #tpu.memory_space<vmem>>, %arg10: memref<128x128xf32, #tpu.memory_space<vmem>>, %arg11: memref<128x128xf32, #tpu.memory_space<vmem>>, %arg12: memref<!tpu.dma_semaphore, #tpu.memory_space<semaphore_mem>>, %arg13: memref<!tpu.dma_semaphore, #tpu.memory_space<semaphore_mem>>, %arg14: memref<!tpu.dma_semaphore, #tpu.memory_space<semaphore_mem>>, %arg15: memref<!tpu.dma_semaphore, #tpu.memory_space<semaphore_mem>>, %arg16: memref<!tpu.dma_semaphore, #tpu.memory_space<semaphore_mem>>, %arg17: memref<!tpu.dma_semaphore, #tpu.memory_space<semaphore_mem>>, %arg18: memref<!tpu.dma_semaphore, #tpu.memory_space<semaphore_mem>>, %arg19: memref<10112x128xf32, #tpu.memory_space<vmem_shared>>) attributes {dimension_semantics = [#tpu.dimension_semantics<core_parallel>, #tpu.dimension_semantics<subcore_parallel>], iteration_bounds = array<i64: 2, 16>, scalar_prefetch = 0 : i64, scratch_operands = 14 : i64, tpu.core_type = #tpu.core_type<sc_vector_subcore>, window_params = [{transform_indices = #map}, {transform_indices = #map1}, {transform_indices = #map2}, {transform_indices = #map2}]} {
    %mul3A = arith.constant 10112 : i32
    %mul3A_0 = arith.muli %arg0, %mul3A : i32
    %mul3A_1 = arith.constant 632 : i32
    %mul3A_2 = arith.muli %arg1, %mul3A_1 : i32
    %add3A = arith.addi %mul3A_0, %mul3A_2 : i32
    %mul3A_3 = arith.constant 632 : i32
    %mul3A_4 = arith.muli %arg1, %mul3A_3 : i32
    %dma_start3A = arith.constant 0 : i32
    %dma_start3A_5 = tpu.memref_slice %arg19[%mul3A_4, %dma_start3A] : memref<10112x128xf32, #tpu.memory_space<vmem_shared>> -> memref<632x128xf32, #tpu.memory_space<vmem_shared>>
    %dma_start3A_6 = arith.constant 0 : i32
    %dma_start3A_7 = tpu.memref_slice %arg2[%add3A, %dma_start3A_6] : memref<20224x128xf32, #tpu.memory_space<hbm>> -> memref<632x128xf32, #tpu.memory_space<hbm>>
    tpu.enqueue_dma source(%dma_start3A_7 : memref<632x128xf32, #tpu.memory_space<hbm>>) target(%dma_start3A_5 : memref<632x128xf32, #tpu.memory_space<vmem_shared>>) target_semaphore(%arg18 : memref<!tpu.dma_semaphore, #tpu.memory_space<semaphore_mem>>)
    %dma_wait3A = arith.constant 0 : i32
    %dma_wait3A_8 = tpu.memref_slice %arg19[%mul3A_4, %dma_wait3A] : memref<10112x128xf32, #tpu.memory_space<vmem_shared>> -> memref<632x128xf32, #tpu.memory_space<vmem_shared>>
    %dma_wait3A_9 = arith.constant 0 : i32
    %dma_wait3A_10 = tpu.memref_slice %arg2[%add3A, %dma_wait3A_9] : memref<20224x128xf32, #tpu.memory_space<hbm>> -> memref<632x128xf32, #tpu.memory_space<hbm>>
    tpu.wait_dma2 semaphore(%arg18 : memref<!tpu.dma_semaphore, #tpu.memory_space<semaphore_mem>>) src(%dma_wait3A_10 : memref<632x128xf32, #tpu.memory_space<hbm>>) dst(%dma_wait3A_8 : memref<632x128xf32, #tpu.memory_space<vmem_shared>>)
    %dma_start3A_11 = arith.constant 0 : i32
    %dma_start3A_12 = arith.constant 0 : i32
    %dma_start3A_13 = tpu.memref_slice %arg3[%arg0, %arg1, %dma_start3A_11, %dma_start3A_12] : memref<2x16x158x128xi32, #tpu.memory_space<hbm>> -> memref<1x1x1x128xi32, #tpu.memory_space<hbm>>
    %dma_start3A_14 = tpu.memref_squeeze %dma_start3A_13 : memref<1x1x1x128xi32, #tpu.memory_space<hbm>> -> memref<128xi32, #tpu.memory_space<hbm>>
    %dma_start3A_15 = arith.constant 0 : i32
    %dma_start3A_16 = tpu.memref_slice %arg3[%arg0, %arg1, %dma_start3A_11, %dma_start3A_15] : memref<2x16x158x128xi32, #tpu.memory_space<hbm>> -> memref<1x1x1x128xi32, #tpu.memory_space<hbm>>
    %dma_start3A_17 = tpu.memref_squeeze %dma_start3A_16 : memref<1x1x1x128xi32, #tpu.memory_space<hbm>> -> memref<128xi32, #tpu.memory_space<hbm>>
    tpu.enqueue_dma source(%dma_start3A_17 : memref<128xi32, #tpu.memory_space<hbm>>) target(%arg6 : memref<128xi32, #tpu.memory_space<vmem>>) target_semaphore(%arg12 : memref<!tpu.dma_semaphore, #tpu.memory_space<semaphore_mem>>)
    %dma_start3A_18 = arith.constant 0 : i32
    %dma_start3A_19 = arith.constant 0 : i32
    %dma_start3A_20 = tpu.memref_slice %arg4[%arg1, %dma_start3A_18, %dma_start3A_19] : memref<16x158x128xi32, #tpu.memory_space<hbm>> -> memref<1x1x128xi32, #tpu.memory_space<hbm>>
    %dma_start3A_21 = tpu.memref_squeeze %dma_start3A_20 : memref<1x1x128xi32, #tpu.memory_space<hbm>> -> memref<128xi32, #tpu.memory_space<hbm>>
    %dma_start3A_22 = arith.constant 0 : i32
    %dma_start3A_23 = tpu.memref_slice %arg4[%arg1, %dma_start3A_18, %dma_start3A_22] : memref<16x158x128xi32, #tpu.memory_space<hbm>> -> memref<1x1x128xi32, #tpu.memory_space<hbm>>
    %dma_start3A_24 = tpu.memref_squeeze %dma_start3A_23 : memref<1x1x128xi32, #tpu.memory_space<hbm>> -> memref<128xi32, #tpu.memory_space<hbm>>
    tpu.enqueue_dma source(%dma_start3A_24 : memref<128xi32, #tpu.memory_space<hbm>>) target(%arg8 : memref<128xi32, #tpu.memory_space<vmem>>) target_semaphore(%arg12 : memref<!tpu.dma_semaphore, #tpu.memory_space<semaphore_mem>>)
    %dma_wait3A_25 = arith.constant 0 : i32
    %dma_wait3A_26 = arith.constant 0 : i32
    %dma_wait3A_27 = tpu.memref_slice %arg3[%arg0, %arg1, %dma_wait3A_25, %dma_wait3A_26] : memref<2x16x158x128xi32, #tpu.memory_space<hbm>> -> memref<1x1x1x128xi32, #tpu.memory_space<hbm>>
    %dma_wait3A_28 = tpu.memref_squeeze %dma_wait3A_27 : memref<1x1x1x128xi32, #tpu.memory_space<hbm>> -> memref<128xi32, #tpu.memory_space<hbm>>
    %dma_wait3A_29 = arith.constant 0 : i32
    %dma_wait3A_30 = tpu.memref_slice %arg3[%arg0, %arg1, %dma_wait3A_25, %dma_wait3A_29] : memref<2x16x158x128xi32, #tpu.memory_space<hbm>> -> memref<1x1x1x128xi32, #tpu.memory_space<hbm>>
    %dma_wait3A_31 = tpu.memref_squeeze %dma_wait3A_30 : memref<1x1x1x128xi32, #tpu.memory_space<hbm>> -> memref<128xi32, #tpu.memory_space<hbm>>
    tpu.wait_dma2 semaphore(%arg12 : memref<!tpu.dma_semaphore, #tpu.memory_space<semaphore_mem>>) src(%dma_wait3A_31 : memref<128xi32, #tpu.memory_space<hbm>>) dst(%arg6 : memref<128xi32, #tpu.memory_space<vmem>>)
    %dma_wait3A_32 = arith.constant 0 : i32
    %dma_wait3A_33 = arith.constant 0 : i32
    %dma_wait3A_34 = tpu.memref_slice %arg4[%arg1, %dma_wait3A_32, %dma_wait3A_33] : memref<16x158x128xi32, #tpu.memory_space<hbm>> -> memref<1x1x128xi32, #tpu.memory_space<hbm>>
    %dma_wait3A_35 = tpu.memref_squeeze %dma_wait3A_34 : memref<1x1x128xi32, #tpu.memory_space<hbm>> -> memref<128xi32, #tpu.memory_space<hbm>>
    %dma_wait3A_36 = arith.constant 0 : i32
    %dma_wait3A_37 = tpu.memref_slice %arg4[%arg1, %dma_wait3A_32, %dma_wait3A_36] : memref<16x158x128xi32, #tpu.memory_space<hbm>> -> memref<1x1x128xi32, #tpu.memory_space<hbm>>
    %dma_wait3A_38 = tpu.memref_squeeze %dma_wait3A_37 : memref<1x1x128xi32, #tpu.memory_space<hbm>> -> memref<128xi32, #tpu.memory_space<hbm>>
    tpu.wait_dma2 semaphore(%arg12 : memref<!tpu.dma_semaphore, #tpu.memory_space<semaphore_mem>>) src(%dma_wait3A_38 : memref<128xi32, #tpu.memory_space<hbm>>) dst(%arg8 : memref<128xi32, #tpu.memory_space<vmem>>)
    %dma_start3A_39 = arith.constant 1 : i32
    %dma_start3A_40 = arith.constant 0 : i32
    %dma_start3A_41 = tpu.memref_slice %arg3[%arg0, %arg1, %dma_start3A_39, %dma_start3A_40] : memref<2x16x158x128xi32, #tpu.memory_space<hbm>> -> memref<1x1x1x128xi32, #tpu.memory_space<hbm>>
    %dma_start3A_42 = tpu.memref_squeeze %dma_start3A_41 : memref<1x1x1x128xi32, #tpu.memory_space<hbm>> -> memref<128xi32, #tpu.memory_space<hbm>>
    %dma_start3A_43 = arith.constant 0 : i32
    %dma_start3A_44 = tpu.memref_slice %arg3[%arg0, %arg1, %dma_start3A_39, %dma_start3A_43] : memref<2x16x158x128xi32, #tpu.memory_space<hbm>> -> memref<1x1x1x128xi32, #tpu.memory_space<hbm>>
    %dma_start3A_45 = tpu.memref_squeeze %dma_start3A_44 : memref<1x1x1x128xi32, #tpu.memory_space<hbm>> -> memref<128xi32, #tpu.memory_space<hbm>>
    tpu.enqueue_dma source(%dma_start3A_45 : memref<128xi32, #tpu.memory_space<hbm>>) target(%arg7 : memref<128xi32, #tpu.memory_space<vmem>>) target_semaphore(%arg13 : memref<!tpu.dma_semaphore, #tpu.memory_space<semaphore_mem>>)
    %dma_start3A_46 = arith.constant 1 : i32
    %dma_start3A_47 = arith.constant 0 : i32
    %dma_start3A_48 = tpu.memref_slice %arg4[%arg1, %dma_start3A_46, %dma_start3A_47] : memref<16x158x128xi32, #tpu.memory_space<hbm>> -> memref<1x1x128xi32, #tpu.memory_space<hbm>>
    %dma_start3A_49 = tpu.memref_squeeze %dma_start3A_48 : memref<1x1x128xi32, #tpu.memory_space<hbm>> -> memref<128xi32, #tpu.memory_space<hbm>>
    %dma_start3A_50 = arith.constant 0 : i32
    %dma_start3A_51 = tpu.memref_slice %arg4[%arg1, %dma_start3A_46, %dma_start3A_50] : memref<16x158x128xi32, #tpu.memory_space<hbm>> -> memref<1x1x128xi32, #tpu.memory_space<hbm>>
    %dma_start3A_52 = tpu.memref_squeeze %dma_start3A_51 : memref<1x1x128xi32, #tpu.memory_space<hbm>> -> memref<128xi32, #tpu.memory_space<hbm>>
    tpu.enqueue_dma source(%dma_start3A_52 : memref<128xi32, #tpu.memory_space<hbm>>) target(%arg9 : memref<128xi32, #tpu.memory_space<vmem>>) target_semaphore(%arg13 : memref<!tpu.dma_semaphore, #tpu.memory_space<semaphore_mem>>)
    %dma_wait3A_53 = arith.constant 1 : i32
    %dma_wait3A_54 = arith.constant 0 : i32
    %dma_wait3A_55 = tpu.memref_slice %arg3[%arg0, %arg1, %dma_wait3A_53, %dma_wait3A_54] : memref<2x16x158x128xi32, #tpu.memory_space<hbm>> -> memref<1x1x1x128xi32, #tpu.memory_space<hbm>>
    %dma_wait3A_56 = tpu.memref_squeeze %dma_wait3A_55 : memref<1x1x1x128xi32, #tpu.memory_space<hbm>> -> memref<128xi32, #tpu.memory_space<hbm>>
    %dma_wait3A_57 = arith.constant 0 : i32
    %dma_wait3A_58 = tpu.memref_slice %arg3[%arg0, %arg1, %dma_wait3A_53, %dma_wait3A_57] : memref<2x16x158x128xi32, #tpu.memory_space<hbm>> -> memref<1x1x1x128xi32, #tpu.memory_space<hbm>>
    %dma_wait3A_59 = tpu.memref_squeeze %dma_wait3A_58 : memref<1x1x1x128xi32, #tpu.memory_space<hbm>> -> memref<128xi32, #tpu.memory_space<hbm>>
    tpu.wait_dma2 semaphore(%arg13 : memref<!tpu.dma_semaphore, #tpu.memory_space<semaphore_mem>>) src(%dma_wait3A_59 : memref<128xi32, #tpu.memory_space<hbm>>) dst(%arg7 : memref<128xi32, #tpu.memory_space<vmem>>)
    %dma_wait3A_60 = arith.constant 1 : i32
    %dma_wait3A_61 = arith.constant 0 : i32
    %dma_wait3A_62 = tpu.memref_slice %arg4[%arg1, %dma_wait3A_60, %dma_wait3A_61] : memref<16x158x128xi32, #tpu.memory_space<hbm>> -> memref<1x1x128xi32, #tpu.memory_space<hbm>>
    %dma_wait3A_63 = tpu.memref_squeeze %dma_wait3A_62 : memref<1x1x128xi32, #tpu.memory_space<hbm>> -> memref<128xi32, #tpu.memory_space<hbm>>
    %dma_wait3A_64 = arith.constant 0 : i32
    %dma_wait3A_65 = tpu.memref_slice %arg4[%arg1, %dma_wait3A_60, %dma_wait3A_64] : memref<16x158x128xi32, #tpu.memory_space<hbm>> -> memref<1x1x128xi32, #tpu.memory_space<hbm>>
    %dma_wait3A_66 = tpu.memref_squeeze %dma_wait3A_65 : memref<1x1x128xi32, #tpu.memory_space<hbm>> -> memref<128xi32, #tpu.memory_space<hbm>>
    tpu.wait_dma2 semaphore(%arg13 : memref<!tpu.dma_semaphore, #tpu.memory_space<semaphore_mem>>) src(%dma_wait3A_66 : memref<128xi32, #tpu.memory_space<hbm>>) dst(%arg9 : memref<128xi32, #tpu.memory_space<vmem>>)
    %barrier3A = arith.constant 0 : index
    tpu.barrier barrier_id(%barrier3A)
    %dma_start3A_67 = arith.constant 0 : i32
    %dma_start3A_68 = arith.constant 0 : i32
    %dma_start3A_69 = tpu.memref_slice %arg2[%dma_start3A_67, %dma_start3A_68] : memref<20224x128xf32, #tpu.memory_space<hbm>> -> memref<20224x128xf32, #tpu.memory_space<hbm>>
    tpu.enqueue_indirect_dma source(%dma_start3A_69 : memref<20224x128xf32, #tpu.memory_space<hbm>>) target(%arg10 : memref<128x128xf32, #tpu.memory_space<vmem>>) offsets(%arg6 : memref<128xi32, #tpu.memory_space<vmem>>) semaphore(%arg14 : memref<!tpu.dma_semaphore, #tpu.memory_space<semaphore_mem>>)
    %dma_start3A_70 = arith.constant 0 : i32
    %dma_start3A_71 = arith.constant 0 : i32
    %dma_start3A_72 = tpu.memref_slice %arg2[%dma_start3A_70, %dma_start3A_71] : memref<20224x128xf32, #tpu.memory_space<hbm>> -> memref<20224x128xf32, #tpu.memory_space<hbm>>
    tpu.enqueue_indirect_dma source(%dma_start3A_72 : memref<20224x128xf32, #tpu.memory_space<hbm>>) target(%arg11 : memref<128x128xf32, #tpu.memory_space<vmem>>) offsets(%arg7 : memref<128xi32, #tpu.memory_space<vmem>>) semaphore(%arg15 : memref<!tpu.dma_semaphore, #tpu.memory_space<semaphore_mem>>)
    %scan3A = arith.constant 0 : i32
    %scan3A_73 = arith.constant 0 : i32
    %scan3A_74 = arith.constant 79 : i32
    %scan3A_75 = arith.addi %scan3A_73, %scan3A_74 : i32
    %scan3A_76 = arith.constant 1 : i32
    scf.for %scan3A_93 = %scan3A_73 to %scan3A_75 step %scan3A_76  : i32 {
      %mul3A_94 = arith.constant 2 : i32
      %mul3A_95 = arith.muli %mul3A_94, %scan3A_93 : i32
      %dma_wait3A_96 = arith.constant 0 : i32
      %dma_wait3A_97 = arith.constant 0 : i32
      %dma_wait3A_98 = tpu.memref_slice %arg2[%dma_wait3A_96, %dma_wait3A_97] : memref<20224x128xf32, #tpu.memory_space<hbm>> -> memref<20224x128xf32, #tpu.memory_space<hbm>>
      tpu.wait_indirect_dma semaphore(%arg14 : memref<!tpu.dma_semaphore, #tpu.memory_space<semaphore_mem>>) src(%dma_wait3A_98 : memref<20224x128xf32, #tpu.memory_space<hbm>>) dst(%arg10 : memref<128x128xf32, #tpu.memory_space<vmem>>)
      %get3A = arith.constant 0 : index
      %get3A_99 = tpu.vector_load %arg8[%get3A] {strides = array<i32>} : memref<128xi32, #tpu.memory_space<vmem>>, vector<16xi32>,
      %get3A_100 = vector.shape_cast %get3A_99 : vector<16xi32> to vector<16xi32>
      %dma_start3A_101 = arith.constant 0 : i32
      %dma_start3A_102 = arith.constant 0 : i32
      %dma_start3A_103 = tpu.memref_slice %arg10[%dma_start3A_101, %dma_start3A_102] : memref<128x128xf32, #tpu.memory_space<vmem>> -> memref<16x128xf32, #tpu.memory_space<vmem>>
      %dma_start3A_104 = arith.constant 0 : i32
      %dma_start3A_105 = arith.constant 0 : i32
      %dma_start3A_106 = tpu.memref_slice %arg19[%dma_start3A_104, %dma_start3A_105] : memref<10112x128xf32, #tpu.memory_space<vmem_shared>> -> memref<10112x128xf32, #tpu.memory_space<vmem_shared>>
      tpu.enqueue_indirect_dma source(%dma_start3A_103 : memref<16x128xf32, #tpu.memory_space<vmem>>) target(%dma_start3A_106 : memref<10112x128xf32, #tpu.memory_space<vmem_shared>>) offsets(%get3A_100 : vector<16xi32>) semaphore(%arg16 : memref<!tpu.dma_semaphore, #tpu.memory_space<semaphore_mem>>) {add = true}
      %get3A_107 = arith.constant 16 : index
      %get3A_108 = tpu.vector_load %arg8[%get3A_107] {strides = array<i32>} : memref<128xi32, #tpu.memory_space<vmem>>, vector<16xi32>,
      %get3A_109 = vector.shape_cast %get3A_108 : vector<16xi32> to vector<16xi32>
      %dma_start3A_110 = arith.constant 16 : i32
      %dma_start3A_111 = arith.constant 0 : i32
      %dma_start3A_112 = tpu.memref_slice %arg10[%dma_start3A_110, %dma_start3A_111] : memref<128x128xf32, #tpu.memory_space<vmem>> -> memref<16x128xf32, #tpu.memory_space<vmem>>
      %dma_start3A_113 = arith.constant 0 : i32
      %dma_start3A_114 = arith.constant 0 : i32
      %dma_start3A_115 = tpu.memref_slice %arg19[%dma_start3A_113, %dma_start3A_114] : memref<10112x128xf32, #tpu.memory_space<vmem_shared>> -> memref<10112x128xf32, #tpu.memory_space<vmem_shared>>
      tpu.enqueue_indirect_dma source(%dma_start3A_112 : memref<16x128xf32, #tpu.memory_space<vmem>>) target(%dma_start3A_115 : memref<10112x128xf32, #tpu.memory_space<vmem_shared>>) offsets(%get3A_109 : vector<16xi32>) semaphore(%arg16 : memref<!tpu.dma_semaphore, #tpu.memory_space<semaphore_mem>>) {add = true}
      %get3A_116 = arith.constant 32 : index
      %get3A_117 = tpu.vector_load %arg8[%get3A_116] {strides = array<i32>} : memref<128xi32, #tpu.memory_space<vmem>>, vector<16xi32>,
      %get3A_118 = vector.shape_cast %get3A_117 : vector<16xi32> to vector<16xi32>
      %dma_start3A_119 = arith.constant 32 : i32
      %dma_start3A_120 = arith.constant 0 : i32
      %dma_start3A_121 = tpu.memref_slice %arg10[%dma_start3A_119, %dma_start3A_120] : memref<128x128xf32, #tpu.memory_space<vmem>> -> memref<16x128xf32, #tpu.memory_space<vmem>>
      %dma_start3A_122 = arith.constant 0 : i32
      %dma_start3A_123 = arith.constant 0 : i32
      %dma_start3A_124 = tpu.memref_slice %arg19[%dma_start3A_122, %dma_start3A_123] : memref<10112x128xf32, #tpu.memory_space<vmem_shared>> -> memref<10112x128xf32, #tpu.memory_space<vmem_shared>>
      tpu.enqueue_indirect_dma source(%dma_start3A_121 : memref<16x128xf32, #tpu.memory_space<vmem>>) target(%dma_start3A_124 : memref<10112x128xf32, #tpu.memory_space<vmem_shared>>) offsets(%get3A_118 : vector<16xi32>) semaphore(%arg16 : memref<!tpu.dma_semaphore, #tpu.memory_space<semaphore_mem>>) {add = true}
      %get3A_125 = arith.constant 48 : index
      %get3A_126 = tpu.vector_load %arg8[%get3A_125] {strides = array<i32>} : memref<128xi32, #tpu.memory_space<vmem>>, vector<16xi32>,
      %get3A_127 = vector.shape_cast %get3A_126 : vector<16xi32> to vector<16xi32>
      %dma_start3A_128 = arith.constant 48 : i32
      %dma_start3A_129 = arith.constant 0 : i32
      %dma_start3A_130 = tpu.memref_slice %arg10[%dma_start3A_128, %dma_start3A_129] : memref<128x128xf32, #tpu.memory_space<vmem>> -> memref<16x128xf32, #tpu.memory_space<vmem>>
      %dma_start3A_131 = arith.constant 0 : i32
      %dma_start3A_132 = arith.constant 0 : i32
      %dma_start3A_133 = tpu.memref_slice %arg19[%dma_start3A_131, %dma_start3A_132] : memref<10112x128xf32, #tpu.memory_space<vmem_shared>> -> memref<10112x128xf32, #tpu.memory_space<vmem_shared>>
      tpu.enqueue_indirect_dma source(%dma_start3A_130 : memref<16x128xf32, #tpu.memory_space<vmem>>) target(%dma_start3A_133 : memref<10112x128xf32, #tpu.memory_space<vmem_shared>>) offsets(%get3A_127 : vector<16xi32>) semaphore(%arg16 : memref<!tpu.dma_semaphore, #tpu.memory_space<semaphore_mem>>) {add = true}
      %get3A_134 = arith.constant 64 : index
      %get3A_135 = tpu.vector_load %arg8[%get3A_134] {strides = array<i32>} : memref<128xi32, #tpu.memory_space<vmem>>, vector<16xi32>,
      %get3A_136 = vector.shape_cast %get3A_135 : vector<16xi32> to vector<16xi32>
      %dma_start3A_137 = arith.constant 64 : i32
      %dma_start3A_138 = arith.constant 0 : i32
      %dma_start3A_139 = tpu.memref_slice %arg10[%dma_start3A_137, %dma_start3A_138] : memref<128x128xf32, #tpu.memory_space<vmem>> -> memref<16x128xf32, #tpu.memory_space<vmem>>
      %dma_start3A_140 = arith.constant 0 : i32
      %dma_start3A_141 = arith.constant 0 : i32
      %dma_start3A_142 = tpu.memref_slice %arg19[%dma_start3A_140, %dma_start3A_141] : memref<10112x128xf32, #tpu.memory_space<vmem_shared>> -> memref<10112x128xf32, #tpu.memory_space<vmem_shared>>
      tpu.enqueue_indirect_dma source(%dma_start3A_139 : memref<16x128xf32, #tpu.memory_space<vmem>>) target(%dma_start3A_142 : memref<10112x128xf32, #tpu.memory_space<vmem_shared>>) offsets(%get3A_136 : vector<16xi32>) semaphore(%arg16 : memref<!tpu.dma_semaphore, #tpu.memory_space<semaphore_mem>>) {add = true}
      %get3A_143 = arith.constant 80 : index
      %get3A_144 = tpu.vector_load %arg8[%get3A_143] {strides = array<i32>} : memref<128xi32, #tpu.memory_space<vmem>>, vector<16xi32>,
      %get3A_145 = vector.shape_cast %get3A_144 : vector<16xi32> to vector<16xi32>
      %dma_start3A_146 = arith.constant 80 : i32
      %dma_start3A_147 = arith.constant 0 : i32
      %dma_start3A_148 = tpu.memref_slice %arg10[%dma_start3A_146, %dma_start3A_147] : memref<128x128xf32, #tpu.memory_space<vmem>> -> memref<16x128xf32, #tpu.memory_space<vmem>>
      %dma_start3A_149 = arith.constant 0 : i32
      %dma_start3A_150 = arith.constant 0 : i32
      %dma_start3A_151 = tpu.memref_slice %arg19[%dma_start3A_149, %dma_start3A_150] : memref<10112x128xf32, #tpu.memory_space<vmem_shared>> -> memref<10112x128xf32, #tpu.memory_space<vmem_shared>>
      tpu.enqueue_indirect_dma source(%dma_start3A_148 : memref<16x128xf32, #tpu.memory_space<vmem>>) target(%dma_start3A_151 : memref<10112x128xf32, #tpu.memory_space<vmem_shared>>) offsets(%get3A_145 : vector<16xi32>) semaphore(%arg16 : memref<!tpu.dma_semaphore, #tpu.memory_space<semaphore_mem>>) {add = true}
      %get3A_152 = arith.constant 96 : index
      %get3A_153 = tpu.vector_load %arg8[%get3A_152] {strides = array<i32>} : memref<128xi32, #tpu.memory_space<vmem>>, vector<16xi32>,
      %get3A_154 = vector.shape_cast %get3A_153 : vector<16xi32> to vector<16xi32>
      %dma_start3A_155 = arith.constant 96 : i32
      %dma_start3A_156 = arith.constant 0 : i32
      %dma_start3A_157 = tpu.memref_slice %arg10[%dma_start3A_155, %dma_start3A_156] : memref<128x128xf32, #tpu.memory_space<vmem>> -> memref<16x128xf32, #tpu.memory_space<vmem>>
      %dma_start3A_158 = arith.constant 0 : i32
      %dma_start3A_159 = arith.constant 0 : i32
      %dma_start3A_160 = tpu.memref_slice %arg19[%dma_start3A_158, %dma_start3A_159] : memref<10112x128xf32, #tpu.memory_space<vmem_shared>> -> memref<10112x128xf32, #tpu.memory_space<vmem_shared>>
      tpu.enqueue_indirect_dma source(%dma_start3A_157 : memref<16x128xf32, #tpu.memory_space<vmem>>) target(%dma_start3A_160 : memref<10112x128xf32, #tpu.memory_space<vmem_shared>>) offsets(%get3A_154 : vector<16xi32>) semaphore(%arg16 : memref<!tpu.dma_semaphore, #tpu.memory_space<semaphore_mem>>) {add = true}
      %get3A_161 = arith.constant 112 : index
      %get3A_162 = tpu.vector_load %arg8[%get3A_161] {strides = array<i32>} : memref<128xi32, #tpu.memory_space<vmem>>, vector<16xi32>,
      %get3A_163 = vector.shape_cast %get3A_162 : vector<16xi32> to vector<16xi32>
      %dma_start3A_164 = arith.constant 112 : i32
      %dma_start3A_165 = arith.constant 0 : i32
      %dma_start3A_166 = tpu.memref_slice %arg10[%dma_start3A_164, %dma_start3A_165] : memref<128x128xf32, #tpu.memory_space<vmem>> -> memref<16x128xf32, #tpu.memory_space<vmem>>
      %dma_start3A_167 = arith.constant 0 : i32
      %dma_start3A_168 = arith.constant 0 : i32
      %dma_start3A_169 = tpu.memref_slice %arg19[%dma_start3A_167, %dma_start3A_168] : memref<10112x128xf32, #tpu.memory_space<vmem_shared>> -> memref<10112x128xf32, #tpu.memory_space<vmem_shared>>
      tpu.enqueue_indirect_dma source(%dma_start3A_166 : memref<16x128xf32, #tpu.memory_space<vmem>>) target(%dma_start3A_169 : memref<10112x128xf32, #tpu.memory_space<vmem_shared>>) offsets(%get3A_163 : vector<16xi32>) semaphore(%arg16 : memref<!tpu.dma_semaphore, #tpu.memory_space<semaphore_mem>>) {add = true}
      %add3A_170 = arith.constant 0 : i32
      %add3A_171 = arith.addi %mul3A_95, %add3A_170 : i32
      %add3A_172 = arith.constant 2 : i32
      %add3A_173 = arith.addi %add3A_171, %add3A_172 : i32
      %lt3A = arith.constant 158 : i32
      %lt3A_174 = arith.cmpi slt, %add3A_173, %lt3A : i32
      %convert_element_type3A = arith.extui %lt3A_174 : i1 to i32
      %cond3A = arith.constant 0 : i32
      %cond3A_175 = arith.cmpi ne, %convert_element_type3A, %cond3A : i32
      scf.if %cond3A_175 {
        %add3A_374 = arith.constant 0 : i32
        %add3A_375 = arith.addi %mul3A_95, %add3A_374 : i32
        %add3A_376 = arith.constant 2 : i32
        %add3A_377 = arith.addi %add3A_375, %add3A_376 : i32
        %dma_start3A_378 = arith.constant 0 : i32
        %dma_start3A_379 = tpu.memref_slice %arg3[%arg0, %arg1, %add3A_377, %dma_start3A_378] : memref<2x16x158x128xi32, #tpu.memory_space<hbm>> -> memref<1x1x1x128xi32, #tpu.memory_space<hbm>>
        %dma_start3A_380 = tpu.memref_squeeze %dma_start3A_379 : memref<1x1x1x128xi32, #tpu.memory_space<hbm>> -> memref<128xi32, #tpu.memory_space<hbm>>
        %dma_start3A_381 = arith.constant 0 : i32
        %dma_start3A_382 = tpu.memref_slice %arg3[%arg0, %arg1, %add3A_377, %dma_start3A_381] : memref<2x16x158x128xi32, #tpu.memory_space<hbm>> -> memref<1x1x1x128xi32, #tpu.memory_space<hbm>>
        %dma_start3A_383 = tpu.memref_squeeze %dma_start3A_382 : memref<1x1x1x128xi32, #tpu.memory_space<hbm>> -> memref<128xi32, #tpu.memory_space<hbm>>
        tpu.enqueue_dma source(%dma_start3A_383 : memref<128xi32, #tpu.memory_space<hbm>>) target(%arg6 : memref<128xi32, #tpu.memory_space<vmem>>) target_semaphore(%arg12 : memref<!tpu.dma_semaphore, #tpu.memory_space<semaphore_mem>>)
        %add3A_384 = arith.constant 0 : i32
        %add3A_385 = arith.addi %mul3A_95, %add3A_384 : i32
        %add3A_386 = arith.constant 2 : i32
        %add3A_387 = arith.addi %add3A_385, %add3A_386 : i32
        %dma_start3A_388 = arith.constant 0 : i32
        %dma_start3A_389 = tpu.memref_slice %arg4[%arg1, %add3A_387, %dma_start3A_388] : memref<16x158x128xi32, #tpu.memory_space<hbm>> -> memref<1x1x128xi32, #tpu.memory_space<hbm>>
        %dma_start3A_390 = tpu.memref_squeeze %dma_start3A_389 : memref<1x1x128xi32, #tpu.memory_space<hbm>> -> memref<128xi32, #tpu.memory_space<hbm>>
        %dma_start3A_391 = arith.constant 0 : i32
        %dma_start3A_392 = tpu.memref_slice %arg4[%arg1, %add3A_387, %dma_start3A_391] : memref<16x158x128xi32, #tpu.memory_space<hbm>> -> memref<1x1x128xi32, #tpu.memory_space<hbm>>
        %dma_start3A_393 = tpu.memref_squeeze %dma_start3A_392 : memref<1x1x128xi32, #tpu.memory_space<hbm>> -> memref<128xi32, #tpu.memory_space<hbm>>
        tpu.enqueue_dma source(%dma_start3A_393 : memref<128xi32, #tpu.memory_space<hbm>>) target(%arg8 : memref<128xi32, #tpu.memory_space<vmem>>) target_semaphore(%arg12 : memref<!tpu.dma_semaphore, #tpu.memory_space<semaphore_mem>>)
      } else {
      }
      %dma_wait3A_176 = arith.constant 0 : i32
      %dma_wait3A_177 = arith.constant 0 : i32
      %dma_wait3A_178 = tpu.memref_slice %arg2[%dma_wait3A_176, %dma_wait3A_177] : memref<20224x128xf32, #tpu.memory_space<hbm>> -> memref<20224x128xf32, #tpu.memory_space<hbm>>
      tpu.wait_indirect_dma semaphore(%arg15 : memref<!tpu.dma_semaphore, #tpu.memory_space<semaphore_mem>>) src(%dma_wait3A_178 : memref<20224x128xf32, #tpu.memory_space<hbm>>) dst(%arg11 : memref<128x128xf32, #tpu.memory_space<vmem>>)
      %get3A_179 = arith.constant 0 : index
      %get3A_180 = tpu.vector_load %arg9[%get3A_179] {strides = array<i32>} : memref<128xi32, #tpu.memory_space<vmem>>, vector<16xi32>,
      %get3A_181 = vector.shape_cast %get3A_180 : vector<16xi32> to vector<16xi32>
      %dma_start3A_182 = arith.constant 0 : i32
      %dma_start3A_183 = arith.constant 0 : i32
      %dma_start3A_184 = tpu.memref_slice %arg11[%dma_start3A_182, %dma_start3A_183] : memref<128x128xf32, #tpu.memory_space<vmem>> -> memref<16x128xf32, #tpu.memory_space<vmem>>
      %dma_start3A_185 = arith.constant 0 : i32
      %dma_start3A_186 = arith.constant 0 : i32
      %dma_start3A_187 = tpu.memref_slice %arg19[%dma_start3A_185, %dma_start3A_186] : memref<10112x128xf32, #tpu.memory_space<vmem_shared>> -> memref<10112x128xf32, #tpu.memory_space<vmem_shared>>
      tpu.enqueue_indirect_dma source(%dma_start3A_184 : memref<16x128xf32, #tpu.memory_space<vmem>>) target(%dma_start3A_187 : memref<10112x128xf32, #tpu.memory_space<vmem_shared>>) offsets(%get3A_181 : vector<16xi32>) semaphore(%arg17 : memref<!tpu.dma_semaphore, #tpu.memory_space<semaphore_mem>>) {add = true}
      %get3A_188 = arith.constant 16 : index
      %get3A_189 = tpu.vector_load %arg9[%get3A_188] {strides = array<i32>} : memref<128xi32, #tpu.memory_space<vmem>>, vector<16xi32>,
      %get3A_190 = vector.shape_cast %get3A_189 : vector<16xi32> to vector<16xi32>
      %dma_start3A_191 = arith.constant 16 : i32
      %dma_start3A_192 = arith.constant 0 : i32
      %dma_start3A_193 = tpu.memref_slice %arg11[%dma_start3A_191, %dma_start3A_192] : memref<128x128xf32, #tpu.memory_space<vmem>> -> memref<16x128xf32, #tpu.memory_space<vmem>>
      %dma_start3A_194 = arith.constant 0 : i32
      %dma_start3A_195 = arith.constant 0 : i32
      %dma_start3A_196 = tpu.memref_slice %arg19[%dma_start3A_194, %dma_start3A_195] : memref<10112x128xf32, #tpu.memory_space<vmem_shared>> -> memref<10112x128xf32, #tpu.memory_space<vmem_shared>>
      tpu.enqueue_indirect_dma source(%dma_start3A_193 : memref<16x128xf32, #tpu.memory_space<vmem>>) target(%dma_start3A_196 : memref<10112x128xf32, #tpu.memory_space<vmem_shared>>) offsets(%get3A_190 : vector<16xi32>) semaphore(%arg17 : memref<!tpu.dma_semaphore, #tpu.memory_space<semaphore_mem>>) {add = true}
      %get3A_197 = arith.constant 32 : index
      %get3A_198 = tpu.vector_load %arg9[%get3A_197] {strides = array<i32>} : memref<128xi32, #tpu.memory_space<vmem>>, vector<16xi32>,
      %get3A_199 = vector.shape_cast %get3A_198 : vector<16xi32> to vector<16xi32>
      %dma_start3A_200 = arith.constant 32 : i32
      %dma_start3A_201 = arith.constant 0 : i32
      %dma_start3A_202 = tpu.memref_slice %arg11[%dma_start3A_200, %dma_start3A_201] : memref<128x128xf32, #tpu.memory_space<vmem>> -> memref<16x128xf32, #tpu.memory_space<vmem>>
      %dma_start3A_203 = arith.constant 0 : i32
      %dma_start3A_204 = arith.constant 0 : i32
      %dma_start3A_205 = tpu.memref_slice %arg19[%dma_start3A_203, %dma_start3A_204] : memref<10112x128xf32, #tpu.memory_space<vmem_shared>> -> memref<10112x128xf32, #tpu.memory_space<vmem_shared>>
      tpu.enqueue_indirect_dma source(%dma_start3A_202 : memref<16x128xf32, #tpu.memory_space<vmem>>) target(%dma_start3A_205 : memref<10112x128xf32, #tpu.memory_space<vmem_shared>>) offsets(%get3A_199 : vector<16xi32>) semaphore(%arg17 : memref<!tpu.dma_semaphore, #tpu.memory_space<semaphore_mem>>) {add = true}
      %get3A_206 = arith.constant 48 : index
      %get3A_207 = tpu.vector_load %arg9[%get3A_206] {strides = array<i32>} : memref<128xi32, #tpu.memory_space<vmem>>, vector<16xi32>,
      %get3A_208 = vector.shape_cast %get3A_207 : vector<16xi32> to vector<16xi32>
      %dma_start3A_209 = arith.constant 48 : i32
      %dma_start3A_210 = arith.constant 0 : i32
      %dma_start3A_211 = tpu.memref_slice %arg11[%dma_start3A_209, %dma_start3A_210] : memref<128x128xf32, #tpu.memory_space<vmem>> -> memref<16x128xf32, #tpu.memory_space<vmem>>
      %dma_start3A_212 = arith.constant 0 : i32
      %dma_start3A_213 = arith.constant 0 : i32
      %dma_start3A_214 = tpu.memref_slice %arg19[%dma_start3A_212, %dma_start3A_213] : memref<10112x128xf32, #tpu.memory_space<vmem_shared>> -> memref<10112x128xf32, #tpu.memory_space<vmem_shared>>
      tpu.enqueue_indirect_dma source(%dma_start3A_211 : memref<16x128xf32, #tpu.memory_space<vmem>>) target(%dma_start3A_214 : memref<10112x128xf32, #tpu.memory_space<vmem_shared>>) offsets(%get3A_208 : vector<16xi32>) semaphore(%arg17 : memref<!tpu.dma_semaphore, #tpu.memory_space<semaphore_mem>>) {add = true}
      %get3A_215 = arith.constant 64 : index
      %get3A_216 = tpu.vector_load %arg9[%get3A_215] {strides = array<i32>} : memref<128xi32, #tpu.memory_space<vmem>>, vector<16xi32>,
      %get3A_217 = vector.shape_cast %get3A_216 : vector<16xi32> to vector<16xi32>
      %dma_start3A_218 = arith.constant 64 : i32
      %dma_start3A_219 = arith.constant 0 : i32
      %dma_start3A_220 = tpu.memref_slice %arg11[%dma_start3A_218, %dma_start3A_219] : memref<128x128xf32, #tpu.memory_space<vmem>> -> memref<16x128xf32, #tpu.memory_space<vmem>>
      %dma_start3A_221 = arith.constant 0 : i32
      %dma_start3A_222 = arith.constant 0 : i32
      %dma_start3A_223 = tpu.memref_slice %arg19[%dma_start3A_221, %dma_start3A_222] : memref<10112x128xf32, #tpu.memory_space<vmem_shared>> -> memref<10112x128xf32, #tpu.memory_space<vmem_shared>>
      tpu.enqueue_indirect_dma source(%dma_start3A_220 : memref<16x128xf32, #tpu.memory_space<vmem>>) target(%dma_start3A_223 : memref<10112x128xf32, #tpu.memory_space<vmem_shared>>) offsets(%get3A_217 : vector<16xi32>) semaphore(%arg17 : memref<!tpu.dma_semaphore, #tpu.memory_space<semaphore_mem>>) {add = true}
      %get3A_224 = arith.constant 80 : index
      %get3A_225 = tpu.vector_load %arg9[%get3A_224] {strides = array<i32>} : memref<128xi32, #tpu.memory_space<vmem>>, vector<16xi32>,
      %get3A_226 = vector.shape_cast %get3A_225 : vector<16xi32> to vector<16xi32>
      %dma_start3A_227 = arith.constant 80 : i32
      %dma_start3A_228 = arith.constant 0 : i32
      %dma_start3A_229 = tpu.memref_slice %arg11[%dma_start3A_227, %dma_start3A_228] : memref<128x128xf32, #tpu.memory_space<vmem>> -> memref<16x128xf32, #tpu.memory_space<vmem>>
      %dma_start3A_230 = arith.constant 0 : i32
      %dma_start3A_231 = arith.constant 0 : i32
      %dma_start3A_232 = tpu.memref_slice %arg19[%dma_start3A_230, %dma_start3A_231] : memref<10112x128xf32, #tpu.memory_space<vmem_shared>> -> memref<10112x128xf32, #tpu.memory_space<vmem_shared>>
      tpu.enqueue_indirect_dma source(%dma_start3A_229 : memref<16x128xf32, #tpu.memory_space<vmem>>) target(%dma_start3A_232 : memref<10112x128xf32, #tpu.memory_space<vmem_shared>>) offsets(%get3A_226 : vector<16xi32>) semaphore(%arg17 : memref<!tpu.dma_semaphore, #tpu.memory_space<semaphore_mem>>) {add = true}
      %get3A_233 = arith.constant 96 : index
      %get3A_234 = tpu.vector_load %arg9[%get3A_233] {strides = array<i32>} : memref<128xi32, #tpu.memory_space<vmem>>, vector<16xi32>,
      %get3A_235 = vector.shape_cast %get3A_234 : vector<16xi32> to vector<16xi32>
      %dma_start3A_236 = arith.constant 96 : i32
      %dma_start3A_237 = arith.constant 0 : i32
      %dma_start3A_238 = tpu.memref_slice %arg11[%dma_start3A_236, %dma_start3A_237] : memref<128x128xf32, #tpu.memory_space<vmem>> -> memref<16x128xf32, #tpu.memory_space<vmem>>
      %dma_start3A_239 = arith.constant 0 : i32
      %dma_start3A_240 = arith.constant 0 : i32
      %dma_start3A_241 = tpu.memref_slice %arg19[%dma_start3A_239, %dma_start3A_240] : memref<10112x128xf32, #tpu.memory_space<vmem_shared>> -> memref<10112x128xf32, #tpu.memory_space<vmem_shared>>
      tpu.enqueue_indirect_dma source(%dma_start3A_238 : memref<16x128xf32, #tpu.memory_space<vmem>>) target(%dma_start3A_241 : memref<10112x128xf32, #tpu.memory_space<vmem_shared>>) offsets(%get3A_235 : vector<16xi32>) semaphore(%arg17 : memref<!tpu.dma_semaphore, #tpu.memory_space<semaphore_mem>>) {add = true}
      %get3A_242 = arith.constant 112 : index
      %get3A_243 = tpu.vector_load %arg9[%get3A_242] {strides = array<i32>} : memref<128xi32, #tpu.memory_space<vmem>>, vector<16xi32>,
      %get3A_244 = vector.shape_cast %get3A_243 : vector<16xi32> to vector<16xi32>
      %dma_start3A_245 = arith.constant 112 : i32
      %dma_start3A_246 = arith.constant 0 : i32
      %dma_start3A_247 = tpu.memref_slice %arg11[%dma_start3A_245, %dma_start3A_246] : memref<128x128xf32, #tpu.memory_space<vmem>> -> memref<16x128xf32, #tpu.memory_space<vmem>>
      %dma_start3A_248 = arith.constant 0 : i32
      %dma_start3A_249 = arith.constant 0 : i32
      %dma_start3A_250 = tpu.memref_slice %arg19[%dma_start3A_248, %dma_start3A_249] : memref<10112x128xf32, #tpu.memory_space<vmem_shared>> -> memref<10112x128xf32, #tpu.memory_space<vmem_shared>>
      tpu.enqueue_indirect_dma source(%dma_start3A_247 : memref<16x128xf32, #tpu.memory_space<vmem>>) target(%dma_start3A_250 : memref<10112x128xf32, #tpu.memory_space<vmem_shared>>) offsets(%get3A_244 : vector<16xi32>) semaphore(%arg17 : memref<!tpu.dma_semaphore, #tpu.memory_space<semaphore_mem>>) {add = true}
      %add3A_251 = arith.constant 1 : i32
      %add3A_252 = arith.addi %mul3A_95, %add3A_251 : i32
      %add3A_253 = arith.constant 2 : i32
      %add3A_254 = arith.addi %add3A_252, %add3A_253 : i32
      %lt3A_255 = arith.constant 158 : i32
      %lt3A_256 = arith.cmpi slt, %add3A_254, %lt3A_255 : i32
      %convert_element_type3A_257 = arith.extui %lt3A_256 : i1 to i32
      %cond3A_258 = arith.constant 0 : i32
      %cond3A_259 = arith.cmpi ne, %convert_element_type3A_257, %cond3A_258 : i32
      scf.if %cond3A_259 {
        %add3A_374 = arith.constant 1 : i32
        %add3A_375 = arith.addi %mul3A_95, %add3A_374 : i32
        %add3A_376 = arith.constant 2 : i32
        %add3A_377 = arith.addi %add3A_375, %add3A_376 : i32
        %dma_start3A_378 = arith.constant 0 : i32
        %dma_start3A_379 = tpu.memref_slice %arg3[%arg0, %arg1, %add3A_377, %dma_start3A_378] : memref<2x16x158x128xi32, #tpu.memory_space<hbm>> -> memref<1x1x1x128xi32, #tpu.memory_space<hbm>>
        %dma_start3A_380 = tpu.memref_squeeze %dma_start3A_379 : memref<1x1x1x128xi32, #tpu.memory_space<hbm>> -> memref<128xi32, #tpu.memory_space<hbm>>
        %dma_start3A_381 = arith.constant 0 : i32
        %dma_start3A_382 = tpu.memref_slice %arg3[%arg0, %arg1, %add3A_377, %dma_start3A_381] : memref<2x16x158x128xi32, #tpu.memory_space<hbm>> -> memref<1x1x1x128xi32, #tpu.memory_space<hbm>>
        %dma_start3A_383 = tpu.memref_squeeze %dma_start3A_382 : memref<1x1x1x128xi32, #tpu.memory_space<hbm>> -> memref<128xi32, #tpu.memory_space<hbm>>
        tpu.enqueue_dma source(%dma_start3A_383 : memref<128xi32, #tpu.memory_space<hbm>>) target(%arg7 : memref<128xi32, #tpu.memory_space<vmem>>) target_semaphore(%arg13 : memref<!tpu.dma_semaphore, #tpu.memory_space<semaphore_mem>>)
        %add3A_384 = arith.constant 1 : i32
        %add3A_385 = arith.addi %mul3A_95, %add3A_384 : i32
        %add3A_386 = arith.constant 2 : i32
        %add3A_387 = arith.addi %add3A_385, %add3A_386 : i32
        %dma_start3A_388 = arith.constant 0 : i32
        %dma_start3A_389 = tpu.memref_slice %arg4[%arg1, %add3A_387, %dma_start3A_388] : memref<16x158x128xi32, #tpu.memory_space<hbm>> -> memref<1x1x128xi32, #tpu.memory_space<hbm>>
        %dma_start3A_390 = tpu.memref_squeeze %dma_start3A_389 : memref<1x1x128xi32, #tpu.memory_space<hbm>> -> memref<128xi32, #tpu.memory_space<hbm>>
        %dma_start3A_391 = arith.constant 0 : i32
        %dma_start3A_392 = tpu.memref_slice %arg4[%arg1, %add3A_387, %dma_start3A_391] : memref<16x158x128xi32, #tpu.memory_space<hbm>> -> memref<1x1x128xi32, #tpu.memory_space<hbm>>
        %dma_start3A_393 = tpu.memref_squeeze %dma_start3A_392 : memref<1x1x128xi32, #tpu.memory_space<hbm>> -> memref<128xi32, #tpu.memory_space<hbm>>
        tpu.enqueue_dma source(%dma_start3A_393 : memref<128xi32, #tpu.memory_space<hbm>>) target(%arg9 : memref<128xi32, #tpu.memory_space<vmem>>) target_semaphore(%arg13 : memref<!tpu.dma_semaphore, #tpu.memory_space<semaphore_mem>>)
      } else {
      }
      %iota3A = tpu.iota {dimensions = array<i32: 0>} : vector<16xi32>
      %dma_wait3A_260 = arith.constant 0 : i32
      %dma_wait3A_261 = arith.constant 0 : i32
      %dma_wait3A_262 = tpu.memref_slice %arg10[%dma_wait3A_260, %dma_wait3A_261] : memref<128x128xf32, #tpu.memory_space<vmem>> -> memref<16x128xf32, #tpu.memory_space<vmem>>
      %dma_wait3A_263 = arith.constant 0 : i32
      %dma_wait3A_264 = arith.constant 0 : i32
      %dma_wait3A_265 = tpu.memref_slice %arg19[%dma_wait3A_263, %dma_wait3A_264] : memref<10112x128xf32, #tpu.memory_space<vmem_shared>> -> memref<10112x128xf32, #tpu.memory_space<vmem_shared>>
      tpu.wait_indirect_dma semaphore(%arg16 : memref<!tpu.dma_semaphore, #tpu.memory_space<semaphore_mem>>) src(%dma_wait3A_262 : memref<16x128xf32, #tpu.memory_space<vmem>>) dst(%dma_wait3A_265 : memref<10112x128xf32, #tpu.memory_space<vmem_shared>>)
      %dma_wait3A_266 = arith.constant 16 : i32
      %dma_wait3A_267 = arith.constant 0 : i32
      %dma_wait3A_268 = tpu.memref_slice %arg10[%dma_wait3A_266, %dma_wait3A_267] : memref<128x128xf32, #tpu.memory_space<vmem>> -> memref<16x128xf32, #tpu.memory_space<vmem>>
      %dma_wait3A_269 = arith.constant 0 : i32
      %dma_wait3A_270 = arith.constant 0 : i32
      %dma_wait3A_271 = tpu.memref_slice %arg19[%dma_wait3A_269, %dma_wait3A_270] : memref<10112x128xf32, #tpu.memory_space<vmem_shared>> -> memref<10112x128xf32, #tpu.memory_space<vmem_shared>>
      tpu.wait_indirect_dma semaphore(%arg16 : memref<!tpu.dma_semaphore, #tpu.memory_space<semaphore_mem>>) src(%dma_wait3A_268 : memref<16x128xf32, #tpu.memory_space<vmem>>) dst(%dma_wait3A_271 : memref<10112x128xf32, #tpu.memory_space<vmem_shared>>)
      %dma_wait3A_272 = arith.constant 32 : i32
      %dma_wait3A_273 = arith.constant 0 : i32
      %dma_wait3A_274 = tpu.memref_slice %arg10[%dma_wait3A_272, %dma_wait3A_273] : memref<128x128xf32, #tpu.memory_space<vmem>> -> memref<16x128xf32, #tpu.memory_space<vmem>>
      %dma_wait3A_275 = arith.constant 0 : i32
      %dma_wait3A_276 = arith.constant 0 : i32
      %dma_wait3A_277 = tpu.memref_slice %arg19[%dma_wait3A_275, %dma_wait3A_276] : memref<10112x128xf32, #tpu.memory_space<vmem_shared>> -> memref<10112x128xf32, #tpu.memory_space<vmem_shared>>
      tpu.wait_indirect_dma semaphore(%arg16 : memref<!tpu.dma_semaphore, #tpu.memory_space<semaphore_mem>>) src(%dma_wait3A_274 : memref<16x128xf32, #tpu.memory_space<vmem>>) dst(%dma_wait3A_277 : memref<10112x128xf32, #tpu.memory_space<vmem_shared>>)
      %dma_wait3A_278 = arith.constant 48 : i32
      %dma_wait3A_279 = arith.constant 0 : i32
      %dma_wait3A_280 = tpu.memref_slice %arg10[%dma_wait3A_278, %dma_wait3A_279] : memref<128x128xf32, #tpu.memory_space<vmem>> -> memref<16x128xf32, #tpu.memory_space<vmem>>
      %dma_wait3A_281 = arith.constant 0 : i32
      %dma_wait3A_282 = arith.constant 0 : i32
      %dma_wait3A_283 = tpu.memref_slice %arg19[%dma_wait3A_281, %dma_wait3A_282] : memref<10112x128xf32, #tpu.memory_space<vmem_shared>> -> memref<10112x128xf32, #tpu.memory_space<vmem_shared>>
      tpu.wait_indirect_dma semaphore(%arg16 : memref<!tpu.dma_semaphore, #tpu.memory_space<semaphore_mem>>) src(%dma_wait3A_280 : memref<16x128xf32, #tpu.memory_space<vmem>>) dst(%dma_wait3A_283 : memref<10112x128xf32, #tpu.memory_space<vmem_shared>>)
      %dma_wait3A_284 = arith.constant 64 : i32
      %dma_wait3A_285 = arith.constant 0 : i32
      %dma_wait3A_286 = tpu.memref_slice %arg10[%dma_wait3A_284, %dma_wait3A_285] : memref<128x128xf32, #tpu.memory_space<vmem>> -> memref<16x128xf32, #tpu.memory_space<vmem>>
      %dma_wait3A_287 = arith.constant 0 : i32
      %dma_wait3A_288 = arith.constant 0 : i32
      %dma_wait3A_289 = tpu.memref_slice %arg19[%dma_wait3A_287, %dma_wait3A_288] : memref<10112x128xf32, #tpu.memory_space<vmem_shared>> -> memref<10112x128xf32, #tpu.memory_space<vmem_shared>>
      tpu.wait_indirect_dma semaphore(%arg16 : memref<!tpu.dma_semaphore, #tpu.memory_space<semaphore_mem>>) src(%dma_wait3A_286 : memref<16x128xf32, #tpu.memory_space<vmem>>) dst(%dma_wait3A_289 : memref<10112x128xf32, #tpu.memory_space<vmem_shared>>)
      %dma_wait3A_290 = arith.constant 80 : i32
      %dma_wait3A_291 = arith.constant 0 : i32
      %dma_wait3A_292 = tpu.memref_slice %arg10[%dma_wait3A_290, %dma_wait3A_291] : memref<128x128xf32, #tpu.memory_space<vmem>> -> memref<16x128xf32, #tpu.memory_space<vmem>>
      %dma_wait3A_293 = arith.constant 0 : i32
      %dma_wait3A_294 = arith.constant 0 : i32
      %dma_wait3A_295 = tpu.memref_slice %arg19[%dma_wait3A_293, %dma_wait3A_294] : memref<10112x128xf32, #tpu.memory_space<vmem_shared>> -> memref<10112x128xf32, #tpu.memory_space<vmem_shared>>
      tpu.wait_indirect_dma semaphore(%arg16 : memref<!tpu.dma_semaphore, #tpu.memory_space<semaphore_mem>>) src(%dma_wait3A_292 : memref<16x128xf32, #tpu.memory_space<vmem>>) dst(%dma_wait3A_295 : memref<10112x128xf32, #tpu.memory_space<vmem_shared>>)
      %dma_wait3A_296 = arith.constant 96 : i32
      %dma_wait3A_297 = arith.constant 0 : i32
      %dma_wait3A_298 = tpu.memref_slice %arg10[%dma_wait3A_296, %dma_wait3A_297] : memref<128x128xf32, #tpu.memory_space<vmem>> -> memref<16x128xf32, #tpu.memory_space<vmem>>
      %dma_wait3A_299 = arith.constant 0 : i32
      %dma_wait3A_300 = arith.constant 0 : i32
      %dma_wait3A_301 = tpu.memref_slice %arg19[%dma_wait3A_299, %dma_wait3A_300] : memref<10112x128xf32, #tpu.memory_space<vmem_shared>> -> memref<10112x128xf32, #tpu.memory_space<vmem_shared>>
      tpu.wait_indirect_dma semaphore(%arg16 : memref<!tpu.dma_semaphore, #tpu.memory_space<semaphore_mem>>) src(%dma_wait3A_298 : memref<16x128xf32, #tpu.memory_space<vmem>>) dst(%dma_wait3A_301 : memref<10112x128xf32, #tpu.memory_space<vmem_shared>>)
      %dma_wait3A_302 = arith.constant 112 : i32
      %dma_wait3A_303 = arith.constant 0 : i32
      %dma_wait3A_304 = tpu.memref_slice %arg10[%dma_wait3A_302, %dma_wait3A_303] : memref<128x128xf32, #tpu.memory_space<vmem>> -> memref<16x128xf32, #tpu.memory_space<vmem>>
      %dma_wait3A_305 = arith.constant 0 : i32
      %dma_wait3A_306 = arith.constant 0 : i32
      %dma_wait3A_307 = tpu.memref_slice %arg19[%dma_wait3A_305, %dma_wait3A_306] : memref<10112x128xf32, #tpu.memory_space<vmem_shared>> -> memref<10112x128xf32, #tpu.memory_space<vmem_shared>>
      tpu.wait_indirect_dma semaphore(%arg16 : memref<!tpu.dma_semaphore, #tpu.memory_space<semaphore_mem>>) src(%dma_wait3A_304 : memref<16x128xf32, #tpu.memory_space<vmem>>) dst(%dma_wait3A_307 : memref<10112x128xf32, #tpu.memory_space<vmem_shared>>)
      %add3A_308 = arith.constant 0 : i32
      %add3A_309 = arith.addi %mul3A_95, %add3A_308 : i32
      %add3A_310 = arith.constant 2 : i32
      %add3A_311 = arith.addi %add3A_309, %add3A_310 : i32
      %lt3A_312 = arith.constant 158 : i32
      %lt3A_313 = arith.cmpi slt, %add3A_311, %lt3A_312 : i32
      %convert_element_type3A_314 = arith.extui %lt3A_313 : i1 to i32
      %cond3A_315 = arith.constant 0 : i32
      %cond3A_316 = arith.cmpi ne, %convert_element_type3A_314, %cond3A_315 : i32
      scf.if %cond3A_316 {
        %dma_wait3A_374 = arith.constant 0 : i32
        %dma_wait3A_375 = arith.constant 0 : i32
        %dma_wait3A_376 = tpu.memref_slice %arg3[%arg0, %arg1, %dma_wait3A_374, %dma_wait3A_375] : memref<2x16x158x128xi32, #tpu.memory_space<hbm>> -> memref<1x1x1x128xi32, #tpu.memory_space<hbm>>
        %dma_wait3A_377 = tpu.memref_squeeze %dma_wait3A_376 : memref<1x1x1x128xi32, #tpu.memory_space<hbm>> -> memref<128xi32, #tpu.memory_space<hbm>>
        %dma_wait3A_378 = arith.constant 0 : i32
        %dma_wait3A_379 = tpu.memref_slice %arg3[%arg0, %arg1, %dma_wait3A_374, %dma_wait3A_378] : memref<2x16x158x128xi32, #tpu.memory_space<hbm>> -> memref<1x1x1x128xi32, #tpu.memory_space<hbm>>
        %dma_wait3A_380 = tpu.memref_squeeze %dma_wait3A_379 : memref<1x1x1x128xi32, #tpu.memory_space<hbm>> -> memref<128xi32, #tpu.memory_space<hbm>>
        tpu.wait_dma2 semaphore(%arg12 : memref<!tpu.dma_semaphore, #tpu.memory_space<semaphore_mem>>) src(%dma_wait3A_380 : memref<128xi32, #tpu.memory_space<hbm>>) dst(%arg6 : memref<128xi32, #tpu.memory_space<vmem>>)
        %dma_wait3A_381 = arith.constant 0 : i32
        %dma_wait3A_382 = arith.constant 0 : i32
        %dma_wait3A_383 = tpu.memref_slice %arg4[%arg1, %dma_wait3A_381, %dma_wait3A_382] : memref<16x158x128xi32, #tpu.memory_space<hbm>> -> memref<1x1x128xi32, #tpu.memory_space<hbm>>
        %dma_wait3A_384 = tpu.memref_squeeze %dma_wait3A_383 : memref<1x1x128xi32, #tpu.memory_space<hbm>> -> memref<128xi32, #tpu.memory_space<hbm>>
        %dma_wait3A_385 = arith.constant 0 : i32
        %dma_wait3A_386 = tpu.memref_slice %arg4[%arg1, %dma_wait3A_381, %dma_wait3A_385] : memref<16x158x128xi32, #tpu.memory_space<hbm>> -> memref<1x1x128xi32, #tpu.memory_space<hbm>>
        %dma_wait3A_387 = tpu.memref_squeeze %dma_wait3A_386 : memref<1x1x128xi32, #tpu.memory_space<hbm>> -> memref<128xi32, #tpu.memory_space<hbm>>
        tpu.wait_dma2 semaphore(%arg12 : memref<!tpu.dma_semaphore, #tpu.memory_space<semaphore_mem>>) src(%dma_wait3A_387 : memref<128xi32, #tpu.memory_space<hbm>>) dst(%arg8 : memref<128xi32, #tpu.memory_space<vmem>>)
        %dma_start3A_388 = arith.constant 0 : i32
        %dma_start3A_389 = arith.constant 0 : i32
        %dma_start3A_390 = tpu.memref_slice %arg2[%dma_start3A_388, %dma_start3A_389] : memref<20224x128xf32, #tpu.memory_space<hbm>> -> memref<20224x128xf32, #tpu.memory_space<hbm>>
        tpu.enqueue_indirect_dma source(%dma_start3A_390 : memref<20224x128xf32, #tpu.memory_space<hbm>>) target(%arg10 : memref<128x128xf32, #tpu.memory_space<vmem>>) offsets(%arg6 : memref<128xi32, #tpu.memory_space<vmem>>) semaphore(%arg14 : memref<!tpu.dma_semaphore, #tpu.memory_space<semaphore_mem>>)
      } else {
      }
      %dma_wait3A_317 = arith.constant 0 : i32
      %dma_wait3A_318 = arith.constant 0 : i32
      %dma_wait3A_319 = tpu.memref_slice %arg11[%dma_wait3A_317, %dma_wait3A_318] : memref<128x128xf32, #tpu.memory_space<vmem>> -> memref<16x128xf32, #tpu.memory_space<vmem>>
      %dma_wait3A_320 = arith.constant 0 : i32
      %dma_wait3A_321 = arith.constant 0 : i32
      %dma_wait3A_322 = tpu.memref_slice %arg19[%dma_wait3A_320, %dma_wait3A_321] : memref<10112x128xf32, #tpu.memory_space<vmem_shared>> -> memref<10112x128xf32, #tpu.memory_space<vmem_shared>>
      tpu.wait_indirect_dma semaphore(%arg17 : memref<!tpu.dma_semaphore, #tpu.memory_space<semaphore_mem>>) src(%dma_wait3A_319 : memref<16x128xf32, #tpu.memory_space<vmem>>) dst(%dma_wait3A_322 : memref<10112x128xf32, #tpu.memory_space<vmem_shared>>)
      %dma_wait3A_323 = arith.constant 16 : i32
      %dma_wait3A_324 = arith.constant 0 : i32
      %dma_wait3A_325 = tpu.memref_slice %arg11[%dma_wait3A_323, %dma_wait3A_324] : memref<128x128xf32, #tpu.memory_space<vmem>> -> memref<16x128xf32, #tpu.memory_space<vmem>>
      %dma_wait3A_326 = arith.constant 0 : i32
      %dma_wait3A_327 = arith.constant 0 : i32
      %dma_wait3A_328 = tpu.memref_slice %arg19[%dma_wait3A_326, %dma_wait3A_327] : memref<10112x128xf32, #tpu.memory_space<vmem_shared>> -> memref<10112x128xf32, #tpu.memory_space<vmem_shared>>
      tpu.wait_indirect_dma semaphore(%arg17 : memref<!tpu.dma_semaphore, #tpu.memory_space<semaphore_mem>>) src(%dma_wait3A_325 : memref<16x128xf32, #tpu.memory_space<vmem>>) dst(%dma_wait3A_328 : memref<10112x128xf32, #tpu.memory_space<vmem_shared>>)
      %dma_wait3A_329 = arith.constant 32 : i32
      %dma_wait3A_330 = arith.constant 0 : i32
      %dma_wait3A_331 = tpu.memref_slice %arg11[%dma_wait3A_329, %dma_wait3A_330] : memref<128x128xf32, #tpu.memory_space<vmem>> -> memref<16x128xf32, #tpu.memory_space<vmem>>
      %dma_wait3A_332 = arith.constant 0 : i32
      %dma_wait3A_333 = arith.constant 0 : i32
      %dma_wait3A_334 = tpu.memref_slice %arg19[%dma_wait3A_332, %dma_wait3A_333] : memref<10112x128xf32, #tpu.memory_space<vmem_shared>> -> memref<10112x128xf32, #tpu.memory_space<vmem_shared>>
      tpu.wait_indirect_dma semaphore(%arg17 : memref<!tpu.dma_semaphore, #tpu.memory_space<semaphore_mem>>) src(%dma_wait3A_331 : memref<16x128xf32, #tpu.memory_space<vmem>>) dst(%dma_wait3A_334 : memref<10112x128xf32, #tpu.memory_space<vmem_shared>>)
      %dma_wait3A_335 = arith.constant 48 : i32
      %dma_wait3A_336 = arith.constant 0 : i32
      %dma_wait3A_337 = tpu.memref_slice %arg11[%dma_wait3A_335, %dma_wait3A_336] : memref<128x128xf32, #tpu.memory_space<vmem>> -> memref<16x128xf32, #tpu.memory_space<vmem>>
      %dma_wait3A_338 = arith.constant 0 : i32
      %dma_wait3A_339 = arith.constant 0 : i32
      %dma_wait3A_340 = tpu.memref_slice %arg19[%dma_wait3A_338, %dma_wait3A_339] : memref<10112x128xf32, #tpu.memory_space<vmem_shared>> -> memref<10112x128xf32, #tpu.memory_space<vmem_shared>>
      tpu.wait_indirect_dma semaphore(%arg17 : memref<!tpu.dma_semaphore, #tpu.memory_space<semaphore_mem>>) src(%dma_wait3A_337 : memref<16x128xf32, #tpu.memory_space<vmem>>) dst(%dma_wait3A_340 : memref<10112x128xf32, #tpu.memory_space<vmem_shared>>)
      %dma_wait3A_341 = arith.constant 64 : i32
      %dma_wait3A_342 = arith.constant 0 : i32
      %dma_wait3A_343 = tpu.memref_slice %arg11[%dma_wait3A_341, %dma_wait3A_342] : memref<128x128xf32, #tpu.memory_space<vmem>> -> memref<16x128xf32, #tpu.memory_space<vmem>>
      %dma_wait3A_344 = arith.constant 0 : i32
      %dma_wait3A_345 = arith.constant 0 : i32
      %dma_wait3A_346 = tpu.memref_slice %arg19[%dma_wait3A_344, %dma_wait3A_345] : memref<10112x128xf32, #tpu.memory_space<vmem_shared>> -> memref<10112x128xf32, #tpu.memory_space<vmem_shared>>
      tpu.wait_indirect_dma semaphore(%arg17 : memref<!tpu.dma_semaphore, #tpu.memory_space<semaphore_mem>>) src(%dma_wait3A_343 : memref<16x128xf32, #tpu.memory_space<vmem>>) dst(%dma_wait3A_346 : memref<10112x128xf32, #tpu.memory_space<vmem_shared>>)
      %dma_wait3A_347 = arith.constant 80 : i32
      %dma_wait3A_348 = arith.constant 0 : i32
      %dma_wait3A_349 = tpu.memref_slice %arg11[%dma_wait3A_347, %dma_wait3A_348] : memref<128x128xf32, #tpu.memory_space<vmem>> -> memref<16x128xf32, #tpu.memory_space<vmem>>
      %dma_wait3A_350 = arith.constant 0 : i32
      %dma_wait3A_351 = arith.constant 0 : i32
      %dma_wait3A_352 = tpu.memref_slice %arg19[%dma_wait3A_350, %dma_wait3A_351] : memref<10112x128xf32, #tpu.memory_space<vmem_shared>> -> memref<10112x128xf32, #tpu.memory_space<vmem_shared>>
      tpu.wait_indirect_dma semaphore(%arg17 : memref<!tpu.dma_semaphore, #tpu.memory_space<semaphore_mem>>) src(%dma_wait3A_349 : memref<16x128xf32, #tpu.memory_space<vmem>>) dst(%dma_wait3A_352 : memref<10112x128xf32, #tpu.memory_space<vmem_shared>>)
      %dma_wait3A_353 = arith.constant 96 : i32
      %dma_wait3A_354 = arith.constant 0 : i32
      %dma_wait3A_355 = tpu.memref_slice %arg11[%dma_wait3A_353, %dma_wait3A_354] : memref<128x128xf32, #tpu.memory_space<vmem>> -> memref<16x128xf32, #tpu.memory_space<vmem>>
      %dma_wait3A_356 = arith.constant 0 : i32
      %dma_wait3A_357 = arith.constant 0 : i32
      %dma_wait3A_358 = tpu.memref_slice %arg19[%dma_wait3A_356, %dma_wait3A_357] : memref<10112x128xf32, #tpu.memory_space<vmem_shared>> -> memref<10112x128xf32, #tpu.memory_space<vmem_shared>>
      tpu.wait_indirect_dma semaphore(%arg17 : memref<!tpu.dma_semaphore, #tpu.memory_space<semaphore_mem>>) src(%dma_wait3A_355 : memref<16x128xf32, #tpu.memory_space<vmem>>) dst(%dma_wait3A_358 : memref<10112x128xf32, #tpu.memory_space<vmem_shared>>)
      %dma_wait3A_359 = arith.constant 112 : i32
      %dma_wait3A_360 = arith.constant 0 : i32
      %dma_wait3A_361 = tpu.memref_slice %arg11[%dma_wait3A_359, %dma_wait3A_360] : memref<128x128xf32, #tpu.memory_space<vmem>> -> memref<16x128xf32, #tpu.memory_space<vmem>>
      %dma_wait3A_362 = arith.constant 0 : i32
      %dma_wait3A_363 = arith.constant 0 : i32
      %dma_wait3A_364 = tpu.memref_slice %arg19[%dma_wait3A_362, %dma_wait3A_363] : memref<10112x128xf32, #tpu.memory_space<vmem_shared>> -> memref<10112x128xf32, #tpu.memory_space<vmem_shared>>
      tpu.wait_indirect_dma semaphore(%arg17 : memref<!tpu.dma_semaphore, #tpu.memory_space<semaphore_mem>>) src(%dma_wait3A_361 : memref<16x128xf32, #tpu.memory_space<vmem>>) dst(%dma_wait3A_364 : memref<10112x128xf32, #tpu.memory_space<vmem_shared>>)
      %add3A_365 = arith.constant 1 : i32
      %add3A_366 = arith.addi %mul3A_95, %add3A_365 : i32
      %add3A_367 = arith.constant 2 : i32
      %add3A_368 = arith.addi %add3A_366, %add3A_367 : i32
      %lt3A_369 = arith.constant 158 : i32
      %lt3A_370 = arith.cmpi slt, %add3A_368, %lt3A_369 : i32
      %convert_element_type3A_371 = arith.extui %lt3A_370 : i1 to i32
      %cond3A_372 = arith.constant 0 : i32
      %cond3A_373 = arith.cmpi ne, %convert_element_type3A_371, %cond3A_372 : i32
      scf.if %cond3A_373 {
        %dma_wait3A_374 = arith.constant 0 : i32
        %dma_wait3A_375 = arith.constant 0 : i32
        %dma_wait3A_376 = tpu.memref_slice %arg3[%arg0, %arg1, %dma_wait3A_374, %dma_wait3A_375] : memref<2x16x158x128xi32, #tpu.memory_space<hbm>> -> memref<1x1x1x128xi32, #tpu.memory_space<hbm>>
        %dma_wait3A_377 = tpu.memref_squeeze %dma_wait3A_376 : memref<1x1x1x128xi32, #tpu.memory_space<hbm>> -> memref<128xi32, #tpu.memory_space<hbm>>
        %dma_wait3A_378 = arith.constant 0 : i32
        %dma_wait3A_379 = tpu.memref_slice %arg3[%arg0, %arg1, %dma_wait3A_374, %dma_wait3A_378] : memref<2x16x158x128xi32, #tpu.memory_space<hbm>> -> memref<1x1x1x128xi32, #tpu.memory_space<hbm>>
        %dma_wait3A_380 = tpu.memref_squeeze %dma_wait3A_379 : memref<1x1x1x128xi32, #tpu.memory_space<hbm>> -> memref<128xi32, #tpu.memory_space<hbm>>
        tpu.wait_dma2 semaphore(%arg13 : memref<!tpu.dma_semaphore, #tpu.memory_space<semaphore_mem>>) src(%dma_wait3A_380 : memref<128xi32, #tpu.memory_space<hbm>>) dst(%arg7 : memref<128xi32, #tpu.memory_space<vmem>>)
        %dma_wait3A_381 = arith.constant 0 : i32
        %dma_wait3A_382 = arith.constant 0 : i32
        %dma_wait3A_383 = tpu.memref_slice %arg4[%arg1, %dma_wait3A_381, %dma_wait3A_382] : memref<16x158x128xi32, #tpu.memory_space<hbm>> -> memref<1x1x128xi32, #tpu.memory_space<hbm>>
        %dma_wait3A_384 = tpu.memref_squeeze %dma_wait3A_383 : memref<1x1x128xi32, #tpu.memory_space<hbm>> -> memref<128xi32, #tpu.memory_space<hbm>>
        %dma_wait3A_385 = arith.constant 0 : i32
        %dma_wait3A_386 = tpu.memref_slice %arg4[%arg1, %dma_wait3A_381, %dma_wait3A_385] : memref<16x158x128xi32, #tpu.memory_space<hbm>> -> memref<1x1x128xi32, #tpu.memory_space<hbm>>
        %dma_wait3A_387 = tpu.memref_squeeze %dma_wait3A_386 : memref<1x1x128xi32, #tpu.memory_space<hbm>> -> memref<128xi32, #tpu.memory_space<hbm>>
        tpu.wait_dma2 semaphore(%arg13 : memref<!tpu.dma_semaphore, #tpu.memory_space<semaphore_mem>>) src(%dma_wait3A_387 : memref<128xi32, #tpu.memory_space<hbm>>) dst(%arg9 : memref<128xi32, #tpu.memory_space<vmem>>)
        %dma_start3A_388 = arith.constant 0 : i32
        %dma_start3A_389 = arith.constant 0 : i32
        %dma_start3A_390 = tpu.memref_slice %arg2[%dma_start3A_388, %dma_start3A_389] : memref<20224x128xf32, #tpu.memory_space<hbm>> -> memref<20224x128xf32, #tpu.memory_space<hbm>>
        tpu.enqueue_indirect_dma source(%dma_start3A_390 : memref<20224x128xf32, #tpu.memory_space<hbm>>) target(%arg11 : memref<128x128xf32, #tpu.memory_space<vmem>>) offsets(%arg7 : memref<128xi32, #tpu.memory_space<vmem>>) semaphore(%arg15 : memref<!tpu.dma_semaphore, #tpu.memory_space<semaphore_mem>>)
      } else {
      }
    }
    %scan3A_77 = arith.constant 79 : i32
    %barrier3A_78 = arith.constant 0 : index
    tpu.barrier barrier_id(%barrier3A_78)
    %mul3A_79 = arith.constant 632 : i32
    %mul3A_80 = arith.muli %arg1, %mul3A_79 : i32
    %mul3A_81 = arith.constant 632 : i32
    %mul3A_82 = arith.muli %arg1, %mul3A_81 : i32
    %dma_start3A_83 = arith.constant 0 : i32
    %dma_start3A_84 = tpu.memref_slice %arg5[%arg0, %mul3A_82, %dma_start3A_83] : memref<2x10112x128xf32, #tpu.memory_space<hbm>> -> memref<1x632x128xf32, #tpu.memory_space<hbm>>
    %dma_start3A_85 = tpu.memref_squeeze %dma_start3A_84 : memref<1x632x128xf32, #tpu.memory_space<hbm>> -> memref<632x128xf32, #tpu.memory_space<hbm>>
    %dma_start3A_86 = arith.constant 0 : i32
    %dma_start3A_87 = tpu.memref_slice %arg19[%mul3A_80, %dma_start3A_86] : memref<10112x128xf32, #tpu.memory_space<vmem_shared>> -> memref<632x128xf32, #tpu.memory_space<vmem_shared>>
    tpu.enqueue_dma source(%dma_start3A_87 : memref<632x128xf32, #tpu.memory_space<vmem_shared>>) target(%dma_start3A_85 : memref<632x128xf32, #tpu.memory_space<hbm>>) target_semaphore(%arg18 : memref<!tpu.dma_semaphore, #tpu.memory_space<semaphore_mem>>)
    %dma_wait3A_88 = arith.constant 0 : i32
    %dma_wait3A_89 = tpu.memref_slice %arg5[%arg0, %mul3A_82, %dma_wait3A_88] : memref<2x10112x128xf32, #tpu.memory_space<hbm>> -> memref<1x632x128xf32, #tpu.memory_space<hbm>>
    %dma_wait3A_90 = tpu.memref_squeeze %dma_wait3A_89 : memref<1x632x128xf32, #tpu.memory_space<hbm>> -> memref<632x128xf32, #tpu.memory_space<hbm>>
    %dma_wait3A_91 = arith.constant 0 : i32
    %dma_wait3A_92 = tpu.memref_slice %arg19[%mul3A_80, %dma_wait3A_91] : memref<10112x128xf32, #tpu.memory_space<vmem_shared>> -> memref<632x128xf32, #tpu.memory_space<vmem_shared>>
    tpu.wait_dma2 semaphore(%arg18 : memref<!tpu.dma_semaphore, #tpu.memory_space<semaphore_mem>>) src(%dma_wait3A_92 : memref<632x128xf32, #tpu.memory_space<vmem_shared>>) dst(%dma_wait3A_90 : memref<632x128xf32, #tpu.memory_space<hbm>>)
    return
  }
}

module attributes {stable_mosaic.version = 14 : i64} {
  func.func @_mm1_body(%arg0: i32, %arg1: memref<128x128xf32, #tpu.memory_space<vmem>>, %arg2: memref<128x256xf32, #tpu.memory_space<vmem>>, %arg3: memref<128x256xf32, #tpu.memory_space<vmem>>) attributes {dimension_semantics = [#tpu.dimension_semantics<arbitrary>], iteration_bounds = array<i64: 79>, scalar_prefetch = 0 : i64, scratch_operands = 0 : i64, tpu.core_type = #tpu.core_type<tc>, window_params = [{transform_indices = @transform_0, window_bounds = array<i64: 128, 128>}, {pipeline_mode = #tpu.pipeline_mode<synchronous>, transform_indices = @transform_1, window_bounds = array<i64: 128, 256>}, {transform_indices = @transform_2, window_bounds = array<i64: 128, 256>}]} {
    %get3A = arith.constant 0 : index
    %get3A_0 = arith.constant 0 : index
    %get3A_1 = vector.load %arg1[%get3A, %get3A_0] : memref<128x128xf32, #tpu.memory_space<vmem>>, vector<128x128xf32>
    %get3A_2 = arith.constant 0 : index
    %get3A_3 = arith.constant 0 : index
    %get3A_4 = vector.load %arg2[%get3A_2, %get3A_3] : memref<128x256xf32, #tpu.memory_space<vmem>>, vector<128x256xf32>
    %dot_general3A = arith.constant dense<0.000000e+00> : vector<128x256xf32>
    %dot_general3A_5 = tpu.matmul %get3A_1, %get3A_4, %dot_general3A {dimension_numbers = #tpu.dot_dimension_numbers<[1], [0], [0], [1], [0, 0, 1, 1], [], []>, transpose_lhs_hint = false} : vector<128x128xf32>, vector<128x256xf32>, vector<128x256xf32> -> vector<128x256xf32>
    %swap3A = arith.constant 0 : index
    %swap3A_6 = arith.constant 0 : index
    %swap3A_7 = vector.load %arg3[%swap3A, %swap3A_6] : memref<128x256xf32, #tpu.memory_space<vmem>>, vector<128x256xf32>
    tpu.vector_store %arg3[%swap3A, %swap3A_6], %dot_general3A_5 {strides = array<i32>} : memref<128x256xf32, #tpu.memory_space<vmem>>, vector<128x256xf32>,
    return
  }
  func.func @transform_0(%arg0: i32) -> (i32, i32) {
    %c0_i32 = arith.constant 0 : i32
    %c0_i32_0 = arith.constant 0 : i32
    return %arg0, %c0_i32 : i32, i32
  }
  func.func @transform_1(%arg0: i32) -> (i32, i32) {
    %c0_i32 = arith.constant 0 : i32
    %c0_i32_0 = arith.constant 0 : i32
    %c0_i32_1 = arith.constant 0 : i32
    return %c0_i32, %c0_i32_0 : i32, i32
  }
  func.func @transform_2(%arg0: i32) -> (i32, i32) {
    %c0_i32 = arith.constant 0 : i32
    %c0_i32_0 = arith.constant 0 : i32
    return %arg0, %c0_i32 : i32, i32
  }
}

module attributes {stable_mosaic.version = 14 : i64} {
  func.func @_scale_body(%arg0: i32, %arg1: memref<128x256xf32, #tpu.memory_space<vmem>>, %arg2: memref<2x128x128xf32, #tpu.memory_space<vmem>>, %arg3: memref<2x128x128xf32, #tpu.memory_space<vmem>>, %arg4: memref<128x16xf32, #tpu.memory_space<vmem>>) attributes {dimension_semantics = [#tpu.dimension_semantics<arbitrary>], iteration_bounds = array<i64: 79>, scalar_prefetch = 0 : i64, scratch_operands = 0 : i64, tpu.core_type = #tpu.core_type<tc>, window_params = [{transform_indices = @transform_0, window_bounds = array<i64: 128, 256>}, {transform_indices = @transform_1, window_bounds = array<i64: 2, 128, 128>}, {transform_indices = @transform_2, window_bounds = array<i64: 2, 128, 128>}, {transform_indices = @transform_3, window_bounds = array<i64: 128, 16>}]} {
    %get3A = arith.constant 0 : index
    %get3A_0 = arith.constant 0 : index
    %get3A_1 = arith.constant 0 : index
    %get3A_2 = vector.load %arg2[%get3A, %get3A_0, %get3A_1] : memref<2x128x128xf32, #tpu.memory_space<vmem>>, vector<1x128x128xf32>
    %get3A_3 = vector.shape_cast %get3A_2 : vector<1x128x128xf32> to vector<128x128xf32>
    %get3A_4 = arith.constant 1 : index
    %get3A_5 = arith.constant 0 : index
    %get3A_6 = arith.constant 0 : index
    %get3A_7 = vector.load %arg2[%get3A_4, %get3A_5, %get3A_6] : memref<2x128x128xf32, #tpu.memory_space<vmem>>, vector<1x128x128xf32>
    %get3A_8 = vector.shape_cast %get3A_7 : vector<1x128x128xf32> to vector<128x128xf32>
    %add3A = arith.addf %get3A_3, %get3A_8 : vector<128x128xf32>
    %slice3A = vector.extract_strided_slice %add3A {offsets = [0, 0], sizes = [128, 1], strides = [1, 1]} : vector<128x128xf32> to vector<128x1xf32>
    %add3A_9 = arith.constant 1.000000e+00 : f32
    %add3A_10 = vector.broadcast %add3A_9 : f32 to vector<128x1xf32>
    %add3A_11 = arith.addf %slice3A, %add3A_10 : vector<128x1xf32>
    %rsqrt3A = math.rsqrt %add3A_11 : vector<128x1xf32>
    %get3A_12 = arith.constant 0 : index
    %get3A_13 = arith.constant 0 : index
    %get3A_14 = vector.load %arg1[%get3A_12, %get3A_13] : memref<128x256xf32, #tpu.memory_space<vmem>>, vector<128x256xf32>
    %mul3A = vector.broadcast %rsqrt3A : vector<128x1xf32> to vector<128x256xf32>
    %mul3A_15 = arith.mulf %get3A_14, %mul3A : vector<128x256xf32>
    %slice3A_16 = vector.extract_strided_slice %mul3A_15 {offsets = [0, 0], sizes = [128, 128], strides = [1, 1]} : vector<128x256xf32> to vector<128x128xf32>
    %swap3A = arith.constant 0 : index
    %swap3A_17 = arith.constant 0 : index
    %swap3A_18 = arith.constant 0 : index
    %swap3A_19 = vector.load %arg3[%swap3A, %swap3A_17, %swap3A_18] : memref<2x128x128xf32, #tpu.memory_space<vmem>>, vector<1x128x128xf32>
    %swap3A_20 = vector.shape_cast %swap3A_19 : vector<1x128x128xf32> to vector<128x128xf32>
    %swap3A_21 = vector.shape_cast %slice3A_16 : vector<128x128xf32> to vector<1x128x128xf32>
    tpu.vector_store %arg3[%swap3A, %swap3A_17, %swap3A_18], %swap3A_21 {strides = array<i32>} : memref<2x128x128xf32, #tpu.memory_space<vmem>>, vector<1x128x128xf32>,
    %slice3A_22 = vector.extract_strided_slice %mul3A_15 {offsets = [0, 128], sizes = [128, 128], strides = [1, 1]} : vector<128x256xf32> to vector<128x128xf32>
    %swap3A_23 = arith.constant 1 : index
    %swap3A_24 = arith.constant 0 : index
    %swap3A_25 = arith.constant 0 : index
    %swap3A_26 = vector.load %arg3[%swap3A_23, %swap3A_24, %swap3A_25] : memref<2x128x128xf32, #tpu.memory_space<vmem>>, vector<1x128x128xf32>
    %swap3A_27 = vector.shape_cast %swap3A_26 : vector<1x128x128xf32> to vector<128x128xf32>
    %swap3A_28 = vector.shape_cast %slice3A_22 : vector<128x128xf32> to vector<1x128x128xf32>
    tpu.vector_store %arg3[%swap3A_23, %swap3A_24, %swap3A_25], %swap3A_28 {strides = array<i32>} : memref<2x128x128xf32, #tpu.memory_space<vmem>>, vector<1x128x128xf32>,
    %broadcast_in_dim3A = arith.constant 1.000000e+00 : f32
    %broadcast_in_dim3A_29 = vector.broadcast %broadcast_in_dim3A : f32 to vector<1x16xf32>
    %mul3A_30 = vector.broadcast %rsqrt3A : vector<128x1xf32> to vector<128x16xf32>
    %mul3A_31 = vector.broadcast %broadcast_in_dim3A_29 : vector<1x16xf32> to vector<128x16xf32>
    %mul3A_32 = arith.mulf %mul3A_30, %mul3A_31 : vector<128x16xf32>
    %swap3A_33 = arith.constant 0 : index
    %swap3A_34 = arith.constant 0 : index
    %swap3A_35 = vector.load %arg4[%swap3A_33, %swap3A_34] : memref<128x16xf32, #tpu.memory_space<vmem>>, vector<128x16xf32>
    tpu.vector_store %arg4[%swap3A_33, %swap3A_34], %mul3A_32 {strides = array<i32>} : memref<128x16xf32, #tpu.memory_space<vmem>>, vector<128x16xf32>,
    return
  }
  func.func @transform_0(%arg0: i32) -> (i32, i32) {
    %c0_i32 = arith.constant 0 : i32
    %c0_i32_0 = arith.constant 0 : i32
    return %arg0, %c0_i32 : i32, i32
  }
  func.func @transform_1(%arg0: i32) -> (i32, i32, i32) {
    %c0_i32 = arith.constant 0 : i32
    %c0_i32_0 = arith.constant 0 : i32
    %c0_i32_1 = arith.constant 0 : i32
    return %c0_i32, %arg0, %c0_i32_0 : i32, i32, i32
  }
  func.func @transform_2(%arg0: i32) -> (i32, i32, i32) {
    %c0_i32 = arith.constant 0 : i32
    %c0_i32_0 = arith.constant 0 : i32
    %c0_i32_1 = arith.constant 0 : i32
    return %c0_i32, %arg0, %c0_i32_0 : i32, i32, i32
  }
  func.func @transform_3(%arg0: i32) -> (i32, i32) {
    %c0_i32 = arith.constant 0 : i32
    %c0_i32_0 = arith.constant 0 : i32
    return %arg0, %c0_i32 : i32, i32
  }
}

module attributes {stable_mosaic.version = 14 : i64} {
  func.func @_mid_body(%arg0: i32, %arg1: memref<2x128x128xf32, #tpu.memory_space<vmem>>, %arg2: memref<128x16xf32, #tpu.memory_space<vmem>>, %arg3: memref<256x256xf32, #tpu.memory_space<vmem>>, %arg4: memref<1x256xf32, #tpu.memory_space<vmem>>, %arg5: memref<1x256xf32, #tpu.memory_space<vmem>>, %arg6: memref<1x256xf32, #tpu.memory_space<vmem>>, %arg7: memref<1x256xf32, #tpu.memory_space<vmem>>, %arg8: memref<1x256xf32, #tpu.memory_space<vmem>>, %arg9: memref<2x128x128xf32, #tpu.memory_space<vmem>>) attributes {dimension_semantics = [#tpu.dimension_semantics<arbitrary>], iteration_bounds = array<i64: 79>, scalar_prefetch = 0 : i64, scratch_operands = 0 : i64, tpu.core_type = #tpu.core_type<tc>, window_params = [{transform_indices = @transform_0, window_bounds = array<i64: 2, 128, 128>}, {transform_indices = @transform_1, window_bounds = array<i64: 128, 16>}, {pipeline_mode = #tpu.pipeline_mode<synchronous>, transform_indices = @transform_2, window_bounds = array<i64: 256, 256>}, {pipeline_mode = #tpu.pipeline_mode<synchronous>, transform_indices = @transform_3, window_bounds = array<i64: 1, 256>}, {pipeline_mode = #tpu.pipeline_mode<synchronous>, transform_indices = @transform_4, window_bounds = array<i64: 1, 256>}, {pipeline_mode = #tpu.pipeline_mode<synchronous>, transform_indices = @transform_5, window_bounds = array<i64: 1, 256>}, {pipeline_mode = #tpu.pipeline_mode<synchronous>, transform_indices = @transform_6, window_bounds = array<i64: 1, 256>}, {pipeline_mode = #tpu.pipeline_mode<synchronous>, transform_indices = @transform_7, window_bounds = array<i64: 1, 256>}, {transform_indices = @transform_8, window_bounds = array<i64: 2, 128, 128>}]} {
    %get3A = arith.constant 0 : index
    %get3A_0 = arith.constant 0 : index
    %get3A_1 = vector.load %arg2[%get3A, %get3A_0] : memref<128x16xf32, #tpu.memory_space<vmem>>, vector<128x1xf32>
    %get3A_2 = arith.constant 0 : index
    %get3A_3 = arith.constant 0 : index
    %get3A_4 = arith.constant 0 : index
    %get3A_5 = vector.load %arg1[%get3A_2, %get3A_3, %get3A_4] : memref<2x128x128xf32, #tpu.memory_space<vmem>>, vector<1x128x128xf32>
    %get3A_6 = vector.shape_cast %get3A_5 : vector<1x128x128xf32> to vector<128x128xf32>
    %get3A_7 = arith.constant 1 : index
    %get3A_8 = arith.constant 0 : index
    %get3A_9 = arith.constant 0 : index
    %get3A_10 = vector.load %arg1[%get3A_7, %get3A_8, %get3A_9] : memref<2x128x128xf32, #tpu.memory_space<vmem>>, vector<1x128x128xf32>
    %get3A_11 = vector.shape_cast %get3A_10 : vector<1x128x128xf32> to vector<128x128xf32>
    %concatenate3A = tpu.concatenate %get3A_6, %get3A_11 in 1 : vector<128x128xf32>, vector<128x128xf32> -> vector<128x256xf32>
    %mul3A = vector.broadcast %get3A_1 : vector<128x1xf32> to vector<128x256xf32>
    %mul3A_12 = arith.mulf %concatenate3A, %mul3A : vector<128x256xf32>
    %get3A_13 = arith.constant 0 : index
    %get3A_14 = arith.constant 0 : index
    %get3A_15 = vector.load %arg4[%get3A_13, %get3A_14] : memref<1x256xf32, #tpu.memory_space<vmem>>, vector<1x256xf32>
    %add3A = vector.broadcast %get3A_15 : vector<1x256xf32> to vector<128x256xf32>
    %add3A_16 = arith.addf %mul3A_12, %add3A : vector<128x256xf32>
    %get3A_17 = arith.constant 0 : index
    %get3A_18 = arith.constant 0 : index
    %get3A_19 = vector.load %arg5[%get3A_17, %get3A_18] : memref<1x256xf32, #tpu.memory_space<vmem>>, vector<1x256xf32>
    %get3A_20 = arith.constant 0 : index
    %get3A_21 = arith.constant 0 : index
    %get3A_22 = vector.load %arg8[%get3A_20, %get3A_21] : memref<1x256xf32, #tpu.memory_space<vmem>>, vector<1x256xf32>
    %add3A_23 = arith.constant 9.99999974E-6 : f32
    %add3A_24 = vector.broadcast %add3A_23 : f32 to vector<1x256xf32>
    %add3A_25 = arith.addf %get3A_22, %add3A_24 : vector<1x256xf32>
    %rsqrt3A = math.rsqrt %add3A_25 : vector<1x256xf32>
    %mul3A_26 = arith.mulf %get3A_19, %rsqrt3A : vector<1x256xf32>
    %get3A_27 = arith.constant 0 : index
    %get3A_28 = arith.constant 0 : index
    %get3A_29 = vector.load %arg7[%get3A_27, %get3A_28] : memref<1x256xf32, #tpu.memory_space<vmem>>, vector<1x256xf32>
    %sub3A = vector.broadcast %get3A_29 : vector<1x256xf32> to vector<128x256xf32>
    %sub3A_30 = arith.subf %add3A_16, %sub3A : vector<128x256xf32>
    %mul3A_31 = vector.broadcast %mul3A_26 : vector<1x256xf32> to vector<128x256xf32>
    %mul3A_32 = arith.mulf %sub3A_30, %mul3A_31 : vector<128x256xf32>
    %get3A_33 = arith.constant 0 : index
    %get3A_34 = arith.constant 0 : index
    %get3A_35 = vector.load %arg6[%get3A_33, %get3A_34] : memref<1x256xf32, #tpu.memory_space<vmem>>, vector<1x256xf32>
    %add3A_36 = vector.broadcast %get3A_35 : vector<1x256xf32> to vector<128x256xf32>
    %add3A_37 = arith.addf %mul3A_32, %add3A_36 : vector<128x256xf32>
    %max3A = arith.constant 0.000000e+00 : f32
    %max3A_38 = vector.broadcast %max3A : f32 to vector<128x256xf32>
    %max3A_39 = arith.maximumf %add3A_37, %max3A_38 : vector<128x256xf32>
    %get3A_40 = arith.constant 0 : index
    %get3A_41 = arith.constant 0 : index
    %get3A_42 = vector.load %arg3[%get3A_40, %get3A_41] : memref<256x256xf32, #tpu.memory_space<vmem>>, vector<256x256xf32>
    %dot_general3A = arith.constant dense<0.000000e+00> : vector<128x256xf32>
    %dot_general3A_43 = tpu.matmul %max3A_39, %get3A_42, %dot_general3A {dimension_numbers = #tpu.dot_dimension_numbers<[1], [0], [0], [1], [0, 0, 1, 1], [], []>, transpose_lhs_hint = false} : vector<128x256xf32>, vector<256x256xf32>, vector<128x256xf32> -> vector<128x256xf32>
    %mul3A_44 = vector.broadcast %get3A_1 : vector<128x1xf32> to vector<128x256xf32>
    %mul3A_45 = arith.mulf %dot_general3A_43, %mul3A_44 : vector<128x256xf32>
    %slice3A = vector.extract_strided_slice %mul3A_45 {offsets = [0, 0], sizes = [128, 128], strides = [1, 1]} : vector<128x256xf32> to vector<128x128xf32>
    %swap3A = arith.constant 0 : index
    %swap3A_46 = arith.constant 0 : index
    %swap3A_47 = arith.constant 0 : index
    %swap3A_48 = vector.load %arg9[%swap3A, %swap3A_46, %swap3A_47] : memref<2x128x128xf32, #tpu.memory_space<vmem>>, vector<1x128x128xf32>
    %swap3A_49 = vector.shape_cast %swap3A_48 : vector<1x128x128xf32> to vector<128x128xf32>
    %swap3A_50 = vector.shape_cast %slice3A : vector<128x128xf32> to vector<1x128x128xf32>
    tpu.vector_store %arg9[%swap3A, %swap3A_46, %swap3A_47], %swap3A_50 {strides = array<i32>} : memref<2x128x128xf32, #tpu.memory_space<vmem>>, vector<1x128x128xf32>,
    %slice3A_51 = vector.extract_strided_slice %mul3A_45 {offsets = [0, 128], sizes = [128, 128], strides = [1, 1]} : vector<128x256xf32> to vector<128x128xf32>
    %swap3A_52 = arith.constant 1 : index
    %swap3A_53 = arith.constant 0 : index
    %swap3A_54 = arith.constant 0 : index
    %swap3A_55 = vector.load %arg9[%swap3A_52, %swap3A_53, %swap3A_54] : memref<2x128x128xf32, #tpu.memory_space<vmem>>, vector<1x128x128xf32>
    %swap3A_56 = vector.shape_cast %swap3A_55 : vector<1x128x128xf32> to vector<128x128xf32>
    %swap3A_57 = vector.shape_cast %slice3A_51 : vector<128x128xf32> to vector<1x128x128xf32>
    tpu.vector_store %arg9[%swap3A_52, %swap3A_53, %swap3A_54], %swap3A_57 {strides = array<i32>} : memref<2x128x128xf32, #tpu.memory_space<vmem>>, vector<1x128x128xf32>,
    return
  }
  func.func @transform_0(%arg0: i32) -> (i32, i32, i32) {
    %c0_i32 = arith.constant 0 : i32
    %c0_i32_0 = arith.constant 0 : i32
    %c0_i32_1 = arith.constant 0 : i32
    return %c0_i32, %arg0, %c0_i32_0 : i32, i32, i32
  }
  func.func @transform_1(%arg0: i32) -> (i32, i32) {
    %c0_i32 = arith.constant 0 : i32
    %c0_i32_0 = arith.constant 0 : i32
    return %arg0, %c0_i32 : i32, i32
  }
  func.func @transform_2(%arg0: i32) -> (i32, i32) {
    %c0_i32 = arith.constant 0 : i32
    %c0_i32_0 = arith.constant 0 : i32
    %c0_i32_1 = arith.constant 0 : i32
    return %c0_i32, %c0_i32_0 : i32, i32
  }
  func.func @transform_3(%arg0: i32) -> (i32, i32) {
    %c0_i32 = arith.constant 0 : i32
    %c0_i32_0 = arith.constant 0 : i32
    %c0_i32_1 = arith.constant 0 : i32
    return %c0_i32, %c0_i32_0 : i32, i32
  }
  func.func @transform_4(%arg0: i32) -> (i32, i32) {
    %c0_i32 = arith.constant 0 : i32
    %c0_i32_0 = arith.constant 0 : i32
    %c0_i32_1 = arith.constant 0 : i32
    return %c0_i32, %c0_i32_0 : i32, i32
  }
  func.func @transform_5(%arg0: i32) -> (i32, i32) {
    %c0_i32 = arith.constant 0 : i32
    %c0_i32_0 = arith.constant 0 : i32
    %c0_i32_1 = arith.constant 0 : i32
    return %c0_i32, %c0_i32_0 : i32, i32
  }
  func.func @transform_6(%arg0: i32) -> (i32, i32) {
    %c0_i32 = arith.constant 0 : i32
    %c0_i32_0 = arith.constant 0 : i32
    %c0_i32_1 = arith.constant 0 : i32
    return %c0_i32, %c0_i32_0 : i32, i32
  }
  func.func @transform_7(%arg0: i32) -> (i32, i32) {
    %c0_i32 = arith.constant 0 : i32
    %c0_i32_0 = arith.constant 0 : i32
    %c0_i32_1 = arith.constant 0 : i32
    return %c0_i32, %c0_i32_0 : i32, i32
  }
  func.func @transform_8(%arg0: i32) -> (i32, i32, i32) {
    %c0_i32 = arith.constant 0 : i32
    %c0_i32_0 = arith.constant 0 : i32
    %c0_i32_1 = arith.constant 0 : i32
    return %c0_i32, %arg0, %c0_i32_0 : i32, i32, i32
  }
}

module attributes {stable_mosaic.version = 14 : i64} {
  func.func @_fin_body(%arg0: i32, %arg1: memref<2x128x128xf32, #tpu.memory_space<vmem>>, %arg2: memref<128x16xf32, #tpu.memory_space<vmem>>, %arg3: memref<256x40xf32, #tpu.memory_space<vmem>>, %arg4: memref<1x256xf32, #tpu.memory_space<vmem>>, %arg5: memref<1x256xf32, #tpu.memory_space<vmem>>, %arg6: memref<1x256xf32, #tpu.memory_space<vmem>>, %arg7: memref<1x256xf32, #tpu.memory_space<vmem>>, %arg8: memref<1x256xf32, #tpu.memory_space<vmem>>, %arg9: memref<1x40xf32, #tpu.memory_space<vmem>>, %arg10: memref<128x40xf32, #tpu.memory_space<vmem>>) attributes {dimension_semantics = [#tpu.dimension_semantics<arbitrary>], iteration_bounds = array<i64: 79>, scalar_prefetch = 0 : i64, scratch_operands = 0 : i64, tpu.core_type = #tpu.core_type<tc>, window_params = [{transform_indices = @transform_0, window_bounds = array<i64: 2, 128, 128>}, {transform_indices = @transform_1, window_bounds = array<i64: 128, 16>}, {pipeline_mode = #tpu.pipeline_mode<synchronous>, transform_indices = @transform_2, window_bounds = array<i64: 256, 40>}, {pipeline_mode = #tpu.pipeline_mode<synchronous>, transform_indices = @transform_3, window_bounds = array<i64: 1, 256>}, {pipeline_mode = #tpu.pipeline_mode<synchronous>, transform_indices = @transform_4, window_bounds = array<i64: 1, 256>}, {pipeline_mode = #tpu.pipeline_mode<synchronous>, transform_indices = @transform_5, window_bounds = array<i64: 1, 256>}, {pipeline_mode = #tpu.pipeline_mode<synchronous>, transform_indices = @transform_6, window_bounds = array<i64: 1, 256>}, {pipeline_mode = #tpu.pipeline_mode<synchronous>, transform_indices = @transform_7, window_bounds = array<i64: 1, 256>}, {pipeline_mode = #tpu.pipeline_mode<synchronous>, transform_indices = @transform_8, window_bounds = array<i64: 1, 40>}, {transform_indices = @transform_9, window_bounds = array<i64: 128, 40>}]} {
    %get3A = arith.constant 0 : index
    %get3A_0 = arith.constant 0 : index
    %get3A_1 = vector.load %arg2[%get3A, %get3A_0] : memref<128x16xf32, #tpu.memory_space<vmem>>, vector<128x1xf32>
    %get3A_2 = arith.constant 0 : index
    %get3A_3 = arith.constant 0 : index
    %get3A_4 = arith.constant 0 : index
    %get3A_5 = vector.load %arg1[%get3A_2, %get3A_3, %get3A_4] : memref<2x128x128xf32, #tpu.memory_space<vmem>>, vector<1x128x128xf32>
    %get3A_6 = vector.shape_cast %get3A_5 : vector<1x128x128xf32> to vector<128x128xf32>
    %get3A_7 = arith.constant 1 : index
    %get3A_8 = arith.constant 0 : index
    %get3A_9 = arith.constant 0 : index
    %get3A_10 = vector.load %arg1[%get3A_7, %get3A_8, %get3A_9] : memref<2x128x128xf32, #tpu.memory_space<vmem>>, vector<1x128x128xf32>
    %get3A_11 = vector.shape_cast %get3A_10 : vector<1x128x128xf32> to vector<128x128xf32>
    %concatenate3A = tpu.concatenate %get3A_6, %get3A_11 in 1 : vector<128x128xf32>, vector<128x128xf32> -> vector<128x256xf32>
    %mul3A = vector.broadcast %get3A_1 : vector<128x1xf32> to vector<128x256xf32>
    %mul3A_12 = arith.mulf %concatenate3A, %mul3A : vector<128x256xf32>
    %get3A_13 = arith.constant 0 : index
    %get3A_14 = arith.constant 0 : index
    %get3A_15 = vector.load %arg4[%get3A_13, %get3A_14] : memref<1x256xf32, #tpu.memory_space<vmem>>, vector<1x256xf32>
    %add3A = vector.broadcast %get3A_15 : vector<1x256xf32> to vector<128x256xf32>
    %add3A_16 = arith.addf %mul3A_12, %add3A : vector<128x256xf32>
    %get3A_17 = arith.constant 0 : index
    %get3A_18 = arith.constant 0 : index
    %get3A_19 = vector.load %arg5[%get3A_17, %get3A_18] : memref<1x256xf32, #tpu.memory_space<vmem>>, vector<1x256xf32>
    %get3A_20 = arith.constant 0 : index
    %get3A_21 = arith.constant 0 : index
    %get3A_22 = vector.load %arg8[%get3A_20, %get3A_21] : memref<1x256xf32, #tpu.memory_space<vmem>>, vector<1x256xf32>
    %add3A_23 = arith.constant 9.99999974E-6 : f32
    %add3A_24 = vector.broadcast %add3A_23 : f32 to vector<1x256xf32>
    %add3A_25 = arith.addf %get3A_22, %add3A_24 : vector<1x256xf32>
    %rsqrt3A = math.rsqrt %add3A_25 : vector<1x256xf32>
    %mul3A_26 = arith.mulf %get3A_19, %rsqrt3A : vector<1x256xf32>
    %get3A_27 = arith.constant 0 : index
    %get3A_28 = arith.constant 0 : index
    %get3A_29 = vector.load %arg7[%get3A_27, %get3A_28] : memref<1x256xf32, #tpu.memory_space<vmem>>, vector<1x256xf32>
    %sub3A = vector.broadcast %get3A_29 : vector<1x256xf32> to vector<128x256xf32>
    %sub3A_30 = arith.subf %add3A_16, %sub3A : vector<128x256xf32>
    %mul3A_31 = vector.broadcast %mul3A_26 : vector<1x256xf32> to vector<128x256xf32>
    %mul3A_32 = arith.mulf %sub3A_30, %mul3A_31 : vector<128x256xf32>
    %get3A_33 = arith.constant 0 : index
    %get3A_34 = arith.constant 0 : index
    %get3A_35 = vector.load %arg6[%get3A_33, %get3A_34] : memref<1x256xf32, #tpu.memory_space<vmem>>, vector<1x256xf32>
    %add3A_36 = vector.broadcast %get3A_35 : vector<1x256xf32> to vector<128x256xf32>
    %add3A_37 = arith.addf %mul3A_32, %add3A_36 : vector<128x256xf32>
    %max3A = arith.constant 0.000000e+00 : f32
    %max3A_38 = vector.broadcast %max3A : f32 to vector<128x256xf32>
    %max3A_39 = arith.maximumf %add3A_37, %max3A_38 : vector<128x256xf32>
    %get3A_40 = arith.constant 0 : index
    %get3A_41 = arith.constant 0 : index
    %get3A_42 = vector.load %arg3[%get3A_40, %get3A_41] : memref<256x40xf32, #tpu.memory_space<vmem>>, vector<256x40xf32>
    %dot_general3A = arith.constant dense<0.000000e+00> : vector<128x40xf32>
    %dot_general3A_43 = tpu.matmul %max3A_39, %get3A_42, %dot_general3A {dimension_numbers = #tpu.dot_dimension_numbers<[1], [0], [0], [1], [0, 0, 1, 1], [], []>, transpose_lhs_hint = false} : vector<128x256xf32>, vector<256x40xf32>, vector<128x40xf32> -> vector<128x40xf32>
    %get3A_44 = arith.constant 0 : index
    %get3A_45 = arith.constant 0 : index
    %get3A_46 = vector.load %arg9[%get3A_44, %get3A_45] : memref<1x40xf32, #tpu.memory_space<vmem>>, vector<1x40xf32>
    %add3A_47 = vector.broadcast %get3A_46 : vector<1x40xf32> to vector<128x40xf32>
    %add3A_48 = arith.addf %dot_general3A_43, %add3A_47 : vector<128x40xf32>
    %swap3A = arith.constant 0 : index
    %swap3A_49 = arith.constant 0 : index
    %swap3A_50 = vector.load %arg10[%swap3A, %swap3A_49] : memref<128x40xf32, #tpu.memory_space<vmem>>, vector<128x40xf32>
    tpu.vector_store %arg10[%swap3A, %swap3A_49], %add3A_48 {strides = array<i32>} : memref<128x40xf32, #tpu.memory_space<vmem>>, vector<128x40xf32>,
    return
  }
  func.func @transform_0(%arg0: i32) -> (i32, i32, i32) {
    %c0_i32 = arith.constant 0 : i32
    %c0_i32_0 = arith.constant 0 : i32
    %c0_i32_1 = arith.constant 0 : i32
    return %c0_i32, %arg0, %c0_i32_0 : i32, i32, i32
  }
  func.func @transform_1(%arg0: i32) -> (i32, i32) {
    %c0_i32 = arith.constant 0 : i32
    %c0_i32_0 = arith.constant 0 : i32
    return %arg0, %c0_i32 : i32, i32
  }
  func.func @transform_2(%arg0: i32) -> (i32, i32) {
    %c0_i32 = arith.constant 0 : i32
    %c0_i32_0 = arith.constant 0 : i32
    %c0_i32_1 = arith.constant 0 : i32
    return %c0_i32, %c0_i32_0 : i32, i32
  }
  func.func @transform_3(%arg0: i32) -> (i32, i32) {
    %c0_i32 = arith.constant 0 : i32
    %c0_i32_0 = arith.constant 0 : i32
    %c0_i32_1 = arith.constant 0 : i32
    return %c0_i32, %c0_i32_0 : i32, i32
  }
  func.func @transform_4(%arg0: i32) -> (i32, i32) {
    %c0_i32 = arith.constant 0 : i32
    %c0_i32_0 = arith.constant 0 : i32
    %c0_i32_1 = arith.constant 0 : i32
    return %c0_i32, %c0_i32_0 : i32, i32
  }
  func.func @transform_5(%arg0: i32) -> (i32, i32) {
    %c0_i32 = arith.constant 0 : i32
    %c0_i32_0 = arith.constant 0 : i32
    %c0_i32_1 = arith.constant 0 : i32
    return %c0_i32, %c0_i32_0 : i32, i32
  }
  func.func @transform_6(%arg0: i32) -> (i32, i32) {
    %c0_i32 = arith.constant 0 : i32
    %c0_i32_0 = arith.constant 0 : i32
    %c0_i32_1 = arith.constant 0 : i32
    return %c0_i32, %c0_i32_0 : i32, i32
  }
  func.func @transform_7(%arg0: i32) -> (i32, i32) {
    %c0_i32 = arith.constant 0 : i32
    %c0_i32_0 = arith.constant 0 : i32
    %c0_i32_1 = arith.constant 0 : i32
    return %c0_i32, %c0_i32_0 : i32, i32
  }
  func.func @transform_8(%arg0: i32) -> (i32, i32) {
    %c0_i32 = arith.constant 0 : i32
    %c0_i32_0 = arith.constant 0 : i32
    %c0_i32_1 = arith.constant 0 : i32
    return %c0_i32, %c0_i32_0 : i32, i32
  }
  func.func @transform_9(%arg0: i32) -> (i32, i32) {
    %c0_i32 = arith.constant 0 : i32
    %c0_i32_0 = arith.constant 0 : i32
    return %arg0, %c0_i32 : i32, i32
  }
}

</mosaic_0001>

<sc_bundles>
// kernel: kernel.12.cloned.1.call-start
scs
__scs_entry_jumppad:
0x0: {  	(pc) =	sbr.rel $0x88, $3  }
0x1: {  	(tag) =	ssettag $0x0;
	lr =	simm.s32 $0x1  }
0x2: {  	[smem:$0x3F91] =	sst lr;
	_ =	strace $0xD0000000  }
0x3: {  	_ = 	snop  }
0x4: {  	_ = 	snop  }
0x5: {  	_ = 	snop  }
0x6: {  	_ = 	snop  }
0x7: {  	_ = 	snop  }
__scs_overlays_trampoline_lowered:
0x8: {  	[smem:$0x3FA0] =	sst s0  }
0x9: {  	[smem:$0x3FA1] =	sst s1  }
0xa: {  	[smem:$0x3FA2] =	sst s2  }
0xb: {  	[smem:$0x3FA3] =	sst s3  }
0xc: {  	[smem:$0x3FA4] =	sst s4  }
0xd: {  	[smem:$0x3FA5] =	sst s5  }
0xe: {  	[smem:$0x3FA6] =	sst s6  }
0xf: {  	[smem:$0x3FA7] =	sst s7  }
0x10: {  	[smem:$0x3FA8] =	sst s8  }
0x11: {  	[smem:$0x3FA9] =	sst s9;
	s0 =	simm.s32 @!p0 $0x0  }
0x12: {  	s1 =	sld [smem:$0x3F8F];
	s0 =	simm.s32 @p0 $0x1  }
0x13: {  	[smem:$0x3FAA] =	sst s0;
	s0 =	simm.s32 @!p1 $0x0  }
0x14: {  	s2 =	sld [smem:$0x3F8E];
	s0 =	simm.s32 @p1 $0x1  }
0x15: {  	[smem:$0x3FAB] =	sst s0;
	s0 =	simm.s32 @!p2 $0x0  }
0x16: {  	s3 =	sld [smem:$0x3FDB];
	s0 =	simm.s32 @p2 $0x1  }
0x17: {  	s4 =	simm.s32 $0x1BF5;
	[smem:$0x3FAD] =	sst s0  }
0x18: {  	s0 =	sld [smem:$0x3F90];
	_ =	swait.ge [sflag:s4], $0x0  }
0x19: {  	s7 =	sld [smem:$0x3F91]  }
0x1a: {  	s8 =	sadd.s32 $0xFFFFE003, lr  }
0x1b: {  	s9 =	sadd.s32 $0xFFFFFEF7, lr;
	s5 =	simm.s32 $0xFFFFFFFF;
	p2 =	slt.u32 s8, $0xFFFFF086  }
0x1c: {  	p1 =	slt.u32 s9, $0xF7A;
	s5 =	simm.s32 @!p2 $0x0  }
0x1d: {  	s5 =	simm.s32 @p1 $0x1;
	p0 =	seq.s32 s7, s2  }
0x1e: {  	s7 =	smul.u32 @!p0 $0xF7A, s2;
	p2 =	seq.s32 @!p0 s5, $0x0  }
0x1f: {  	s9 =	smul.u32 $0xF7A, s1;
	s8 =	simm.s32 @!p0 $0x1BF5;
	p2 =	por !p2, p0  }
0x20: {  	[sflag:s8] =	ssyncset.s32 @!p0 $0xFFFFF086;
	s6 =	sadd.s32 @!p0 s3, s7;
	s7 =	simm.s32 @!p0 $0x108  }
0x21: {  	s3 =	sadd.s32 s3, s9;
	s6 =	sadd.s32 @!p0 $0x88, s6;
	s7 =	simm.s32 @p2 $0x1082  }
0x22: {  	[simem:s7], [sflag:s8] =	dma.local @!p0 [hbm:s6], $0xF7A  }
0x23: {  	s9 =	sor.u32 $0xD0000000, s2;
	s6 =	simm.s32 $0x108;
	_ =	swait.ge @!p0 [sflag:s8], $0x0  }
0x24: {  	s3 =	sadd.s32 $0x88, s3;
	s6 =	simm.s32 @!p1 $0x1082;
	[sflag:s4] =	ssyncset.s32 $0xFFFFF086  }
0x25: {  	[simem:s6], [sflag:s4] =	dma.local [hbm:s3], $0xF7A  }
0x26: {  	[smem:$0x3F91] =	sst s1;
	(tag) =	ssettag s2;
	_ =	strace s9  }
0x27: {  	s1 =	sld [smem:$0x3FA1]  }
0x28: {  	s2 =	sld [smem:$0x3FA2]  }
0x29: {  	s4 =	sld [smem:$0x3FA4]  }
0x2a: {  	p0 =	seq.s32 s5, $0x0;
	s5 =	sld [smem:$0x3FA5]  }
0x2b: {  	s6 =	sld [smem:$0x3FA6]  }
0x2c: {  	s7 =	sld [smem:$0x3FA7]  }
0x2d: {  	s3 =	simm.s32 $0x108;
	s8 =	sld [smem:$0x3FA8]  }
0x2e: {  	s3 =	simm.s32 @!p0 $0x1082;
	s9 =	sld [smem:$0x3FA9]  }
0x2f: {  	lr =	sadd.s32 s0, s3;
	s0 =	sld [smem:$0x3FA0]  }
0x30: {  	s3 =	sld [smem:$0x3FA3]  }
0x31: {  	[smem:$0x3FAC] =	sst s10  }
0x32: {  	s10 =	sld [smem:$0x3FAA];
	_ =	sdelay $0x3  }
0x33: {  	p0 =	seq.s32 s10, $0x1;
	s10 =	sld [smem:$0x3FAC];
	_ =	sdelay $0x3  }
0x34: {  	[smem:$0x3FAC] =	sst s10  }
0x35: {  	s10 =	sld [smem:$0x3FAB];
	_ =	sdelay $0x3  }
0x36: {  	p1 =	seq.s32 s10, $0x1;
	s10 =	sld [smem:$0x3FAC];
	_ =	sdelay $0x3  }
0x37: {  	[smem:$0x3FAC] =	sst s10  }
0x38: {  	s10 =	sld [smem:$0x3FAD]  }
0x39: {  	_ = 	snop;
	(pc) =	sbr.ind lr, $3  }
0x3a: {  	_ = 	snop  }
0x3b: {  	_ = 	snop  }
0x3c: {  	p2 =	seq.s32 s10, $0x1;
	s10 =	sld [smem:$0x3FAC]  }
0x3d: {  	_ =	shalt  }
0x3e: {  	_ =	shalt  }
0x3f: {  	_ =	shalt  }
0x40: {  	_ =	shalt  }
0x41: {  	_ =	shalt  }
0x42: {  	_ =	shalt  }
0x43: {  	_ =	shalt  }
0x44: {  	_ =	shalt  }
0x45: {  	_ =	shalt  }
0x46: {  	_ =	shalt  }
0x47: {  	_ =	shalt  }
0x48: {  	_ =	shalt  }
0x49: {  	_ =	shalt  }
0x4a: {  	_ =	shalt  }
0x4b: {  	_ =	shalt  }
0x4c: {  	_ =	shalt  }
0x4d: {  	_ =	shalt  }
0x4e: {  	_ =	shalt  }
0x4f: {  	_ =	shalt  }
0x50: {  	_ =	shalt  }
0x51: {  	_ =	shalt  }
0x52: {  	_ =	shalt  }
0x53: {  	_ =	shalt  }
0x54: {  	_ =	shalt  }
0x55: {  	_ =	shalt  }
0x56: {  	_ =	shalt  }
0x57: {  	_ =	shalt  }
0x58: {  	_ =	shalt  }
0x59: {  	_ =	shalt  }
0x5a: {  	_ =	shalt  }
0x5b: {  	_ =	shalt  }
0x5c: {  	_ =	shalt  }
0x5d: {  	_ =	shalt  }
0x5e: {  	_ =	shalt  }
0x5f: {  	_ =	shalt  }
0x60: {  	_ =	shalt  }
0x61: {  	_ =	shalt  }
0x62: {  	_ =	shalt  }
0x63: {  	_ =	shalt  }
0x64: {  	_ =	shalt  }
0x65: {  	_ =	shalt  }
0x66: {  	_ =	shalt  }
0x67: {  	_ =	shalt  }
0x68: {  	_ =	shalt  }
0x69: {  	_ =	shalt  }
0x6a: {  	_ =	shalt  }
0x6b: {  	_ =	shalt  }
0x6c: {  	_ =	shalt  }
0x6d: {  	_ =	shalt  }
0x6e: {  	_ =	shalt  }
0x6f: {  	_ =	shalt  }
0x70: {  	_ =	shalt  }
0x71: {  	_ =	shalt  }
0x72: {  	_ =	shalt  }
0x73: {  	_ =	shalt  }
0x74: {  	_ =	shalt  }
0x75: {  	_ =	shalt  }
0x76: {  	_ =	shalt  }
0x77: {  	_ =	shalt  }
0x78: {  	_ =	shalt  }
0x79: {  	_ =	shalt  }
0x7a: {  	_ =	shalt  }
0x7b: {  	_ =	shalt  }
0x7c: {  	_ =	shalt  }
0x7d: {  	_ =	shalt  }
0x7e: {  	_ =	shalt  }
0x7f: {  	_ =	shalt  }
0x80: {  	_ =	shalt  }
0x81: {  	_ =	shalt  }
0x82: {  	_ =	shalt  }
0x83: {  	_ =	shalt  }
0x84: {  	_ =	shalt  }
0x85: {  	_ =	shalt  }
0x86: {  	_ =	shalt  }
0x87: {  	_ =	shalt  }
.Lfunc_end0:
.L_simem_size_0:
called_computation.1_lowered:
.L_overlay_start_0:
0x88: {  	s2 =	sld [smem:$0x3FD9]  }
0x89: {  	s3 =	sld [smem:$0x3FFE];
	_ =	sdelay $0x1  }
0x8a: {  	s1 =	srdreg.scid  }
0x8b: {  	s0 =	sand.u32 $0x1, s1  }
0x8c: {  	s16 =	sshll.u32 s0, $0xA;
	s2 =	sadd.s32 s3, s2  }
0x8d: {  	s2 =	sadd.s32 s2, s16  }
0x8e: {  	[smem:$0x3FB8] =	sst s2  }
0x8f: {  	_ = 	snop  }
0x90: {  	(tm) =	ssettm $0x1  }
0x91: {  	s17 =	sld [smem:$0x3FFB];
	_ =	sdelay $0x3  }
0x92: {  	_ =	strace s17  }
0x93: {  	s2 =	sld [smem:$0x3FFC];
	_ =	sdelay $0x3  }
0x94: {  	_ =	strace s2  }
0x95: {  	s2 =	sld [smem:$0x3FFD];
	_ =	sdelay $0x3  }
0x96: {  	_ =	strace s2  }
0x97: {  	_ =	strace $0x8FFFFFFF  }
0x98: {  	s18 =	sld [smem:$0x3FDB];
	_ =	sdelay $0x1  }
0x99: {  	s19 =	simm.s32 $_scs_section_size  }
0x9a: {  	s4 =	simm.s32 $_size__tile_overlayer_lowered;
	s5 =	simm.s32 $_tile_overlayer_lowered  }
0x9b: {  	s22 =	simm.s32 $0x1BFF;
	s21 =	sshll.u32 s5, $0x1;
	s2 =	sadd.s32 s19, s18  }
0x9c: {  	s6 =	simm.s32 $0x0;
	s20 =	sshll.u32 s4, $0x1;
	s4 =	sadd.s32 s21, s2  }
0x9d: {  	[timem:s6], [sflag:s22] =	dma.local [hbm:s4], s20  }
0x9e: {  	_ =	swait.ge [sflag:s22], s20  }
0x9f: {  	s3 =	ssub.s32 $0x0, s20;
	[sflag:s22] =	ssyncset.done $0x0  }
0xa0: {  	[sflag:s22] =	ssyncadd.s32 s3;
	_ =	sdelay $0x1  }
0xa1: {  	s23 =	simm.s32 $0x1B8B  }
0xa2: {  	_ =	swait.ge [sflag:s23], $0x1  }
0xa3: {  	[sflag:s23] =	ssyncset.done $0x0  }
0xa4: {  	s25 =	simm.s32 $0x1B8E;
	s24 =	sld [smem:$0x3FFE];
	[sflag:s23] =	ssyncadd.s32 $0xFFFFFFFF  }
0xa5: {  	s26 =	simm.s32 $execute0_lowered;
	[smem:$0x3FD2] =	sst s25  }
0xa6: {  	s4 =	sshll.u32 s26, $0x1;
	_ =	strace $0x80000049;
	[dreg:$0x1] =	wrdreg $0xFFFFFFFF  }
0xa7: {  	s28 =	simm.s32 $_size_execute0_lowered;
	s2 =	sadd.s32 s2, s4;
	[dreg:$0x0] =	wrdreg $0x0  }
0xa8: {  	s4 =	sshll.u32 s28, $0x1;
	[dreg:$0x2] =	wrdreg s2  }
0xa9: {  	[dreg:$0x3] =	wrdreg s4  }
0xaa: {  	[dreg:$0x4] =	wrdreg $0xC0  }
0xab: {  	_ =	task [dreg:s6], $0x5FFFF  }
0xac: {  	[dreg:$0x1] =	wrdreg $0xFFFFFFFF  }
0xad: {  	[dreg:$0x0] =	wrdreg $0x60  }
0xae: {  	[dreg:$0x2] =	wrdreg s24  }
0xaf: {  	[dreg:$0x3] =	wrdreg $0x82000  }
0xb0: {  	[dreg:$0x4] =	wrdreg $0x9  }
0xb1: {  	_ =	task.clear_ibuf [dreg:s6], $0x5FFFF;
	_ =	strace $0x90000049  }
0xb2: {  	s29 =	simm.s32 $0x9;
	_ =	strace $0x8000004B  }
0xb3: {  	_ =	swait.ge [sflag:s29], $0x1  }
0xb4: {  	[sflag:s29] =	ssyncadd.s32 $0xFFFFFFFF  }
0xb5: {  	_ =	strace $0x9000004B  }
0xb6: {  	_ =	sfence  }
0xb7: {  	s30 =	sld [smem:$0x0];
	_ =	sdelay $0x2  }
0xb8: {  	s31 =	sshll.u32 s1, $0xD;
	s1 =	sshrl.u32 s1, $0x2  }
0xb9: {  	s3 =	sand.u32 $0x4000, s31;
	s1 =	sadd.s32 s1, s30  }
0xba: {  	s0 =	sor.u32 s3, s0;
	s1 =	sshll.u32 s1, $0x11  }
0xbb: {  	s0 =	sor.u32 s1, s0  }
0xbc: {  	s0 =	sadd.s32 $0x8F2B, s0  }
0xbd: {  	[sflag:s0] =	ssyncadd.remote.s32 $0x1  }
0xbe: {  	_ =	sfence.sel $0xFFFF  }
0xbf: {  	[dreg:$0x0] =	wrdreg $0xFFFFFFFF;
	(pc) =	sbr.abs _section_cstart, $3  }
0xc0: {  	[dreg:$0x1] =	wrdreg $0xFFFFFFFF  }
0xc1: {  	_ =	task.clear_ibuf [dreg:s6], $0x2FFFF;
	_ =	strace $0x9FFFFFFF  }
0xc2: {  	(tm) =	ssettm $0x7FFFFFFF  }
0xc3: {  	_ =	shalt  }
tec
execute0_lowered:
.L_overlay_start_1:
0x0: {  	(tag) =	ssettag $0x1  }
0x1: {  	s0 =	rddreg [dreg:$0x0];
	s1 =	srdreg.scid  }
0x2: {  	s2 =	rddreg [dreg:$0x1];
	s13 =	stileid.u32;
	s4 =	simm.s32 $0x0  }
0x3: {  	s30 =	simm.s32 $0x2200;
	s31 =	simm.s32 $0x2A00;
	s14 =	simm.s32 $0x5A00  }
0x4: {  	s15 =	simm.s32 $0x6200;
	s16 =	simm.s32 $0x7200;
	s6 =	smul.u32 $0x13C00, s13  }
0x5: {  	s17 =	simm.s32 $0x6;
	s28 =	simm.s32 $0x0;
	s8 =	smul.u32 $0x4F000, s13  }
0x6: {  	s1 =	sand.u32 $0x1, s1;
	[smem:$0x7FF] =	sst s4;
	s10 =	smul.u32 $0x2780, s13  }
0x7: {  	s4 =	sadd.s32 $0x83C00, s0;
	s5 =	sadd.s32 $0xD2C00, s0;
	s3 =	smul.u32 $0x13C000, s1  }
0x8: {  	s7 =	sadd.s32 $0x79C00, s0;
	s23 =	sshll.u32 s13, $0x6;
	s9 =	smul.u32 $0x27800, s1  }
0x9: {  	_ =	strace $0x8000004A;
	s11 =	ssub.s32 $0x2, s1;
	s1 =	smul.u32 $0x50000, s1  }
0xa: {  	s18 =	sor.u32 $0x1C07, s23;
	s23 =	simm.s32 $0x200;
	s12 =	sshrl.u32 s11, $0x1  }
0xb: {  	s20 =	sshrl.u32 s8, $0x2;
	[dreg:$0x5] =	wrdreg s18;
	s3 =	sadd.s32 s6, s3  }
0xc: {  	s6 =	smul.u32 $0x5000, s13;
	s19 =	ssub.s32 s11, s12;
	s9 =	sadd.s32 s10, s9  }
0xd: {  	s21 =	sadd.s32 s20, s2;
	s13 =	simm.s32 $0x5200;
	s10 =	simm.s32 $0x6A00  }
0xe: {  	s12 =	simm.s32 $0x7A00;
	s11 =	simm.s32 $0x5;
	s3 =	sshrl.u32 s3, $0x3  }
0xf: {  	s9 =	sadd.s32 s4, s9;
	s29 =	smax.u32 s19, $0x1;
	s20 =	sshrl.u32 s21, $0x3  }
0x10: {  	s21 =	simm.s32 $0x80;
	s19 =	simm.s32 $0x4;
	[dreg:$0x3] =	wrdreg s9  }
0x11: {  	s0 =	sadd.s32 s3, s0;
	s8 =	sadd.s32 s6, s1;
	[dreg:$0xa] =	wrdreg s29  }
0x12: {  	s25 =	sshrl.u32 s6, $0x3;
	s1 =	simm.s32 $0x3A00;
	[dreg:$0xb] =	wrdreg s20  }
0x13: {  	s22 =	sshrl.u32 s8, $0x3;
	s9 =	sadd.s32 s7, s25;
	s0 =	sadd.s32 $0x3200, s0  }
.Ltmp0:
0x14: {  	s25 =	simm.s32 $0x3;
	[dreg:$0x6] =	wrdreg s9;
	(pc) =	sbr.rel .LBB2_1-.Ltmp0, $4  }
0x15: {  	s24 =	sadd.s32 s5, s22;
	s9 =	sadd.s32 $0x10, s9;
	[dreg:$0x9] =	wrdreg s0  }
0x16: {  	s22 =	simm.s32 $0x2;
	s0 =	simm.s32 $0x3200;
	[dreg:$0x4] =	wrdreg s24  }
0x17: {  	s26 =	sadd.s32 $0x10, s24;
	[dreg:$0x8] =	wrdreg s9;
	s24 =	simm.s32 $0x4200  }
0x18: {  	vm0 =	vmmov $0xffff;
	s9 =	simm.s32 $0x4A00;
	[dreg:$0x7] =	wrdreg s26;
	s26 =	simm.s32 $0x7  }
.LBB2_4:
0x19: {  	[bflag:$0x0] =	sbarrier.arrive $0xFFFF  }
0x1a: {  	s18 =	rddreg [dreg:$0x5]  }
0x1b: {  	s3 =	rddreg [dreg:$0x9]  }
0x1c: {  	s26 =	simm.s32 $0x7;
	s20 =	rddreg [dreg:$0xb]  }
0x1d: {  	[hbm:s3], [sflag:s18] =	dma.local [spmem:s20], $0x2780  }
0x1e: {  	_ =	swait.ge [sflag:s26], $0x2780  }
0x1f: {  	s28 =	rddreg [dreg:$0xc]  }
0x20: {  	s29 =	rddreg [dreg:$0xa];
	s28 =	sadd.s32 $0x1, s28  }
0x21: {  	p0 =	sne.s32 s28, s29  }
.Ltmp1:
0x22: {  	_ = 	snop;
	(pc) =	sbr.rel @!p0 .LBB2_5-.Ltmp1, $3  }
0x23: {  	_ =	sdelay $0x1  }
0x24: {  	[sflag:s26] =	ssyncset.done $0x0  }
0x25: {  	[sflag:s26] =	ssyncadd.s32 $0xFFFFD880  }
.LBB2_1:
0x26: {  	[dreg:$0xc] =	wrdreg s28  }
0x27: {  	s3 =	rddreg [dreg:$0x3]  }
0x28: {  	[spmem:s20], [sflag:s18] =	dma.local [hbm:s3], $0x2780  }
0x29: {  	_ =	swait.ge [sflag:s26], $0x2780  }
0x2a: {  	[sflag:s26] =	ssyncset.done $0x0  }
0x2b: {  	s3 =	simm.s32 $0x0;
	[sflag:s26] =	ssyncadd.s32 $0xFFFFD880;
	s26 =	rddreg [dreg:$0x4]  }
0x2c: {  	[tilespmem:s3], [sflag:$0x1] =	stream.linear.gather [hbm4b:s26+s3], $0x80, $0x38;
	[tilespmem:$0x1BE00] =	vst v63  }
0x2d: {  	s29 =	simm.s32 $0x100;
	s28 =	rddreg [dreg:$0x6];
	s26 =	simm.s32 $0x1  }
0x2e: {  	[tilespmem:s29], [sflag:$0x1] =	stream.linear.gather [hbm4b:s28+s3], $0x80, $0x38;
	[tilespmem:$0x1BE00] =	vst v63  }
0x2f: {  	_ =	swait.ge [sflag:s26], $0x80  }
0x30: {  	[sflag:s26] =	ssyncset.done $0x0  }
0x31: {  	[sflag:s26] =	ssyncadd.s32 $0xFFFFFF80  }
0x32: {  	_ =	swait.ge [sflag:s26], $0x80  }
0x33: {  	[sflag:s26] =	ssyncset.done $0x0  }
0x34: {  	s28 =	rddreg [dreg:$0x7];
	[sflag:s26] =	ssyncadd.s32 $0xFFFFFF80  }
0x35: {  	[tilespmem:s21], [sflag:$0x2] =	stream.linear.gather [hbm4b:s28+s3], $0x80, $0x38;
	[tilespmem:$0x1BE00] =	vst v63  }
0x36: {  	s18 =	simm.s32 $0x180;
	s29 =	rddreg [dreg:$0x8]  }
0x37: {  	[tilespmem:s18], [sflag:$0x2] =	stream.linear.gather [hbm4b:s29+s3], $0x80, $0x38;
	[tilespmem:$0x1BE00] =	vst v63  }
0x38: {  	_ =	swait.ge [sflag:s22], $0x80  }
0x39: {  	[sflag:s22] =	ssyncset.done $0x0  }
0x3a: {  	[sflag:s22] =	ssyncadd.s32 $0xFFFFFF80  }
0x3b: {  	_ =	swait.ge [sflag:s22], $0x80  }
0x3c: {  	[sflag:s22] =	ssyncset.done $0x0  }
0x3d: {  	[sflag:s22] =	ssyncadd.s32 $0xFFFFFF80  }
0x3e: {  	[bflag:$0x0] =	sbarrier.arrive $0xFFFF  }
0x3f: {  	[tilespmem:s23], [sflag:$0x3] =	stream.indirect.gather [hbm4b:s4+s21], $0x80, s3, s21, $0xb8;
	[tilespmem:$0x1BE00] =	vst v63  }
0x40: {  	_ = 	snop  }
0x41: {  	[tilespmem:s24], [sflag:$0x4] =	stream.indirect.gather [hbm4b:s4+s21], $0x80, s21, s21, $0xb8;
	[tilespmem:$0x1BE00] =	vst v63  }
.LBB2_2:
0x42: {  	_ =	swait.ge [sflag:s25], $0x4000  }
0x43: {  	[sflag:s25] =	ssyncset.done $0x0  }
0x44: {  	[sflag:s25] =	ssyncadd.s32 $0xFFFFC000  }
0x45: {  	v0 =	vld [tilespmem:$0x100];
	_ =	sdelay $0x7  }
0x46: {  	[spmem:s2] =	stream.indirect_vreg.scatter.add.f32 [tilespmem:s23], [sflag:$0x5], $0x80, v0, vm0, $0xb8;
	[tilespmem:$0x1BE00] =	vst v63  }
0x47: {  	v0 =	vld [tilespmem:$0x110];
	_ =	sdelay $0x6  }
0x48: {  	s3 =	simm.s32 $0xA00  }
0x49: {  	[spmem:s2] =	stream.indirect_vreg.scatter.add.f32 [tilespmem:s3], [sflag:$0x5], $0x80, v0, vm0, $0xb8;
	[tilespmem:$0x1BE00] =	vst v63  }
0x4a: {  	v0 =	vld [tilespmem:$0x120];
	_ =	sdelay $0x6  }
0x4b: {  	s28 =	simm.s32 $0x1200  }
0x4c: {  	[spmem:s2] =	stream.indirect_vreg.scatter.add.f32 [tilespmem:s28], [sflag:$0x5], $0x80, v0, vm0, $0xb8;
	[tilespmem:$0x1BE00] =	vst v63  }
0x4d: {  	v0 =	vld [tilespmem:$0x130];
	_ =	sdelay $0x6  }
0x4e: {  	s29 =	simm.s32 $0x1A00  }
0x4f: {  	[spmem:s2] =	stream.indirect_vreg.scatter.add.f32 [tilespmem:s29], [sflag:$0x5], $0x80, v0, vm0, $0xb8;
	[tilespmem:$0x1BE00] =	vst v63  }
0x50: {  	v0 =	vld [tilespmem:$0x140];
	_ =	sdelay $0x7  }
0x51: {  	[spmem:s2] =	stream.indirect_vreg.scatter.add.f32 [tilespmem:s30], [sflag:$0x5], $0x80, v0, vm0, $0xb8;
	[tilespmem:$0x1BE00] =	vst v63  }
0x52: {  	v0 =	vld [tilespmem:$0x150];
	_ =	sdelay $0x7  }
0x53: {  	[spmem:s2] =	stream.indirect_vreg.scatter.add.f32 [tilespmem:s31], [sflag:$0x5], $0x80, v0, vm0, $0xb8;
	[tilespmem:$0x1BE00] =	vst v63  }
0x54: {  	v0 =	vld [tilespmem:$0x160];
	_ =	sdelay $0x7  }
0x55: {  	[spmem:s2] =	stream.indirect_vreg.scatter.add.f32 [tilespmem:s0], [sflag:$0x5], $0x80, v0, vm0, $0xb8;
	[tilespmem:$0x1BE00] =	vst v63  }
0x56: {  	v0 =	vld [tilespmem:$0x170];
	_ =	sdelay $0x1  }
0x57: {  	p0 =	seq.s32 s18, $0x4F80  }
0x58: {  	s20 =	sadd.s32 @!p0 $0xFFFFFF80, s18  }
0x59: {  	s3 =	sand.u32 @!p0 $0xFC00, s20  }
0x5a: {  	s26 =	sadd.s32 @!p0 s8, s3;
	s28 =	sand.u32 @!p0 $0x300, s20  }
0x5b: {  	s3 =	sadd.s32 @!p0 s6, s3;
	s20 =	sor.u32 @!p0 s28, s26  }
0x5c: {  	s3 =	sor.u32 @!p0 s28, s3;
	s20 =	sshrl.u32 @!p0 s20, $0x3  }
0x5d: {  	[spmem:s2] =	stream.indirect_vreg.scatter.add.f32 [tilespmem:s1], [sflag:$0x5], $0x80, v0, vm0, $0xb8;
	[tilespmem:$0x1BE00] =	vst v63  }
0x5e: {  	s3 =	sshrl.u32 @!p0 s3, $0x3;
	s26 =	sadd.s32 @!p0 s5, s20;
	s20 =	simm.s32 @!p0 $0x0  }
0x5f: {  	[tilespmem:s20], [sflag:$0x1] =	stream.linear.gather @!p0 [hbm4b:s26+s20], $0x80, $0x38;
	[tilespmem:$0x1BE00] =	vst v63  }
0x60: {  	s3 =	sadd.s32 @!p0 s7, s3;
	s26 =	simm.s32 @!p0 $0x100  }
0x61: {  	[tilespmem:s26], [sflag:$0x1] =	stream.linear.gather @!p0 [hbm4b:s3+s20], $0x80, $0x38;
	[tilespmem:$0x1BE00] =	vst v63  }
0x62: {  	_ =	swait.ge [sflag:s19], $0x4000  }
0x63: {  	[sflag:s19] =	ssyncset.done $0x0  }
0x64: {  	[sflag:s19] =	ssyncadd.s32 $0xFFFFC000  }
0x65: {  	v63 =	vld [tilespmem:$0x180];
	_ =	sdelay $0x7  }
0x66: {  	[spmem:s2] =	stream.indirect_vreg.scatter.add.f32 [tilespmem:s24], [sflag:$0x6], $0x80, v63, vm0, $0xb8;
	[tilespmem:$0x1BE00] =	vst v63  }
0x67: {  	v0 =	vld [tilespmem:$0x190];
	_ =	sdelay $0x7  }
0x68: {  	[spmem:s2] =	stream.indirect_vreg.scatter.add.f32 [tilespmem:s9], [sflag:$0x6], $0x80, v0, vm0, $0xb8;
	[tilespmem:$0x1BE00] =	vst v63  }
0x69: {  	v0 =	vld [tilespmem:$0x1A0];
	_ =	sdelay $0x7  }
0x6a: {  	[spmem:s2] =	stream.indirect_vreg.scatter.add.f32 [tilespmem:s13], [sflag:$0x6], $0x80, v0, vm0, $0xb8;
	[tilespmem:$0x1BE00] =	vst v63  }
0x6b: {  	v0 =	vld [tilespmem:$0x1B0];
	_ =	sdelay $0x7  }
0x6c: {  	[spmem:s2] =	stream.indirect_vreg.scatter.add.f32 [tilespmem:s14], [sflag:$0x6], $0x80, v0, vm0, $0xb8;
	[tilespmem:$0x1BE00] =	vst v63  }
0x6d: {  	v0 =	vld [tilespmem:$0x1C0];
	_ =	sdelay $0x7  }
0x6e: {  	[spmem:s2] =	stream.indirect_vreg.scatter.add.f32 [tilespmem:s15], [sflag:$0x6], $0x80, v0, vm0, $0xb8;
	[tilespmem:$0x1BE00] =	vst v63  }
0x6f: {  	v0 =	vld [tilespmem:$0x1D0];
	_ =	sdelay $0x7  }
0x70: {  	[spmem:s2] =	stream.indirect_vreg.scatter.add.f32 [tilespmem:s10], [sflag:$0x6], $0x80, v0, vm0, $0xb8;
	[tilespmem:$0x1BE00] =	vst v63  }
0x71: {  	v0 =	vld [tilespmem:$0x1E0];
	_ =	sdelay $0x7  }
0x72: {  	[spmem:s2] =	stream.indirect_vreg.scatter.add.f32 [tilespmem:s16], [sflag:$0x6], $0x80, v0, vm0, $0xb8;
	[tilespmem:$0x1BE00] =	vst v63  }
0x73: {  	v0 =	vld [tilespmem:$0x1F0];
	_ =	sdelay $0x3  }
0x74: {  	s3 =	sand.u32 @!p0 $0xFC00, s18  }
0x75: {  	s28 =	sand.u32 @!p0 $0x380, s18;
	s26 =	sadd.s32 @!p0 s8, s3  }
0x76: {  	s3 =	sadd.s32 @!p0 s6, s3;
	s26 =	sor.u32 @!p0 s28, s26  }
0x77: {  	s3 =	sor.u32 @!p0 s28, s3;
	s26 =	sshrl.u32 @!p0 s26, $0x3  }
0x78: {  	[spmem:s2] =	stream.indirect_vreg.scatter.add.f32 [tilespmem:s12], [sflag:$0x6], $0x80, v0, vm0, $0xb8;
	[tilespmem:$0x1BE00] =	vst v63  }
0x79: {  	s29 =	simm.s32 @!p0 $0x80;
	s3 =	sshrl.u32 @!p0 s3, $0x3;
	s26 =	sadd.s32 @!p0 s5, s26  }
0x7a: {  	[tilespmem:s29], [sflag:$0x2] =	stream.linear.gather @!p0 [hbm4b:s26+s20], $0x80, $0x38;
	[tilespmem:$0x1BE00] =	vst v63  }
0x7b: {  	s3 =	sadd.s32 @!p0 s7, s3;
	s26 =	simm.s32 @!p0 $0x180  }
0x7c: {  	[tilespmem:s26], [sflag:$0x2] =	stream.linear.gather @!p0 [hbm4b:s3+s20], $0x80, $0x38;
	[tilespmem:$0x1BE00] =	vst v63  }
0x7d: {  	_ =	swait.ge [sflag:s11], $0x800  }
0x7e: {  	[sflag:s11] =	ssyncset.done $0x0  }
0x7f: {  	[sflag:s11] =	ssyncadd.s32 $0xFFFFF800  }
0x80: {  	_ =	swait.ge [sflag:s11], $0x800  }
0x81: {  	[sflag:s11] =	ssyncset.done $0x0  }
0x82: {  	[sflag:s11] =	ssyncadd.s32 $0xFFFFF800  }
0x83: {  	_ =	swait.ge [sflag:s11], $0x800  }
0x84: {  	[sflag:s11] =	ssyncset.done $0x0  }
0x85: {  	[sflag:s11] =	ssyncadd.s32 $0xFFFFF800  }
0x86: {  	_ =	swait.ge [sflag:s11], $0x800  }
0x87: {  	[sflag:s11] =	ssyncset.done $0x0  }
0x88: {  	[sflag:s11] =	ssyncadd.s32 $0xFFFFF800  }
0x89: {  	_ =	swait.ge [sflag:s11], $0x800  }
0x8a: {  	[sflag:s11] =	ssyncset.done $0x0  }
0x8b: {  	[sflag:s11] =	ssyncadd.s32 $0xFFFFF800  }
0x8c: {  	_ =	swait.ge [sflag:s11], $0x800  }
0x8d: {  	[sflag:s11] =	ssyncset.done $0x0  }
0x8e: {  	[sflag:s11] =	ssyncadd.s32 $0xFFFFF800  }
0x8f: {  	_ =	swait.ge [sflag:s11], $0x800  }
0x90: {  	[sflag:s11] =	ssyncset.done $0x0  }
0x91: {  	[sflag:s11] =	ssyncadd.s32 $0xFFFFF800  }
0x92: {  	_ =	swait.ge [sflag:s11], $0x800  }
0x93: {  	[sflag:s11] =	ssyncset.done $0x0  }
0x94: {  	s3 =	simm.s32 @!p0 $0x1;
	[sflag:s11] =	ssyncadd.s32 $0xFFFFF800  }
0x95: {  	_ =	swait.ge @!p0 [sflag:s3], $0x80  }
0x96: {  	[sflag:s3] =	ssyncset.done @!p0 $0x0  }
0x97: {  	[sflag:s3] =	ssyncadd.s32 @!p0 $0xFFFFFF80  }
0x98: {  	_ =	swait.ge @!p0 [sflag:s3], $0x80  }
0x99: {  	[sflag:s3] =	ssyncset.done @!p0 $0x0  }
0x9a: {  	[sflag:s3] =	ssyncadd.s32 @!p0 $0xFFFFFF80;
	s3 =	simm.s32 @!p0 $0x200  }
0x9b: {  	[tilespmem:s3], [sflag:$0x3] =	stream.indirect.gather @!p0 [hbm4b:s4+s29], $0x80, s20, s29, $0xb8;
	[tilespmem:$0x1BE00] =	vst v63  }
0x9c: {  	_ =	swait.ge [sflag:s17], $0x800  }
0x9d: {  	[sflag:s17] =	ssyncset.done $0x0  }
0x9e: {  	[sflag:s17] =	ssyncadd.s32 $0xFFFFF800  }
0x9f: {  	_ =	swait.ge [sflag:s17], $0x800  }
0xa0: {  	[sflag:s17] =	ssyncset.done $0x0  }
0xa1: {  	[sflag:s17] =	ssyncadd.s32 $0xFFFFF800  }
0xa2: {  	_ =	swait.ge [sflag:s17], $0x800  }
0xa3: {  	[sflag:s17] =	ssyncset.done $0x0  }
0xa4: {  	[sflag:s17] =	ssyncadd.s32 $0xFFFFF800  }
0xa5: {  	_ =	swait.ge [sflag:s17], $0x800  }
0xa6: {  	[sflag:s17] =	ssyncset.done $0x0  }
0xa7: {  	[sflag:s17] =	ssyncadd.s32 $0xFFFFF800  }
0xa8: {  	_ =	swait.ge [sflag:s17], $0x800  }
0xa9: {  	[sflag:s17] =	ssyncset.done $0x0  }
0xaa: {  	[sflag:s17] =	ssyncadd.s32 $0xFFFFF800  }
0xab: {  	_ =	swait.ge [sflag:s17], $0x800  }
0xac: {  	[sflag:s17] =	ssyncset.done $0x0  }
0xad: {  	[sflag:s17] =	ssyncadd.s32 $0xFFFFF800  }
0xae: {  	_ =	swait.ge [sflag:s17], $0x800  }
.Ltmp2:
0xaf: {  	[sflag:s17] =	ssyncset.done $0x0;
	(pc) =	sbr.rel @p0 .LBB2_4-.Ltmp2, $4  }
0xb0: {  	[sflag:s17] =	ssyncadd.s32 $0xFFFFF800  }
0xb1: {  	_ =	swait.ge [sflag:s17], $0x800  }
0xb2: {  	[sflag:s17] =	ssyncset.done $0x0  }
0xb3: {  	[sflag:s17] =	ssyncadd.s32 $0xFFFFF800  }
0xb4: {  	_ =	swait.ge [sflag:s22], $0x80  }
0xb5: {  	[sflag:s22] =	ssyncset.done $0x0  }
.Ltmp3:
0xb6: {  	[sflag:s22] =	ssyncadd.s32 $0xFFFFFF80;
	(pc) =	sbr.rel .LBB2_2-.Ltmp3, $4  }
0xb7: {  	_ =	swait.ge [sflag:s22], $0x80  }
0xb8: {  	[sflag:s22] =	ssyncset.done $0x0  }
0xb9: {  	s18 =	sadd.s32 $0x100, s18;
	[sflag:s22] =	ssyncadd.s32 $0xFFFFFF80  }
0xba: {  	[tilespmem:s24], [sflag:$0x4] =	stream.indirect.gather [hbm4b:s4+s21], $0x80, s21, s21, $0xb8;
	[tilespmem:$0x1BE00] =	vst v63  }
.LBB2_5:
0xbb: {  	_ =	sfence.sel $0x180000  }
0xbc: {  	[bflag:$0x0] =	sbarrier.arrive $0xFFFF  }
0xbd: {  	_ =	strace $0x9000004A  }
0xbe: {  	s0 =	stileid.u32;
	[bflag:$0x2] =	sbarrier.arrive $0xFFFF  }
0xbf: {  	p0 =	sne.s32 s0, $0x0;
	s0 =	rddreg [dreg:$0x2]  }
0xc0: {  	s0 =	sadd.s32 @!p0 $0x100000, s0  }
0xc1: {  	[sflag:s0] =	ssyncadd.tile.s32 @!p0 $0x1;
	_ =	shalt  }
.Lfunc_end2:
_tile_overlayer_lowered:
.L_overlay_start_2:
0xc2: {  	(tag) =	ssettag $0x2  }
0xc3: {  	s0 =	rddreg [dreg:$0x0];
	s2 =	stileid.u32  }
0xc4: {  	s1 =	rddreg [dreg:$0x1];
	p0 =	sne.s32 s2, $0x0  }
0xc5: {  	s3 =	rddreg [dreg:$0x2];
	[bflag:$0x3] =	sbarrier.arrive $0xFFFF;
	s2 =	simm.s32 @!p0 $0x1C08  }
0xc6: {  	[timem:s3], [sflag:s2] =	dma.local @!p0 [hbm:s0], s1  }
0xc7: {  	s0 =	simm.s32 @!p0 $0x8  }
0xc8: {  	_ =	swait.ge @!p0 [sflag:s0], s1  }
0xc9: {  	s1 =	ssub.s32 @!p0 $0x0, s1;
	[sflag:s0] =	ssyncset.done @!p0 $0x0  }
0xca: {  	[sflag:s0] =	ssyncadd.s32 @!p0 s1  }
0xcb: {  	[bflag:$0x3] =	sbarrier.arrive $0xFFFF  }
0xcc: {  	_ =	shalt  }

// kernel: kernel.15.cloned.1.call-start
scs
__scs_entry_jumppad:
0x0: {  	(pc) =	sbr.rel $0x88, $3  }
0x1: {  	(tag) =	ssettag $0x0;
	lr =	simm.s32 $0x1  }
0x2: {  	[smem:$0x3F91] =	sst lr;
	_ =	strace $0xD0000000  }
0x3: {  	_ = 	snop  }
0x4: {  	_ = 	snop  }
0x5: {  	_ = 	snop  }
0x6: {  	_ = 	snop  }
0x7: {  	_ = 	snop  }
__scs_overlays_trampoline_lowered:
0x8: {  	[smem:$0x3FA0] =	sst s0  }
0x9: {  	[smem:$0x3FA1] =	sst s1  }
0xa: {  	[smem:$0x3FA2] =	sst s2  }
0xb: {  	[smem:$0x3FA3] =	sst s3  }
0xc: {  	[smem:$0x3FA4] =	sst s4  }
0xd: {  	[smem:$0x3FA5] =	sst s5  }
0xe: {  	[smem:$0x3FA6] =	sst s6  }
0xf: {  	[smem:$0x3FA7] =	sst s7  }
0x10: {  	[smem:$0x3FA8] =	sst s8  }
0x11: {  	[smem:$0x3FA9] =	sst s9;
	s0 =	simm.s32 @!p0 $0x0  }
0x12: {  	s1 =	sld [smem:$0x3F8F];
	s0 =	simm.s32 @p0 $0x1  }
0x13: {  	[smem:$0x3FAA] =	sst s0;
	s0 =	simm.s32 @!p1 $0x0  }
0x14: {  	s2 =	sld [smem:$0x3F8E];
	s0 =	simm.s32 @p1 $0x1  }
0x15: {  	[smem:$0x3FAB] =	sst s0;
	s0 =	simm.s32 @!p2 $0x0  }
0x16: {  	s3 =	sld [smem:$0x3FDB];
	s0 =	simm.s32 @p2 $0x1  }
0x17: {  	s4 =	simm.s32 $0x1BF5;
	[smem:$0x3FAD] =	sst s0  }
0x18: {  	s0 =	sld [smem:$0x3F90];
	_ =	swait.ge [sflag:s4], $0x0  }
0x19: {  	s7 =	sld [smem:$0x3F91]  }
0x1a: {  	s8 =	sadd.s32 $0xFFFFE003, lr  }
0x1b: {  	s9 =	sadd.s32 $0xFFFFFEF7, lr;
	s5 =	simm.s32 $0xFFFFFFFF;
	p2 =	slt.u32 s8, $0xFFFFF086  }
0x1c: {  	p1 =	slt.u32 s9, $0xF7A;
	s5 =	simm.s32 @!p2 $0x0  }
0x1d: {  	s5 =	simm.s32 @p1 $0x1;
	p0 =	seq.s32 s7, s2  }
0x1e: {  	s7 =	smul.u32 @!p0 $0xF7A, s2;
	p2 =	seq.s32 @!p0 s5, $0x0  }
0x1f: {  	s9 =	smul.u32 $0xF7A, s1;
	s8 =	simm.s32 @!p0 $0x1BF5;
	p2 =	por !p2, p0  }
0x20: {  	[sflag:s8] =	ssyncset.s32 @!p0 $0xFFFFF086;
	s6 =	sadd.s32 @!p0 s3, s7;
	s7 =	simm.s32 @!p0 $0x108  }
0x21: {  	s3 =	sadd.s32 s3, s9;
	s6 =	sadd.s32 @!p0 $0x88, s6;
	s7 =	simm.s32 @p2 $0x1082  }
0x22: {  	[simem:s7], [sflag:s8] =	dma.local @!p0 [hbm:s6], $0xF7A  }
0x23: {  	s9 =	sor.u32 $0xD0000000, s2;
	s6 =	simm.s32 $0x108;
	_ =	swait.ge @!p0 [sflag:s8], $0x0  }
0x24: {  	s3 =	sadd.s32 $0x88, s3;
	s6 =	simm.s32 @!p1 $0x1082;
	[sflag:s4] =	ssyncset.s32 $0xFFFFF086  }
0x25: {  	[simem:s6], [sflag:s4] =	dma.local [hbm:s3], $0xF7A  }
0x26: {  	[smem:$0x3F91] =	sst s1;
	(tag) =	ssettag s2;
	_ =	strace s9  }
0x27: {  	s1 =	sld [smem:$0x3FA1]  }
0x28: {  	s2 =	sld [smem:$0x3FA2]  }
0x29: {  	s4 =	sld [smem:$0x3FA4]  }
0x2a: {  	p0 =	seq.s32 s5, $0x0;
	s5 =	sld [smem:$0x3FA5]  }
0x2b: {  	s6 =	sld [smem:$0x3FA6]  }
0x2c: {  	s7 =	sld [smem:$0x3FA7]  }
0x2d: {  	s3 =	simm.s32 $0x108;
	s8 =	sld [smem:$0x3FA8]  }
0x2e: {  	s3 =	simm.s32 @!p0 $0x1082;
	s9 =	sld [smem:$0x3FA9]  }
0x2f: {  	lr =	sadd.s32 s0, s3;
	s0 =	sld [smem:$0x3FA0]  }
0x30: {  	s3 =	sld [smem:$0x3FA3]  }
0x31: {  	[smem:$0x3FAC] =	sst s10  }
0x32: {  	s10 =	sld [smem:$0x3FAA];
	_ =	sdelay $0x3  }
0x33: {  	p0 =	seq.s32 s10, $0x1;
	s10 =	sld [smem:$0x3FAC];
	_ =	sdelay $0x3  }
0x34: {  	[smem:$0x3FAC] =	sst s10  }
0x35: {  	s10 =	sld [smem:$0x3FAB];
	_ =	sdelay $0x3  }
0x36: {  	p1 =	seq.s32 s10, $0x1;
	s10 =	sld [smem:$0x3FAC];
	_ =	sdelay $0x3  }
0x37: {  	[smem:$0x3FAC] =	sst s10  }
0x38: {  	s10 =	sld [smem:$0x3FAD]  }
0x39: {  	_ = 	snop;
	(pc) =	sbr.ind lr, $3  }
0x3a: {  	_ = 	snop  }
0x3b: {  	_ = 	snop  }
0x3c: {  	p2 =	seq.s32 s10, $0x1;
	s10 =	sld [smem:$0x3FAC]  }
0x3d: {  	_ =	shalt  }
0x3e: {  	_ =	shalt  }
0x3f: {  	_ =	shalt  }
0x40: {  	_ =	shalt  }
0x41: {  	_ =	shalt  }
0x42: {  	_ =	shalt  }
0x43: {  	_ =	shalt  }
0x44: {  	_ =	shalt  }
0x45: {  	_ =	shalt  }
0x46: {  	_ =	shalt  }
0x47: {  	_ =	shalt  }
0x48: {  	_ =	shalt  }
0x49: {  	_ =	shalt  }
0x4a: {  	_ =	shalt  }
0x4b: {  	_ =	shalt  }
0x4c: {  	_ =	shalt  }
0x4d: {  	_ =	shalt  }
0x4e: {  	_ =	shalt  }
0x4f: {  	_ =	shalt  }
0x50: {  	_ =	shalt  }
0x51: {  	_ =	shalt  }
0x52: {  	_ =	shalt  }
0x53: {  	_ =	shalt  }
0x54: {  	_ =	shalt  }
0x55: {  	_ =	shalt  }
0x56: {  	_ =	shalt  }
0x57: {  	_ =	shalt  }
0x58: {  	_ =	shalt  }
0x59: {  	_ =	shalt  }
0x5a: {  	_ =	shalt  }
0x5b: {  	_ =	shalt  }
0x5c: {  	_ =	shalt  }
0x5d: {  	_ =	shalt  }
0x5e: {  	_ =	shalt  }
0x5f: {  	_ =	shalt  }
0x60: {  	_ =	shalt  }
0x61: {  	_ =	shalt  }
0x62: {  	_ =	shalt  }
0x63: {  	_ =	shalt  }
0x64: {  	_ =	shalt  }
0x65: {  	_ =	shalt  }
0x66: {  	_ =	shalt  }
0x67: {  	_ =	shalt  }
0x68: {  	_ =	shalt  }
0x69: {  	_ =	shalt  }
0x6a: {  	_ =	shalt  }
0x6b: {  	_ =	shalt  }
0x6c: {  	_ =	shalt  }
0x6d: {  	_ =	shalt  }
0x6e: {  	_ =	shalt  }
0x6f: {  	_ =	shalt  }
0x70: {  	_ =	shalt  }
0x71: {  	_ =	shalt  }
0x72: {  	_ =	shalt  }
0x73: {  	_ =	shalt  }
0x74: {  	_ =	shalt  }
0x75: {  	_ =	shalt  }
0x76: {  	_ =	shalt  }
0x77: {  	_ =	shalt  }
0x78: {  	_ =	shalt  }
0x79: {  	_ =	shalt  }
0x7a: {  	_ =	shalt  }
0x7b: {  	_ =	shalt  }
0x7c: {  	_ =	shalt  }
0x7d: {  	_ =	shalt  }
0x7e: {  	_ =	shalt  }
0x7f: {  	_ =	shalt  }
0x80: {  	_ =	shalt  }
0x81: {  	_ =	shalt  }
0x82: {  	_ =	shalt  }
0x83: {  	_ =	shalt  }
0x84: {  	_ =	shalt  }
0x85: {  	_ =	shalt  }
0x86: {  	_ =	shalt  }
0x87: {  	_ =	shalt  }
.Lfunc_end0:
.L_simem_size_0:
called_computation.2_lowered:
.L_overlay_start_0:
0x88: {  	s2 =	sld [smem:$0x3FD9]  }
0x89: {  	s3 =	sld [smem:$0x3FFE];
	_ =	sdelay $0x1  }
0x8a: {  	s1 =	srdreg.scid  }
0x8b: {  	s0 =	sand.u32 $0x1, s1  }
0x8c: {  	s16 =	sshll.u32 s0, $0xA;
	s2 =	sadd.s32 s3, s2  }
0x8d: {  	s2 =	sadd.s32 s2, s16  }
0x8e: {  	[smem:$0x3FB8] =	sst s2  }
0x8f: {  	_ = 	snop  }
0x90: {  	(tm) =	ssettm $0x1  }
0x91: {  	s17 =	sld [smem:$0x3FFB];
	_ =	sdelay $0x3  }
0x92: {  	_ =	strace s17  }
0x93: {  	s2 =	sld [smem:$0x3FFC];
	_ =	sdelay $0x3  }
0x94: {  	_ =	strace s2  }
0x95: {  	s2 =	sld [smem:$0x3FFD];
	_ =	sdelay $0x3  }
0x96: {  	_ =	strace s2  }
0x97: {  	_ =	strace $0x8FFFFFFF  }
0x98: {  	s18 =	sld [smem:$0x3FDB];
	_ =	sdelay $0x1  }
0x99: {  	s19 =	simm.s32 $_scs_section_size  }
0x9a: {  	s4 =	simm.s32 $_size__tile_overlayer_lowered;
	s5 =	simm.s32 $_tile_overlayer_lowered  }
0x9b: {  	s22 =	simm.s32 $0x1BFF;
	s21 =	sshll.u32 s5, $0x1;
	s2 =	sadd.s32 s19, s18  }
0x9c: {  	s6 =	simm.s32 $0x0;
	s20 =	sshll.u32 s4, $0x1;
	s4 =	sadd.s32 s21, s2  }
0x9d: {  	[timem:s6], [sflag:s22] =	dma.local [hbm:s4], s20  }
0x9e: {  	_ =	swait.ge [sflag:s22], s20  }
0x9f: {  	s3 =	ssub.s32 $0x0, s20;
	[sflag:s22] =	ssyncset.done $0x0  }
0xa0: {  	[sflag:s22] =	ssyncadd.s32 s3;
	_ =	sdelay $0x1  }
0xa1: {  	s23 =	simm.s32 $0x1B8B  }
0xa2: {  	_ =	swait.ge [sflag:s23], $0x1  }
0xa3: {  	[sflag:s23] =	ssyncset.done $0x0  }
0xa4: {  	s25 =	simm.s32 $0x1B8E;
	s24 =	sld [smem:$0x3FFE];
	[sflag:s23] =	ssyncadd.s32 $0xFFFFFFFF  }
0xa5: {  	s26 =	simm.s32 $execute0_lowered;
	[smem:$0x3FD2] =	sst s25  }
0xa6: {  	s4 =	sshll.u32 s26, $0x1;
	_ =	strace $0x8000004C;
	[dreg:$0x1] =	wrdreg $0xFFFFFFFF  }
0xa7: {  	s28 =	simm.s32 $_size_execute0_lowered;
	s2 =	sadd.s32 s2, s4;
	[dreg:$0x0] =	wrdreg $0x0  }
0xa8: {  	s4 =	sshll.u32 s28, $0x1;
	[dreg:$0x2] =	wrdreg s2  }
0xa9: {  	[dreg:$0x3] =	wrdreg s4  }
0xaa: {  	[dreg:$0x4] =	wrdreg $0xC0  }
0xab: {  	_ =	task [dreg:s6], $0x5FFFF  }
0xac: {  	[dreg:$0x1] =	wrdreg $0xFFFFFFFF  }
0xad: {  	[dreg:$0x0] =	wrdreg $0x60  }
0xae: {  	[dreg:$0x2] =	wrdreg s24  }
0xaf: {  	[dreg:$0x3] =	wrdreg $0x82000  }
0xb0: {  	[dreg:$0x4] =	wrdreg $0x9  }
0xb1: {  	_ =	task.clear_ibuf [dreg:s6], $0x5FFFF;
	_ =	strace $0x9000004C  }
0xb2: {  	s29 =	simm.s32 $0x9;
	_ =	strace $0x8000004E  }
0xb3: {  	_ =	swait.ge [sflag:s29], $0x1  }
0xb4: {  	[sflag:s29] =	ssyncadd.s32 $0xFFFFFFFF  }
0xb5: {  	_ =	strace $0x9000004E  }
0xb6: {  	_ =	sfence  }
0xb7: {  	s30 =	sld [smem:$0x0];
	_ =	sdelay $0x2  }
0xb8: {  	s31 =	sshll.u32 s1, $0xD;
	s1 =	sshrl.u32 s1, $0x2  }
0xb9: {  	s3 =	sand.u32 $0x4000, s31;
	s1 =	sadd.s32 s1, s30  }
0xba: {  	s0 =	sor.u32 s3, s0;
	s1 =	sshll.u32 s1, $0x11  }
0xbb: {  	s0 =	sor.u32 s1, s0  }
0xbc: {  	s0 =	sadd.s32 $0x8F2B, s0  }
0xbd: {  	[sflag:s0] =	ssyncadd.remote.s32 $0x1  }
0xbe: {  	_ =	sfence.sel $0xFFFF  }
0xbf: {  	[dreg:$0x0] =	wrdreg $0xFFFFFFFF;
	(pc) =	sbr.abs _section_cstart, $3  }
0xc0: {  	[dreg:$0x1] =	wrdreg $0xFFFFFFFF  }
0xc1: {  	_ =	task.clear_ibuf [dreg:s6], $0x2FFFF;
	_ =	strace $0x9FFFFFFF  }
0xc2: {  	(tm) =	ssettm $0x7FFFFFFF  }
0xc3: {  	_ =	shalt  }
tec
execute0_lowered:
.L_overlay_start_1:
0x0: {  	(tag) =	ssettag $0x1  }
0x1: {  	s0 =	rddreg [dreg:$0x0];
	s1 =	srdreg.scid  }
0x2: {  	s2 =	rddreg [dreg:$0x1];
	s13 =	stileid.u32;
	s4 =	simm.s32 $0x0  }
0x3: {  	s30 =	simm.s32 $0x2200;
	s31 =	simm.s32 $0x2A00;
	s14 =	simm.s32 $0x5A00  }
0x4: {  	s15 =	simm.s32 $0x6200;
	s16 =	simm.s32 $0x7200;
	s6 =	smul.u32 $0x13C00, s13  }
0x5: {  	s17 =	simm.s32 $0x6;
	s28 =	simm.s32 $0x0;
	s8 =	smul.u32 $0x4F000, s13  }
0x6: {  	s1 =	sand.u32 $0x1, s1;
	[smem:$0x7FF] =	sst s4;
	s10 =	smul.u32 $0x2780, s13  }
0x7: {  	s4 =	sadd.s32 $0x83C00, s0;
	s5 =	sadd.s32 $0xD2C00, s0;
	s3 =	smul.u32 $0x13C000, s1  }
0x8: {  	s7 =	sadd.s32 $0x79C00, s0;
	s23 =	sshll.u32 s13, $0x6;
	s9 =	smul.u32 $0x27800, s1  }
0x9: {  	_ =	strace $0x8000004D;
	s11 =	ssub.s32 $0x2, s1;
	s1 =	smul.u32 $0x50000, s1  }
0xa: {  	s18 =	sor.u32 $0x1C07, s23;
	s23 =	simm.s32 $0x200;
	s12 =	sshrl.u32 s11, $0x1  }
0xb: {  	s20 =	sshrl.u32 s8, $0x2;
	[dreg:$0x5] =	wrdreg s18;
	s3 =	sadd.s32 s6, s3  }
0xc: {  	s6 =	smul.u32 $0x5000, s13;
	s19 =	ssub.s32 s11, s12;
	s9 =	sadd.s32 s10, s9  }
0xd: {  	s21 =	sadd.s32 s20, s2;
	s13 =	simm.s32 $0x5200;
	s10 =	simm.s32 $0x6A00  }
0xe: {  	s12 =	simm.s32 $0x7A00;
	s11 =	simm.s32 $0x5;
	s3 =	sshrl.u32 s3, $0x3  }
0xf: {  	s9 =	sadd.s32 s4, s9;
	s29 =	smax.u32 s19, $0x1;
	s20 =	sshrl.u32 s21, $0x3  }
0x10: {  	s21 =	simm.s32 $0x80;
	s19 =	simm.s32 $0x4;
	[dreg:$0x3] =	wrdreg s9  }
0x11: {  	s0 =	sadd.s32 s3, s0;
	s8 =	sadd.s32 s6, s1;
	[dreg:$0xa] =	wrdreg s29  }
0x12: {  	s25 =	sshrl.u32 s6, $0x3;
	s1 =	simm.s32 $0x3A00;
	[dreg:$0xb] =	wrdreg s20  }
0x13: {  	s22 =	sshrl.u32 s8, $0x3;
	s9 =	sadd.s32 s7, s25;
	s0 =	sadd.s32 $0x3200, s0  }
.Ltmp0:
0x14: {  	s25 =	simm.s32 $0x3;
	[dreg:$0x6] =	wrdreg s9;
	(pc) =	sbr.rel .LBB2_1-.Ltmp0, $4  }
0x15: {  	s24 =	sadd.s32 s5, s22;
	s9 =	sadd.s32 $0x10, s9;
	[dreg:$0x9] =	wrdreg s0  }
0x16: {  	s22 =	simm.s32 $0x2;
	s0 =	simm.s32 $0x3200;
	[dreg:$0x4] =	wrdreg s24  }
0x17: {  	s26 =	sadd.s32 $0x10, s24;
	[dreg:$0x8] =	wrdreg s9;
	s24 =	simm.s32 $0x4200  }
0x18: {  	vm0 =	vmmov $0xffff;
	s9 =	simm.s32 $0x4A00;
	[dreg:$0x7] =	wrdreg s26;
	s26 =	simm.s32 $0x7  }
.LBB2_4:
0x19: {  	[bflag:$0x0] =	sbarrier.arrive $0xFFFF  }
0x1a: {  	s18 =	rddreg [dreg:$0x5]  }
0x1b: {  	s3 =	rddreg [dreg:$0x9]  }
0x1c: {  	s26 =	simm.s32 $0x7;
	s20 =	rddreg [dreg:$0xb]  }
0x1d: {  	[hbm:s3], [sflag:s18] =	dma.local [spmem:s20], $0x2780  }
0x1e: {  	_ =	swait.ge [sflag:s26], $0x2780  }
0x1f: {  	s28 =	rddreg [dreg:$0xc]  }
0x20: {  	s29 =	rddreg [dreg:$0xa];
	s28 =	sadd.s32 $0x1, s28  }
0x21: {  	p0 =	sne.s32 s28, s29  }
.Ltmp1:
0x22: {  	_ = 	snop;
	(pc) =	sbr.rel @!p0 .LBB2_5-.Ltmp1, $3  }
0x23: {  	_ =	sdelay $0x1  }
0x24: {  	[sflag:s26] =	ssyncset.done $0x0  }
0x25: {  	[sflag:s26] =	ssyncadd.s32 $0xFFFFD880  }
.LBB2_1:
0x26: {  	[dreg:$0xc] =	wrdreg s28  }
0x27: {  	s3 =	rddreg [dreg:$0x3]  }
0x28: {  	[spmem:s20], [sflag:s18] =	dma.local [hbm:s3], $0x2780  }
0x29: {  	_ =	swait.ge [sflag:s26], $0x2780  }
0x2a: {  	[sflag:s26] =	ssyncset.done $0x0  }
0x2b: {  	s3 =	simm.s32 $0x0;
	[sflag:s26] =	ssyncadd.s32 $0xFFFFD880;
	s26 =	rddreg [dreg:$0x4]  }
0x2c: {  	[tilespmem:s3], [sflag:$0x1] =	stream.linear.gather [hbm4b:s26+s3], $0x80, $0x38;
	[tilespmem:$0x1BE00] =	vst v63  }
0x2d: {  	s29 =	simm.s32 $0x100;
	s28 =	rddreg [dreg:$0x6];
	s26 =	simm.s32 $0x1  }
0x2e: {  	[tilespmem:s29], [sflag:$0x1] =	stream.linear.gather [hbm4b:s28+s3], $0x80, $0x38;
	[tilespmem:$0x1BE00] =	vst v63  }
0x2f: {  	_ =	swait.ge [sflag:s26], $0x80  }
0x30: {  	[sflag:s26] =	ssyncset.done $0x0  }
0x31: {  	[sflag:s26] =	ssyncadd.s32 $0xFFFFFF80  }
0x32: {  	_ =	swait.ge [sflag:s26], $0x80  }
0x33: {  	[sflag:s26] =	ssyncset.done $0x0  }
0x34: {  	s28 =	rddreg [dreg:$0x7];
	[sflag:s26] =	ssyncadd.s32 $0xFFFFFF80  }
0x35: {  	[tilespmem:s21], [sflag:$0x2] =	stream.linear.gather [hbm4b:s28+s3], $0x80, $0x38;
	[tilespmem:$0x1BE00] =	vst v63  }
0x36: {  	s18 =	simm.s32 $0x180;
	s29 =	rddreg [dreg:$0x8]  }
0x37: {  	[tilespmem:s18], [sflag:$0x2] =	stream.linear.gather [hbm4b:s29+s3], $0x80, $0x38;
	[tilespmem:$0x1BE00] =	vst v63  }
0x38: {  	_ =	swait.ge [sflag:s22], $0x80  }
0x39: {  	[sflag:s22] =	ssyncset.done $0x0  }
0x3a: {  	[sflag:s22] =	ssyncadd.s32 $0xFFFFFF80  }
0x3b: {  	_ =	swait.ge [sflag:s22], $0x80  }
0x3c: {  	[sflag:s22] =	ssyncset.done $0x0  }
0x3d: {  	[sflag:s22] =	ssyncadd.s32 $0xFFFFFF80  }
0x3e: {  	[bflag:$0x0] =	sbarrier.arrive $0xFFFF  }
0x3f: {  	[tilespmem:s23], [sflag:$0x3] =	stream.indirect.gather [hbm4b:s4+s21], $0x80, s3, s21, $0xb8;
	[tilespmem:$0x1BE00] =	vst v63  }
0x40: {  	_ = 	snop  }
0x41: {  	[tilespmem:s24], [sflag:$0x4] =	stream.indirect.gather [hbm4b:s4+s21], $0x80, s21, s21, $0xb8;
	[tilespmem:$0x1BE00] =	vst v63  }
.LBB2_2:
0x42: {  	_ =	swait.ge [sflag:s25], $0x4000  }
0x43: {  	[sflag:s25] =	ssyncset.done $0x0  }
0x44: {  	[sflag:s25] =	ssyncadd.s32 $0xFFFFC000  }
0x45: {  	v0 =	vld [tilespmem:$0x100];
	_ =	sdelay $0x7  }
0x46: {  	[spmem:s2] =	stream.indirect_vreg.scatter.add.f32 [tilespmem:s23], [sflag:$0x5], $0x80, v0, vm0, $0xb8;
	[tilespmem:$0x1BE00] =	vst v63  }
0x47: {  	v0 =	vld [tilespmem:$0x110];
	_ =	sdelay $0x6  }
0x48: {  	s3 =	simm.s32 $0xA00  }
0x49: {  	[spmem:s2] =	stream.indirect_vreg.scatter.add.f32 [tilespmem:s3], [sflag:$0x5], $0x80, v0, vm0, $0xb8;
	[tilespmem:$0x1BE00] =	vst v63  }
0x4a: {  	v0 =	vld [tilespmem:$0x120];
	_ =	sdelay $0x6  }
0x4b: {  	s28 =	simm.s32 $0x1200  }
0x4c: {  	[spmem:s2] =	stream.indirect_vreg.scatter.add.f32 [tilespmem:s28], [sflag:$0x5], $0x80, v0, vm0, $0xb8;
	[tilespmem:$0x1BE00] =	vst v63  }
0x4d: {  	v0 =	vld [tilespmem:$0x130];
	_ =	sdelay $0x6  }
0x4e: {  	s29 =	simm.s32 $0x1A00  }
0x4f: {  	[spmem:s2] =	stream.indirect_vreg.scatter.add.f32 [tilespmem:s29], [sflag:$0x5], $0x80, v0, vm0, $0xb8;
	[tilespmem:$0x1BE00] =	vst v63  }
0x50: {  	v0 =	vld [tilespmem:$0x140];
	_ =	sdelay $0x7  }
0x51: {  	[spmem:s2] =	stream.indirect_vreg.scatter.add.f32 [tilespmem:s30], [sflag:$0x5], $0x80, v0, vm0, $0xb8;
	[tilespmem:$0x1BE00] =	vst v63  }
0x52: {  	v0 =	vld [tilespmem:$0x150];
	_ =	sdelay $0x7  }
0x53: {  	[spmem:s2] =	stream.indirect_vreg.scatter.add.f32 [tilespmem:s31], [sflag:$0x5], $0x80, v0, vm0, $0xb8;
	[tilespmem:$0x1BE00] =	vst v63  }
0x54: {  	v0 =	vld [tilespmem:$0x160];
	_ =	sdelay $0x7  }
0x55: {  	[spmem:s2] =	stream.indirect_vreg.scatter.add.f32 [tilespmem:s0], [sflag:$0x5], $0x80, v0, vm0, $0xb8;
	[tilespmem:$0x1BE00] =	vst v63  }
0x56: {  	v0 =	vld [tilespmem:$0x170];
	_ =	sdelay $0x1  }
0x57: {  	p0 =	seq.s32 s18, $0x4F80  }
0x58: {  	s20 =	sadd.s32 @!p0 $0xFFFFFF80, s18  }
0x59: {  	s3 =	sand.u32 @!p0 $0xFC00, s20  }
0x5a: {  	s26 =	sadd.s32 @!p0 s8, s3;
	s28 =	sand.u32 @!p0 $0x300, s20  }
0x5b: {  	s3 =	sadd.s32 @!p0 s6, s3;
	s20 =	sor.u32 @!p0 s28, s26  }
0x5c: {  	s3 =	sor.u32 @!p0 s28, s3;
	s20 =	sshrl.u32 @!p0 s20, $0x3  }
0x5d: {  	[spmem:s2] =	stream.indirect_vreg.scatter.add.f32 [tilespmem:s1], [sflag:$0x5], $0x80, v0, vm0, $0xb8;
	[tilespmem:$0x1BE00] =	vst v63  }
0x5e: {  	s3 =	sshrl.u32 @!p0 s3, $0x3;
	s26 =	sadd.s32 @!p0 s5, s20;
	s20 =	simm.s32 @!p0 $0x0  }
0x5f: {  	[tilespmem:s20], [sflag:$0x1] =	stream.linear.gather @!p0 [hbm4b:s26+s20], $0x80, $0x38;
	[tilespmem:$0x1BE00] =	vst v63  }
0x60: {  	s3 =	sadd.s32 @!p0 s7, s3;
	s26 =	simm.s32 @!p0 $0x100  }
0x61: {  	[tilespmem:s26], [sflag:$0x1] =	stream.linear.gather @!p0 [hbm4b:s3+s20], $0x80, $0x38;
	[tilespmem:$0x1BE00] =	vst v63  }
0x62: {  	_ =	swait.ge [sflag:s19], $0x4000  }
0x63: {  	[sflag:s19] =	ssyncset.done $0x0  }
0x64: {  	[sflag:s19] =	ssyncadd.s32 $0xFFFFC000  }
0x65: {  	v63 =	vld [tilespmem:$0x180];
	_ =	sdelay $0x7  }
0x66: {  	[spmem:s2] =	stream.indirect_vreg.scatter.add.f32 [tilespmem:s24], [sflag:$0x6], $0x80, v63, vm0, $0xb8;
	[tilespmem:$0x1BE00] =	vst v63  }
0x67: {  	v0 =	vld [tilespmem:$0x190];
	_ =	sdelay $0x7  }
0x68: {  	[spmem:s2] =	stream.indirect_vreg.scatter.add.f32 [tilespmem:s9], [sflag:$0x6], $0x80, v0, vm0, $0xb8;
	[tilespmem:$0x1BE00] =	vst v63  }
0x69: {  	v0 =	vld [tilespmem:$0x1A0];
	_ =	sdelay $0x7  }
0x6a: {  	[spmem:s2] =	stream.indirect_vreg.scatter.add.f32 [tilespmem:s13], [sflag:$0x6], $0x80, v0, vm0, $0xb8;
	[tilespmem:$0x1BE00] =	vst v63  }
0x6b: {  	v0 =	vld [tilespmem:$0x1B0];
	_ =	sdelay $0x7  }
0x6c: {  	[spmem:s2] =	stream.indirect_vreg.scatter.add.f32 [tilespmem:s14], [sflag:$0x6], $0x80, v0, vm0, $0xb8;
	[tilespmem:$0x1BE00] =	vst v63  }
0x6d: {  	v0 =	vld [tilespmem:$0x1C0];
	_ =	sdelay $0x7  }
0x6e: {  	[spmem:s2] =	stream.indirect_vreg.scatter.add.f32 [tilespmem:s15], [sflag:$0x6], $0x80, v0, vm0, $0xb8;
	[tilespmem:$0x1BE00] =	vst v63  }
0x6f: {  	v0 =	vld [tilespmem:$0x1D0];
	_ =	sdelay $0x7  }
0x70: {  	[spmem:s2] =	stream.indirect_vreg.scatter.add.f32 [tilespmem:s10], [sflag:$0x6], $0x80, v0, vm0, $0xb8;
	[tilespmem:$0x1BE00] =	vst v63  }
0x71: {  	v0 =	vld [tilespmem:$0x1E0];
	_ =	sdelay $0x7  }
0x72: {  	[spmem:s2] =	stream.indirect_vreg.scatter.add.f32 [tilespmem:s16], [sflag:$0x6], $0x80, v0, vm0, $0xb8;
	[tilespmem:$0x1BE00] =	vst v63  }
0x73: {  	v0 =	vld [tilespmem:$0x1F0];
	_ =	sdelay $0x3  }
0x74: {  	s3 =	sand.u32 @!p0 $0xFC00, s18  }
0x75: {  	s28 =	sand.u32 @!p0 $0x380, s18;
	s26 =	sadd.s32 @!p0 s8, s3  }
0x76: {  	s3 =	sadd.s32 @!p0 s6, s3;
	s26 =	sor.u32 @!p0 s28, s26  }
0x77: {  	s3 =	sor.u32 @!p0 s28, s3;
	s26 =	sshrl.u32 @!p0 s26, $0x3  }
0x78: {  	[spmem:s2] =	stream.indirect_vreg.scatter.add.f32 [tilespmem:s12], [sflag:$0x6], $0x80, v0, vm0, $0xb8;
	[tilespmem:$0x1BE00] =	vst v63  }
0x79: {  	s29 =	simm.s32 @!p0 $0x80;
	s3 =	sshrl.u32 @!p0 s3, $0x3;
	s26 =	sadd.s32 @!p0 s5, s26  }
0x7a: {  	[tilespmem:s29], [sflag:$0x2] =	stream.linear.gather @!p0 [hbm4b:s26+s20], $0x80, $0x38;
	[tilespmem:$0x1BE00] =	vst v63  }
0x7b: {  	s3 =	sadd.s32 @!p0 s7, s3;
	s26 =	simm.s32 @!p0 $0x180  }
0x7c: {  	[tilespmem:s26], [sflag:$0x2] =	stream.linear.gather @!p0 [hbm4b:s3+s20], $0x80, $0x38;
	[tilespmem:$0x1BE00] =	vst v63  }
0x7d: {  	_ =	swait.ge [sflag:s11], $0x800  }
0x7e: {  	[sflag:s11] =	ssyncset.done $0x0  }
0x7f: {  	[sflag:s11] =	ssyncadd.s32 $0xFFFFF800  }
0x80: {  	_ =	swait.ge [sflag:s11], $0x800  }
0x81: {  	[sflag:s11] =	ssyncset.done $0x0  }
0x82: {  	[sflag:s11] =	ssyncadd.s32 $0xFFFFF800  }
0x83: {  	_ =	swait.ge [sflag:s11], $0x800  }
0x84: {  	[sflag:s11] =	ssyncset.done $0x0  }
0x85: {  	[sflag:s11] =	ssyncadd.s32 $0xFFFFF800  }
0x86: {  	_ =	swait.ge [sflag:s11], $0x800  }
0x87: {  	[sflag:s11] =	ssyncset.done $0x0  }
0x88: {  	[sflag:s11] =	ssyncadd.s32 $0xFFFFF800  }
0x89: {  	_ =	swait.ge [sflag:s11], $0x800  }
0x8a: {  	[sflag:s11] =	ssyncset.done $0x0  }
0x8b: {  	[sflag:s11] =	ssyncadd.s32 $0xFFFFF800  }
0x8c: {  	_ =	swait.ge [sflag:s11], $0x800  }
0x8d: {  	[sflag:s11] =	ssyncset.done $0x0  }
0x8e: {  	[sflag:s11] =	ssyncadd.s32 $0xFFFFF800  }
0x8f: {  	_ =	swait.ge [sflag:s11], $0x800  }
0x90: {  	[sflag:s11] =	ssyncset.done $0x0  }
0x91: {  	[sflag:s11] =	ssyncadd.s32 $0xFFFFF800  }
0x92: {  	_ =	swait.ge [sflag:s11], $0x800  }
0x93: {  	[sflag:s11] =	ssyncset.done $0x0  }
0x94: {  	s3 =	simm.s32 @!p0 $0x1;
	[sflag:s11] =	ssyncadd.s32 $0xFFFFF800  }
0x95: {  	_ =	swait.ge @!p0 [sflag:s3], $0x80  }
0x96: {  	[sflag:s3] =	ssyncset.done @!p0 $0x0  }
0x97: {  	[sflag:s3] =	ssyncadd.s32 @!p0 $0xFFFFFF80  }
0x98: {  	_ =	swait.ge @!p0 [sflag:s3], $0x80  }
0x99: {  	[sflag:s3] =	ssyncset.done @!p0 $0x0  }
0x9a: {  	[sflag:s3] =	ssyncadd.s32 @!p0 $0xFFFFFF80;
	s3 =	simm.s32 @!p0 $0x200  }
0x9b: {  	[tilespmem:s3], [sflag:$0x3] =	stream.indirect.gather @!p0 [hbm4b:s4+s29], $0x80, s20, s29, $0xb8;
	[tilespmem:$0x1BE00] =	vst v63  }
0x9c: {  	_ =	swait.ge [sflag:s17], $0x800  }
0x9d: {  	[sflag:s17] =	ssyncset.done $0x0  }
0x9e: {  	[sflag:s17] =	ssyncadd.s32 $0xFFFFF800  }
0x9f: {  	_ =	swait.ge [sflag:s17], $0x800  }
0xa0: {  	[sflag:s17] =	ssyncset.done $0x0  }
0xa1: {  	[sflag:s17] =	ssyncadd.s32 $0xFFFFF800  }
0xa2: {  	_ =	swait.ge [sflag:s17], $0x800  }
0xa3: {  	[sflag:s17] =	ssyncset.done $0x0  }
0xa4: {  	[sflag:s17] =	ssyncadd.s32 $0xFFFFF800  }
0xa5: {  	_ =	swait.ge [sflag:s17], $0x800  }
0xa6: {  	[sflag:s17] =	ssyncset.done $0x0  }
0xa7: {  	[sflag:s17] =	ssyncadd.s32 $0xFFFFF800  }
0xa8: {  	_ =	swait.ge [sflag:s17], $0x800  }
0xa9: {  	[sflag:s17] =	ssyncset.done $0x0  }
0xaa: {  	[sflag:s17] =	ssyncadd.s32 $0xFFFFF800  }
0xab: {  	_ =	swait.ge [sflag:s17], $0x800  }
0xac: {  	[sflag:s17] =	ssyncset.done $0x0  }
0xad: {  	[sflag:s17] =	ssyncadd.s32 $0xFFFFF800  }
0xae: {  	_ =	swait.ge [sflag:s17], $0x800  }
.Ltmp2:
0xaf: {  	[sflag:s17] =	ssyncset.done $0x0;
	(pc) =	sbr.rel @p0 .LBB2_4-.Ltmp2, $4  }
0xb0: {  	[sflag:s17] =	ssyncadd.s32 $0xFFFFF800  }
0xb1: {  	_ =	swait.ge [sflag:s17], $0x800  }
0xb2: {  	[sflag:s17] =	ssyncset.done $0x0  }
0xb3: {  	[sflag:s17] =	ssyncadd.s32 $0xFFFFF800  }
0xb4: {  	_ =	swait.ge [sflag:s22], $0x80  }
0xb5: {  	[sflag:s22] =	ssyncset.done $0x0  }
.Ltmp3:
0xb6: {  	[sflag:s22] =	ssyncadd.s32 $0xFFFFFF80;
	(pc) =	sbr.rel .LBB2_2-.Ltmp3, $4  }
0xb7: {  	_ =	swait.ge [sflag:s22], $0x80  }
0xb8: {  	[sflag:s22] =	ssyncset.done $0x0  }
0xb9: {  	s18 =	sadd.s32 $0x100, s18;
	[sflag:s22] =	ssyncadd.s32 $0xFFFFFF80  }
0xba: {  	[tilespmem:s24], [sflag:$0x4] =	stream.indirect.gather [hbm4b:s4+s21], $0x80, s21, s21, $0xb8;
	[tilespmem:$0x1BE00] =	vst v63  }
.LBB2_5:
0xbb: {  	_ =	sfence.sel $0x180000  }
0xbc: {  	[bflag:$0x0] =	sbarrier.arrive $0xFFFF  }
0xbd: {  	_ =	strace $0x9000004D  }
0xbe: {  	s0 =	stileid.u32;
	[bflag:$0x2] =	sbarrier.arrive $0xFFFF  }
0xbf: {  	p0 =	sne.s32 s0, $0x0;
	s0 =	rddreg [dreg:$0x2]  }
0xc0: {  	s0 =	sadd.s32 @!p0 $0x100000, s0  }
0xc1: {  	[sflag:s0] =	ssyncadd.tile.s32 @!p0 $0x1;
	_ =	shalt  }
.Lfunc_end2:
_tile_overlayer_lowered:
.L_overlay_start_2:
0xc2: {  	(tag) =	ssettag $0x2  }
0xc3: {  	s0 =	rddreg [dreg:$0x0];
	s2 =	stileid.u32  }
0xc4: {  	s1 =	rddreg [dreg:$0x1];
	p0 =	sne.s32 s2, $0x0  }
0xc5: {  	s3 =	rddreg [dreg:$0x2];
	[bflag:$0x3] =	sbarrier.arrive $0xFFFF;
	s2 =	simm.s32 @!p0 $0x1C08  }
0xc6: {  	[timem:s3], [sflag:s2] =	dma.local @!p0 [hbm:s0], s1  }
0xc7: {  	s0 =	simm.s32 @!p0 $0x8  }
0xc8: {  	_ =	swait.ge @!p0 [sflag:s0], s1  }
0xc9: {  	s1 =	ssub.s32 @!p0 $0x0, s1;
	[sflag:s0] =	ssyncset.done @!p0 $0x0  }
0xca: {  	[sflag:s0] =	ssyncadd.s32 @!p0 s1  }
0xcb: {  	[bflag:$0x3] =	sbarrier.arrive $0xFFFF  }
0xcc: {  	_ =	shalt  }

// kernel: kernel.9.cloned.1.call-start
scs
__scs_entry_jumppad:
0x0: {  	(pc) =	sbr.rel $0x88, $3  }
0x1: {  	(tag) =	ssettag $0x0;
	lr =	simm.s32 $0x1  }
0x2: {  	[smem:$0x3F91] =	sst lr;
	_ =	strace $0xD0000000  }
0x3: {  	_ = 	snop  }
0x4: {  	_ = 	snop  }
0x5: {  	_ = 	snop  }
0x6: {  	_ = 	snop  }
0x7: {  	_ = 	snop  }
__scs_overlays_trampoline_lowered:
0x8: {  	[smem:$0x3FA0] =	sst s0  }
0x9: {  	[smem:$0x3FA1] =	sst s1  }
0xa: {  	[smem:$0x3FA2] =	sst s2  }
0xb: {  	[smem:$0x3FA3] =	sst s3  }
0xc: {  	[smem:$0x3FA4] =	sst s4  }
0xd: {  	[smem:$0x3FA5] =	sst s5  }
0xe: {  	[smem:$0x3FA6] =	sst s6  }
0xf: {  	[smem:$0x3FA7] =	sst s7  }
0x10: {  	[smem:$0x3FA8] =	sst s8  }
0x11: {  	[smem:$0x3FA9] =	sst s9;
	s0 =	simm.s32 @!p0 $0x0  }
0x12: {  	s1 =	sld [smem:$0x3F8F];
	s0 =	simm.s32 @p0 $0x1  }
0x13: {  	[smem:$0x3FAA] =	sst s0;
	s0 =	simm.s32 @!p1 $0x0  }
0x14: {  	s2 =	sld [smem:$0x3F8E];
	s0 =	simm.s32 @p1 $0x1  }
0x15: {  	[smem:$0x3FAB] =	sst s0;
	s0 =	simm.s32 @!p2 $0x0  }
0x16: {  	s3 =	sld [smem:$0x3FDB];
	s0 =	simm.s32 @p2 $0x1  }
0x17: {  	s4 =	simm.s32 $0x1BF5;
	[smem:$0x3FAD] =	sst s0  }
0x18: {  	s0 =	sld [smem:$0x3F90];
	_ =	swait.ge [sflag:s4], $0x0  }
0x19: {  	s7 =	sld [smem:$0x3F91]  }
0x1a: {  	s8 =	sadd.s32 $0xFFFFE003, lr  }
0x1b: {  	s9 =	sadd.s32 $0xFFFFFEF7, lr;
	s5 =	simm.s32 $0xFFFFFFFF;
	p2 =	slt.u32 s8, $0xFFFFF086  }
0x1c: {  	p1 =	slt.u32 s9, $0xF7A;
	s5 =	simm.s32 @!p2 $0x0  }
0x1d: {  	s5 =	simm.s32 @p1 $0x1;
	p0 =	seq.s32 s7, s2  }
0x1e: {  	s7 =	smul.u32 @!p0 $0xF7A, s2;
	p2 =	seq.s32 @!p0 s5, $0x0  }
0x1f: {  	s9 =	smul.u32 $0xF7A, s1;
	s8 =	simm.s32 @!p0 $0x1BF5;
	p2 =	por !p2, p0  }
0x20: {  	[sflag:s8] =	ssyncset.s32 @!p0 $0xFFFFF086;
	s6 =	sadd.s32 @!p0 s3, s7;
	s7 =	simm.s32 @!p0 $0x108  }
0x21: {  	s3 =	sadd.s32 s3, s9;
	s6 =	sadd.s32 @!p0 $0x88, s6;
	s7 =	simm.s32 @p2 $0x1082  }
0x22: {  	[simem:s7], [sflag:s8] =	dma.local @!p0 [hbm:s6], $0xF7A  }
0x23: {  	s9 =	sor.u32 $0xD0000000, s2;
	s6 =	simm.s32 $0x108;
	_ =	swait.ge @!p0 [sflag:s8], $0x0  }
0x24: {  	s3 =	sadd.s32 $0x88, s3;
	s6 =	simm.s32 @!p1 $0x1082;
	[sflag:s4] =	ssyncset.s32 $0xFFFFF086  }
0x25: {  	[simem:s6], [sflag:s4] =	dma.local [hbm:s3], $0xF7A  }
0x26: {  	[smem:$0x3F91] =	sst s1;
	(tag) =	ssettag s2;
	_ =	strace s9  }
0x27: {  	s1 =	sld [smem:$0x3FA1]  }
0x28: {  	s2 =	sld [smem:$0x3FA2]  }
0x29: {  	s4 =	sld [smem:$0x3FA4]  }
0x2a: {  	p0 =	seq.s32 s5, $0x0;
	s5 =	sld [smem:$0x3FA5]  }
0x2b: {  	s6 =	sld [smem:$0x3FA6]  }
0x2c: {  	s7 =	sld [smem:$0x3FA7]  }
0x2d: {  	s3 =	simm.s32 $0x108;
	s8 =	sld [smem:$0x3FA8]  }
0x2e: {  	s3 =	simm.s32 @!p0 $0x1082;
	s9 =	sld [smem:$0x3FA9]  }
0x2f: {  	lr =	sadd.s32 s0, s3;
	s0 =	sld [smem:$0x3FA0]  }
0x30: {  	s3 =	sld [smem:$0x3FA3]  }
0x31: {  	[smem:$0x3FAC] =	sst s10  }
0x32: {  	s10 =	sld [smem:$0x3FAA];
	_ =	sdelay $0x3  }
0x33: {  	p0 =	seq.s32 s10, $0x1;
	s10 =	sld [smem:$0x3FAC];
	_ =	sdelay $0x3  }
0x34: {  	[smem:$0x3FAC] =	sst s10  }
0x35: {  	s10 =	sld [smem:$0x3FAB];
	_ =	sdelay $0x3  }
0x36: {  	p1 =	seq.s32 s10, $0x1;
	s10 =	sld [smem:$0x3FAC];
	_ =	sdelay $0x3  }
0x37: {  	[smem:$0x3FAC] =	sst s10  }
0x38: {  	s10 =	sld [smem:$0x3FAD]  }
0x39: {  	_ = 	snop;
	(pc) =	sbr.ind lr, $3  }
0x3a: {  	_ = 	snop  }
0x3b: {  	_ = 	snop  }
0x3c: {  	p2 =	seq.s32 s10, $0x1;
	s10 =	sld [smem:$0x3FAC]  }
0x3d: {  	_ =	shalt  }
0x3e: {  	_ =	shalt  }
0x3f: {  	_ =	shalt  }
0x40: {  	_ =	shalt  }
0x41: {  	_ =	shalt  }
0x42: {  	_ =	shalt  }
0x43: {  	_ =	shalt  }
0x44: {  	_ =	shalt  }
0x45: {  	_ =	shalt  }
0x46: {  	_ =	shalt  }
0x47: {  	_ =	shalt  }
0x48: {  	_ =	shalt  }
0x49: {  	_ =	shalt  }
0x4a: {  	_ =	shalt  }
0x4b: {  	_ =	shalt  }
0x4c: {  	_ =	shalt  }
0x4d: {  	_ =	shalt  }
0x4e: {  	_ =	shalt  }
0x4f: {  	_ =	shalt  }
0x50: {  	_ =	shalt  }
0x51: {  	_ =	shalt  }
0x52: {  	_ =	shalt  }
0x53: {  	_ =	shalt  }
0x54: {  	_ =	shalt  }
0x55: {  	_ =	shalt  }
0x56: {  	_ =	shalt  }
0x57: {  	_ =	shalt  }
0x58: {  	_ =	shalt  }
0x59: {  	_ =	shalt  }
0x5a: {  	_ =	shalt  }
0x5b: {  	_ =	shalt  }
0x5c: {  	_ =	shalt  }
0x5d: {  	_ =	shalt  }
0x5e: {  	_ =	shalt  }
0x5f: {  	_ =	shalt  }
0x60: {  	_ =	shalt  }
0x61: {  	_ =	shalt  }
0x62: {  	_ =	shalt  }
0x63: {  	_ =	shalt  }
0x64: {  	_ =	shalt  }
0x65: {  	_ =	shalt  }
0x66: {  	_ =	shalt  }
0x67: {  	_ =	shalt  }
0x68: {  	_ =	shalt  }
0x69: {  	_ =	shalt  }
0x6a: {  	_ =	shalt  }
0x6b: {  	_ =	shalt  }
0x6c: {  	_ =	shalt  }
0x6d: {  	_ =	shalt  }
0x6e: {  	_ =	shalt  }
0x6f: {  	_ =	shalt  }
0x70: {  	_ =	shalt  }
0x71: {  	_ =	shalt  }
0x72: {  	_ =	shalt  }
0x73: {  	_ =	shalt  }
0x74: {  	_ =	shalt  }
0x75: {  	_ =	shalt  }
0x76: {  	_ =	shalt  }
0x77: {  	_ =	shalt  }
0x78: {  	_ =	shalt  }
0x79: {  	_ =	shalt  }
0x7a: {  	_ =	shalt  }
0x7b: {  	_ =	shalt  }
0x7c: {  	_ =	shalt  }
0x7d: {  	_ =	shalt  }
0x7e: {  	_ =	shalt  }
0x7f: {  	_ =	shalt  }
0x80: {  	_ =	shalt  }
0x81: {  	_ =	shalt  }
0x82: {  	_ =	shalt  }
0x83: {  	_ =	shalt  }
0x84: {  	_ =	shalt  }
0x85: {  	_ =	shalt  }
0x86: {  	_ =	shalt  }
0x87: {  	_ =	shalt  }
.Lfunc_end0:
.L_simem_size_0:
called_computation_lowered:
.L_overlay_start_0:
0x88: {  	s2 =	sld [smem:$0x3FD9]  }
0x89: {  	s3 =	sld [smem:$0x3FFE];
	_ =	sdelay $0x1  }
0x8a: {  	s1 =	srdreg.scid  }
0x8b: {  	s0 =	sand.u32 $0x1, s1  }
0x8c: {  	s17 =	sshll.u32 s0, $0xA;
	s2 =	sadd.s32 s3, s2  }
0x8d: {  	s2 =	sadd.s32 s2, s17  }
0x8e: {  	[smem:$0x3FB8] =	sst s2  }
0x8f: {  	_ = 	snop  }
0x90: {  	s2 =	sld [smem:$0x3FD0];
	(tm) =	ssettm $0x1  }
0x91: {  	s18 =	sld [smem:$0x3FFB];
	_ =	sdelay $0x3  }
0x92: {  	_ =	strace s18  }
0x93: {  	s3 =	sld [smem:$0x3FFC];
	_ =	sdelay $0x3  }
0x94: {  	_ =	strace s3  }
0x95: {  	s3 =	sld [smem:$0x3FFD];
	_ =	sdelay $0x3  }
0x96: {  	_ =	strace s3  }
0x97: {  	_ =	strace $0x8FFFFFFF  }
0x98: {  	s19 =	sld [smem:$0x3FDB];
	_ =	sdelay $0x1  }
0x99: {  	s4 =	simm.s32 $_scs_section_size  }
0x9a: {  	s5 =	simm.s32 $_size__tile_overlayer_lowered;
	s6 =	simm.s32 $_tile_overlayer_lowered  }
0x9b: {  	s22 =	simm.s32 $0x1BFF;
	s21 =	sshll.u32 s6, $0x1;
	s3 =	sadd.s32 s4, s19  }
0x9c: {  	s7 =	simm.s32 $0x0;
	s20 =	sshll.u32 s5, $0x1;
	s5 =	sadd.s32 s21, s3  }
0x9d: {  	[timem:s7], [sflag:s22] =	dma.local [hbm:s5], s20  }
0x9e: {  	_ =	swait.ge [sflag:s22], s20  }
0x9f: {  	s4 =	ssub.s32 $0x0, s20;
	[sflag:s22] =	ssyncset.done $0x0  }
0xa0: {  	[sflag:s22] =	ssyncadd.s32 s4;
	_ =	sdelay $0x1  }
0xa1: {  	s23 =	simm.s32 $0x1B8B  }
0xa2: {  	_ =	swait.ge [sflag:s23], $0x1  }
0xa3: {  	[sflag:s23] =	ssyncset.done $0x0  }
0xa4: {  	s25 =	simm.s32 $0x1B8E;
	s24 =	sld [smem:$0x3FFE];
	[sflag:s23] =	ssyncadd.s32 $0xFFFFFFFF  }
0xa5: {  	s26 =	simm.s32 $execute0_lowered;
	[smem:$0x3FD2] =	sst s25  }
0xa6: {  	s5 =	sshll.u32 s26, $0x1;
	_ =	strace $0x80000046;
	[dreg:$0x1] =	wrdreg $0xFFFFFFFF  }
0xa7: {  	s28 =	simm.s32 $_size_execute0_lowered;
	s3 =	sadd.s32 s3, s5;
	[dreg:$0x0] =	wrdreg $0x0  }
0xa8: {  	s5 =	sshll.u32 s28, $0x1;
	[dreg:$0x2] =	wrdreg s3  }
0xa9: {  	[dreg:$0x3] =	wrdreg s5  }
0xaa: {  	[dreg:$0x4] =	wrdreg $0xC0  }
0xab: {  	_ =	task [dreg:s7], $0x5FFFF  }
0xac: {  	[dreg:$0x1] =	wrdreg $0xFFFFFFFF  }
0xad: {  	[dreg:$0x0] =	wrdreg $0x60  }
0xae: {  	[dreg:$0x2] =	wrdreg s2  }
0xaf: {  	[dreg:$0x3] =	wrdreg s24  }
0xb0: {  	[dreg:$0x4] =	wrdreg $0x9000  }
0xb1: {  	[dreg:$0x5] =	wrdreg $0x9  }
0xb2: {  	_ =	task.clear_ibuf [dreg:s7], $0x6FFFF;
	_ =	strace $0x90000046  }
0xb3: {  	s29 =	simm.s32 $0x9;
	_ =	strace $0x80000048  }
0xb4: {  	_ =	swait.ge [sflag:s29], $0x1  }
0xb5: {  	[sflag:s29] =	ssyncadd.s32 $0xFFFFFFFF  }
0xb6: {  	_ =	strace $0x90000048  }
0xb7: {  	_ =	sfence  }
0xb8: {  	s30 =	sld [smem:$0x0];
	_ =	sdelay $0x2  }
0xb9: {  	s31 =	sshll.u32 s1, $0xD;
	s1 =	sshrl.u32 s1, $0x2  }
0xba: {  	s3 =	sand.u32 $0x4000, s31;
	s1 =	sadd.s32 s1, s30  }
0xbb: {  	s0 =	sor.u32 s3, s0;
	s1 =	sshll.u32 s1, $0x11  }
0xbc: {  	s0 =	sor.u32 s1, s0  }
0xbd: {  	s0 =	sadd.s32 $0x8F2B, s0  }
0xbe: {  	[sflag:s0] =	ssyncadd.remote.s32 $0x1  }
0xbf: {  	_ =	sfence.sel $0xFFFF  }
0xc0: {  	[dreg:$0x0] =	wrdreg $0xFFFFFFFF;
	(pc) =	sbr.abs _section_cstart, $3  }
0xc1: {  	[dreg:$0x1] =	wrdreg $0xFFFFFFFF  }
0xc2: {  	_ =	task.clear_ibuf [dreg:s7], $0x2FFFF;
	_ =	strace $0x9FFFFFFF  }
0xc3: {  	(tm) =	ssettm $0x7FFFFFFF  }
tec
execute0_lowered:
.L_overlay_start_1:
0x0: {  	(tag) =	ssettag $0x1  }
0x1: {  	s2 =	rddreg [dreg:$0x0]  }
0x2: {  	s7 =	rddreg [dreg:$0x1]  }
0x3: {  	s3 =	rddreg [dreg:$0x2]  }
0x4: {  	s0 =	rddreg [dreg:$0x3]  }
0x5: {  	s1 =	stileid.u32;
	s4 =	simm.s32 $0x0;
	s5 =	srdreg.scid  }
0x6: {  	s15 =	simm.s32 $0x800;
	s16 =	simm.s32 $0x880;
	s17 =	simm.s32 $0x1  }
0x7: {  	s18 =	simm.s32 $0x2;
	s19 =	simm.s32 $0x3;
	s20 =	simm.s32 $0x0  }
0x8: {  	s6 =	smul.u32 $0x13C00, s1;
	[smem:$0x7FF] =	sst s4;
	s8 =	sand.u32 $0x1, s5  }
0x9: {  	s5 =	sadd.s32 $0x2AA00, s7;
	s26 =	smul.u32 $0x4F000, s1;
	s31 =	sshll.u32 s1, $0x6  }
0xa: {  	s9 =	smul.u32 $0x13C000, s8;
	s10 =	sshll.u32 s8, $0x4;
	_ =	strace $0x80000047  }
0xb: {  	s8 =	ssub.s32 $0x2, s8;
	s25 =	sshrl.u32 s6, $0x3;
	s10 =	sor.u32 s1, s10  }
0xc: {  	s28 =	sshrl.u32 s8, $0x1;
	s30 =	sshrl.u32 s26, $0x2;
	s11 =	sadd.s32 s25, s7  }
0xd: {  	s9 =	sadd.s32 s6, s9;
	s6 =	smul.u32 $0x2800, s10;
	s13 =	ssub.s32 s8, s28  }
0xe: {  	s14 =	sadd.s32 s30, s3;
	s9 =	sshrl.u32 s9, $0x3;
	s8 =	sadd.s32 $0x3200, s11  }
0xf: {  	s11 =	smax.u32 s13, $0x1;
	s13 =	sor.u32 $0x1C04, s31;
	s29 =	sshrl.u32 s6, $0x3  }
0x10: {  	s14 =	sshrl.u32 s14, $0x3;
	s12 =	sadd.s32 s9, s7;
	s7 =	sadd.s32 s2, s29  }
0x11: {  	vm0 =	vmmov $0xffff;
	s10 =	sadd.s32 $0x2AC00, s12;
	s12 =	simm.s32 $0x4;
	s9 =	sadd.s32 $0x10, s7  }
.LBB2_1:
0x12: {  	[tilespmem:s4], [sflag:$0x4] =	stream.linear.gather [hbm4b:s5+s4], $0x800, $0x38;
	[tilespmem:$0x14500] =	vst v63  }
0x13: {  	_ =	swait.ge [sflag:s12], $0x800  }
0x14: {  	[sflag:s12] =	ssyncset.done $0x0  }
0x15: {  	[sflag:s12] =	ssyncadd.s32 $0xFFFFF800  }
0x16: {  	[spmem:s14], [sflag:s13] =	dma.local [hbm:s8], $0x2780  }
0x17: {  	_ =	swait.ge [sflag:s12], $0x2780  }
0x18: {  	[sflag:s12] =	ssyncset.done $0x0  }
0x19: {  	[sflag:s12] =	ssyncadd.s32 $0xFFFFD880  }
0x1a: {  	[tilespmem:s15], [sflag:$0x1] =	stream.linear.gather [hbm4b:s7+s4], $0x80, $0x38;
	[tilespmem:$0x14500] =	vst v63  }
0x1b: {  	_ = 	snop  }
0x1c: {  	[tilespmem:s16], [sflag:$0x2] =	stream.linear.gather [hbm4b:s9+s4], $0x80, $0x38;
	[tilespmem:$0x14500] =	vst v63  }
0x1d: {  	s21 =	simm.s32 $0x180;
	[bflag:$0x0] =	sbarrier.arrive $0xFFFF  }
.LBB2_2:
0x1e: {  	_ =	swait.ge [sflag:s17], $0x80  }
0x1f: {  	[sflag:s17] =	ssyncset.done $0x0  }
0x20: {  	[sflag:s17] =	ssyncadd.s32 $0xFFFFFF80  }
0x21: {  	v0 =	vld [tilespmem:$0x800];
	_ =	sdelay $0x7  }
0x22: {  	[spmem:s3] =	stream.indirect_vreg.scatter.add.f32 [tilespmem:s4], [sflag:$0x3], $0x80, v0, vm0, $0xb8;
	[tilespmem:$0x14500] =	vst v63  }
0x23: {  	v0 =	vld [tilespmem:$0x810];
	_ =	sdelay $0x7  }
0x24: {  	[spmem:s3] =	stream.indirect_vreg.scatter.add.f32 [tilespmem:s4], [sflag:$0x3], $0x80, v0, vm0, $0xb8;
	[tilespmem:$0x14500] =	vst v63  }
0x25: {  	v0 =	vld [tilespmem:$0x820];
	_ =	sdelay $0x7  }
0x26: {  	[spmem:s3] =	stream.indirect_vreg.scatter.add.f32 [tilespmem:s4], [sflag:$0x3], $0x80, v0, vm0, $0xb8;
	[tilespmem:$0x14500] =	vst v63  }
0x27: {  	v0 =	vld [tilespmem:$0x830];
	_ =	sdelay $0x7  }
0x28: {  	[spmem:s3] =	stream.indirect_vreg.scatter.add.f32 [tilespmem:s4], [sflag:$0x3], $0x80, v0, vm0, $0xb8;
	[tilespmem:$0x14500] =	vst v63  }
0x29: {  	v0 =	vld [tilespmem:$0x840];
	_ =	sdelay $0x7  }
0x2a: {  	[spmem:s3] =	stream.indirect_vreg.scatter.add.f32 [tilespmem:s4], [sflag:$0x3], $0x80, v0, vm0, $0xb8;
	[tilespmem:$0x14500] =	vst v63  }
0x2b: {  	v0 =	vld [tilespmem:$0x850];
	_ =	sdelay $0x7  }
0x2c: {  	[spmem:s3] =	stream.indirect_vreg.scatter.add.f32 [tilespmem:s4], [sflag:$0x3], $0x80, v0, vm0, $0xb8;
	[tilespmem:$0x14500] =	vst v63  }
0x2d: {  	v0 =	vld [tilespmem:$0x860];
	_ =	sdelay $0x7  }
0x2e: {  	[spmem:s3] =	stream.indirect_vreg.scatter.add.f32 [tilespmem:s4], [sflag:$0x3], $0x80, v0, vm0, $0xb8;
	[tilespmem:$0x14500] =	vst v63  }
0x2f: {  	v0 =	vld [tilespmem:$0x870];
	_ =	sdelay $0x2  }
0x30: {  	s22 =	sadd.s32 $0xFFFFFF80, s21  }
0x31: {  	s23 =	sand.u32 $0x7C00, s22  }
0x32: {  	s22 =	sand.u32 $0x300, s22;
	s23 =	sadd.s32 s6, s23  }
0x33: {  	s22 =	sor.u32 s22, s23  }
0x34: {  	s22 =	sshrl.u32 s22, $0x3  }
0x35: {  	[spmem:s3] =	stream.indirect_vreg.scatter.add.f32 [tilespmem:s4], [sflag:$0x3], $0x80, v0, vm0, $0xb8;
	[tilespmem:$0x14500] =	vst v63  }
0x36: {  	s22 =	sadd.s32 s2, s22  }
0x37: {  	[tilespmem:s15], [sflag:$0x1] =	stream.linear.gather [hbm4b:s22+s4], $0x80, $0x38;
	[tilespmem:$0x14500] =	vst v63  }
0x38: {  	_ =	swait.ge [sflag:s18], $0x80  }
0x39: {  	[sflag:s18] =	ssyncset.done $0x0  }
0x3a: {  	[sflag:s18] =	ssyncadd.s32 $0xFFFFFF80  }
0x3b: {  	v63 =	vld [tilespmem:$0x880];
	_ =	sdelay $0x7  }
0x3c: {  	[spmem:s3] =	stream.indirect_vreg.scatter.add.f32 [tilespmem:s4], [sflag:$0x3], $0x80, v63, vm0, $0xb8;
	[tilespmem:$0x14500] =	vst v63  }
0x3d: {  	v0 =	vld [tilespmem:$0x890];
	_ =	sdelay $0x7  }
0x3e: {  	[spmem:s3] =	stream.indirect_vreg.scatter.add.f32 [tilespmem:s4], [sflag:$0x3], $0x80, v0, vm0, $0xb8;
	[tilespmem:$0x14500] =	vst v63  }
0x3f: {  	v0 =	vld [tilespmem:$0x8A0];
	_ =	sdelay $0x7  }
0x40: {  	[spmem:s3] =	stream.indirect_vreg.scatter.add.f32 [tilespmem:s4], [sflag:$0x3], $0x80, v0, vm0, $0xb8;
	[tilespmem:$0x14500] =	vst v63  }
0x41: {  	v0 =	vld [tilespmem:$0x8B0];
	_ =	sdelay $0x7  }
0x42: {  	[spmem:s3] =	stream.indirect_vreg.scatter.add.f32 [tilespmem:s4], [sflag:$0x3], $0x80, v0, vm0, $0xb8;
	[tilespmem:$0x14500] =	vst v63  }
0x43: {  	v0 =	vld [tilespmem:$0x8C0];
	_ =	sdelay $0x7  }
0x44: {  	[spmem:s3] =	stream.indirect_vreg.scatter.add.f32 [tilespmem:s4], [sflag:$0x3], $0x80, v0, vm0, $0xb8;
	[tilespmem:$0x14500] =	vst v63  }
0x45: {  	v0 =	vld [tilespmem:$0x8D0];
	_ =	sdelay $0x7  }
0x46: {  	[spmem:s3] =	stream.indirect_vreg.scatter.add.f32 [tilespmem:s4], [sflag:$0x3], $0x80, v0, vm0, $0xb8;
	[tilespmem:$0x14500] =	vst v63  }
0x47: {  	v0 =	vld [tilespmem:$0x8E0];
	_ =	sdelay $0x7  }
0x48: {  	[spmem:s3] =	stream.indirect_vreg.scatter.add.f32 [tilespmem:s4], [sflag:$0x3], $0x80, v0, vm0, $0xb8;
	[tilespmem:$0x14500] =	vst v63  }
0x49: {  	v0 =	vld [tilespmem:$0x8F0];
	_ =	sdelay $0x3  }
0x4a: {  	s30 =	sand.u32 $0x7C00, s21  }
0x4b: {  	s31 =	sand.u32 $0x380, s21;
	p0 =	sne.s32 s21, $0x2780;
	s22 =	sadd.s32 s6, s30  }
.Ltmp0:
0x4c: {  	s22 =	sor.u32 s31, s22;
	(pc) =	sbr.rel @p0 .LBB2_2-.Ltmp0, $4  }
0x4d: {  	s22 =	sshrl.u32 s22, $0x3  }
0x4e: {  	[spmem:s3] =	stream.indirect_vreg.scatter.add.f32 [tilespmem:s4], [sflag:$0x3], $0x80, v0, vm0, $0xb8;
	[tilespmem:$0x14500] =	vst v63  }
0x4f: {  	s21 =	sadd.s32 $0x100, s21;
	s22 =	sadd.s32 s2, s22  }
0x50: {  	[tilespmem:s16], [sflag:$0x2] =	stream.linear.gather [hbm4b:s22+s4], $0x80, $0x38;
	[tilespmem:$0x14500] =	vst v63  }
0x51: {  	_ =	swait.ge [sflag:s17], $0x80  }
0x52: {  	[sflag:s17] =	ssyncset.done $0x0  }
0x53: {  	[sflag:s17] =	ssyncadd.s32 $0xFFFFFF80  }
0x54: {  	v0 =	vld [tilespmem:$0x800];
	_ =	sdelay $0x7  }
0x55: {  	[spmem:s3] =	stream.indirect_vreg.scatter.add.f32 [tilespmem:s4], [sflag:$0x3], $0x80, v0, vm0, $0xb8;
	[tilespmem:$0x14500] =	vst v63  }
0x56: {  	v0 =	vld [tilespmem:$0x810];
	_ =	sdelay $0x7  }
0x57: {  	[spmem:s3] =	stream.indirect_vreg.scatter.add.f32 [tilespmem:s4], [sflag:$0x3], $0x80, v0, vm0, $0xb8;
	[tilespmem:$0x14500] =	vst v63  }
0x58: {  	v0 =	vld [tilespmem:$0x820];
	_ =	sdelay $0x7  }
0x59: {  	[spmem:s3] =	stream.indirect_vreg.scatter.add.f32 [tilespmem:s4], [sflag:$0x3], $0x80, v0, vm0, $0xb8;
	[tilespmem:$0x14500] =	vst v63  }
0x5a: {  	v0 =	vld [tilespmem:$0x830];
	_ =	sdelay $0x7  }
0x5b: {  	[spmem:s3] =	stream.indirect_vreg.scatter.add.f32 [tilespmem:s4], [sflag:$0x3], $0x80, v0, vm0, $0xb8;
	[tilespmem:$0x14500] =	vst v63  }
0x5c: {  	v0 =	vld [tilespmem:$0x840];
	_ =	sdelay $0x7  }
0x5d: {  	[spmem:s3] =	stream.indirect_vreg.scatter.add.f32 [tilespmem:s4], [sflag:$0x3], $0x80, v0, vm0, $0xb8;
	[tilespmem:$0x14500] =	vst v63  }
0x5e: {  	v0 =	vld [tilespmem:$0x850];
	_ =	sdelay $0x7  }
0x5f: {  	[spmem:s3] =	stream.indirect_vreg.scatter.add.f32 [tilespmem:s4], [sflag:$0x3], $0x80, v0, vm0, $0xb8;
	[tilespmem:$0x14500] =	vst v63  }
0x60: {  	v0 =	vld [tilespmem:$0x860];
	_ =	sdelay $0x7  }
0x61: {  	[spmem:s3] =	stream.indirect_vreg.scatter.add.f32 [tilespmem:s4], [sflag:$0x3], $0x80, v0, vm0, $0xb8;
	[tilespmem:$0x14500] =	vst v63  }
0x62: {  	v0 =	vld [tilespmem:$0x870];
	_ =	sdelay $0x7  }
0x63: {  	[spmem:s3] =	stream.indirect_vreg.scatter.add.f32 [tilespmem:s4], [sflag:$0x3], $0x80, v0, vm0, $0xb8;
	[tilespmem:$0x14500] =	vst v63  }
0x64: {  	_ =	swait.ge [sflag:s18], $0x80  }
0x65: {  	[sflag:s18] =	ssyncset.done $0x0  }
0x66: {  	[sflag:s18] =	ssyncadd.s32 $0xFFFFFF80  }
0x67: {  	v63 =	vld [tilespmem:$0x880];
	_ =	sdelay $0x7  }
0x68: {  	[spmem:s3] =	stream.indirect_vreg.scatter.add.f32 [tilespmem:s4], [sflag:$0x3], $0x80, v63, vm0, $0xb8;
	[tilespmem:$0x14500] =	vst v63  }
0x69: {  	v0 =	vld [tilespmem:$0x890];
	_ =	sdelay $0x7  }
0x6a: {  	[spmem:s3] =	stream.indirect_vreg.scatter.add.f32 [tilespmem:s4], [sflag:$0x3], $0x80, v0, vm0, $0xb8;
	[tilespmem:$0x14500] =	vst v63  }
0x6b: {  	v0 =	vld [tilespmem:$0x8A0];
	_ =	sdelay $0x7  }
0x6c: {  	[spmem:s3] =	stream.indirect_vreg.scatter.add.f32 [tilespmem:s4], [sflag:$0x3], $0x80, v0, vm0, $0xb8;
	[tilespmem:$0x14500] =	vst v63  }
0x6d: {  	v0 =	vld [tilespmem:$0x8B0];
	_ =	sdelay $0x7  }
0x6e: {  	[spmem:s3] =	stream.indirect_vreg.scatter.add.f32 [tilespmem:s4], [sflag:$0x3], $0x80, v0, vm0, $0xb8;
	[tilespmem:$0x14500] =	vst v63  }
0x6f: {  	v0 =	vld [tilespmem:$0x8C0];
	_ =	sdelay $0x7  }
0x70: {  	[spmem:s3] =	stream.indirect_vreg.scatter.add.f32 [tilespmem:s4], [sflag:$0x3], $0x80, v0, vm0, $0xb8;
	[tilespmem:$0x14500] =	vst v63  }
0x71: {  	v0 =	vld [tilespmem:$0x8D0];
	_ =	sdelay $0x7  }
0x72: {  	[spmem:s3] =	stream.indirect_vreg.scatter.add.f32 [tilespmem:s4], [sflag:$0x3], $0x80, v0, vm0, $0xb8;
	[tilespmem:$0x14500] =	vst v63  }
0x73: {  	v0 =	vld [tilespmem:$0x8E0];
	_ =	sdelay $0x7  }
0x74: {  	[spmem:s3] =	stream.indirect_vreg.scatter.add.f32 [tilespmem:s4], [sflag:$0x3], $0x80, v0, vm0, $0xb8;
	[tilespmem:$0x14500] =	vst v63  }
0x75: {  	v0 =	vld [tilespmem:$0x8F0];
	_ =	sdelay $0x7  }
0x76: {  	[spmem:s3] =	stream.indirect_vreg.scatter.add.f32 [tilespmem:s4], [sflag:$0x3], $0x80, v0, vm0, $0xb8;
	[tilespmem:$0x14500] =	vst v63  }
0x77: {  	_ =	swait.ge [sflag:s19], $0x800  }
0x78: {  	s21 =	simm.s32 $0x27F;
	[sflag:s19] =	ssyncset.done $0x0  }
.LBB2_4:
0x79: {  	p0 =	sne.s32 s21, $0x1;
	s21 =	sadd.s32 $0xFFFFFFFF, s21;
	[sflag:s19] =	ssyncadd.s32 $0xFFFFF800  }
.Ltmp1:
0x7a: {  	(pc) =	sbr.rel @p0 .LBB2_4-.Ltmp1, $3  }
0x7b: {  	_ =	sdelay $0x1  }
0x7c: {  	_ =	swait.ge [sflag:s19], $0x800  }
0x7d: {  	[sflag:s19] =	ssyncset.done $0x0  }
0x7e: {  	s20 =	sadd.s32 $0x1, s20  }
0x7f: {  	[sflag:s19] =	ssyncadd.s32 $0xFFFFF800;
	p0 =	sne.s32 s20, s11  }
.Ltmp2:
0x80: {  	[bflag:$0x0] =	sbarrier.arrive $0xFFFF;
	(pc) =	sbr.rel @p0 .LBB2_1-.Ltmp2, $4  }
0x81: {  	[hbm:s10], [sflag:s13] =	dma.local [spmem:s14], $0x2780  }
0x82: {  	_ =	swait.ge [sflag:s12], $0x2780  }
0x83: {  	[sflag:s12] =	ssyncset.done $0x0  }
0x84: {  	[sflag:s12] =	ssyncadd.s32 $0xFFFFD880  }
0x85: {  	_ =	sfence.sel $0x180000  }
0x86: {  	[bflag:$0x0] =	sbarrier.arrive $0xFFFF  }
0x87: {  	p0 =	sne.s32 s1, $0x0;
	_ =	strace $0x90000047  }
0x88: {  	s0 =	sadd.s32 @!p0 $0x100000, s0;
	[bflag:$0x2] =	sbarrier.arrive $0xFFFF  }
0x89: {  	[sflag:s0] =	ssyncadd.tile.s32 @!p0 $0x1;
	_ =	shalt  }
.Lfunc_end2:
_tile_overlayer_lowered:
.L_overlay_start_2:
0x8a: {  	(tag) =	ssettag $0x2  }
0x8b: {  	s0 =	rddreg [dreg:$0x0];
	s2 =	stileid.u32  }
0x8c: {  	s1 =	rddreg [dreg:$0x1];
	p0 =	sne.s32 s2, $0x0  }
0x8d: {  	s3 =	rddreg [dreg:$0x2];
	[bflag:$0x3] =	sbarrier.arrive $0xFFFF;
	s2 =	simm.s32 @!p0 $0x1C05  }
0x8e: {  	[timem:s3], [sflag:s2] =	dma.local @!p0 [hbm:s0], s1  }
0x8f: {  	s0 =	simm.s32 @!p0 $0x5  }
0x90: {  	_ =	swait.ge @!p0 [sflag:s0], s1  }
0x91: {  	s1 =	ssub.s32 @!p0 $0x0, s1;
	[sflag:s0] =	ssyncset.done @!p0 $0x0  }
0x92: {  	[sflag:s0] =	ssyncadd.s32 @!p0 s1  }
0x93: {  	[bflag:$0x3] =	sbarrier.arrive $0xFFFF  }
0x94: {  	_ =	shalt  }

</sc_bundles>
